<compile_context>
chip_gen: v7x
topology: tpu7x:2x2x1
jax: 0.10.2.dev20260603
libtpu: 0.0.44.dev20260713+nightly
codegen_flags: <defaults>
</compile_context>

<pallas_src>
import functools

import jax
import jax.numpy as jnp
from jax import lax
from jax.experimental import pallas as pl
from jax.experimental.pallas import tpu as pltpu
from jax.experimental.pallas import tpu_sc as plsc

N = 10000
L = 160000
EDGE_NUM = 20000
H = 8
C = 16
D = H * C
LA, LU, LI = 120000, 20000, 20000

NC = 2
NS = 16
NW = NC * NS

_MESH = dict(core_axis_name="c", subcore_axis_name="s")


def _gather_rows(table, idx, ch):
    B = idx.shape[0]
    Dt = table.shape[1]
    nchunks = B // ch
    rounds = -(-nchunks // NW)

    @functools.partial(
        pl.kernel,
        out_type=jax.ShapeDtypeStruct((B, Dt), jnp.float32),
        mesh=plsc.VectorSubcoreMesh(**_MESH),
        scratch_types=[
            pltpu.VMEM((ch,), jnp.int32),
            pltpu.VMEM((ch, Dt), jnp.float32),
            pltpu.SemaphoreType.DMA,
        ],
    )
    def k(table_hbm, idx_hbm, out_hbm, idx_v, rows_v, sem):
        wid = lax.axis_index("s") * NC + lax.axis_index("c")

        def body(r, carry):
            ci = r * NW + wid

            @pl.when(ci < nchunks)
            def _():
                base = ci * ch
                pltpu.sync_copy(idx_hbm.at[pl.ds(base, ch)], idx_v)
                pltpu.async_copy(table_hbm.at[idx_v], rows_v, sem).wait()
                pltpu.sync_copy(rows_v, out_hbm.at[pl.ds(base, ch)])

            return carry

        lax.fori_loop(0, rounds, body, 0)

    return k(table, idx)


def _scatter_add(rows, idx, eb, ch):
    B, Dt = rows.shape
    nchunks = B // ch
    rounds = -(-nchunks // NS)
    stripe = eb // NS
    zeros = jnp.zeros((eb, Dt), jnp.float32)

    @functools.partial(
        pl.kernel,
        out_type=jax.ShapeDtypeStruct((eb, Dt), jnp.float32),
        mesh=plsc.VectorSubcoreMesh(**_MESH),
        scratch_types=[
            pltpu.VMEM((ch,), jnp.int32),
            pltpu.VMEM((ch, Dt), jnp.float32),
            pltpu.VMEM_SHARED((eb, Dt), jnp.float32),
            pltpu.SemaphoreType.DMA,
        ],
    )
    def k(zero_hbm, rows_hbm, idx_hbm, out_hbm, idx_v, rows_v, acc, sem):
        cid = lax.axis_index("c")
        sid = lax.axis_index("s")

        @pl.when(cid == 0)
        def _():
            pltpu.sync_copy(zero_hbm.at[pl.ds(sid * stripe, stripe)],
                            acc.at[pl.ds(sid * stripe, stripe)])
            plsc.subcore_barrier()

            def body(r, carry):
                ci = r * NS + sid

                @pl.when(ci < nchunks)
                def _():
                    base = ci * ch
                    pltpu.sync_copy(idx_hbm.at[pl.ds(base, ch)], idx_v)
                    pltpu.sync_copy(rows_hbm.at[pl.ds(base, ch)], rows_v)
                    pltpu.sync_copy(rows_v, acc.at[idx_v], add=True)

                return carry

            lax.fori_loop(0, rounds, body, 0)
            plsc.subcore_barrier()
            pltpu.sync_copy(acc.at[pl.ds(sid * stripe, stripe)],
                            out_hbm.at[pl.ds(sid * stripe, stripe)])

    return k(zeros, rows, idx)


def _matmul(X, W, b):
    bn = 1000

    def body(x_ref, w_ref, b_ref, o_ref):
        acc = lax.dot_general(x_ref[...], w_ref[...],
                              (((1,), (1,)), ((), ())),
                              preferred_element_type=jnp.float32)
        o_ref[...] = acc + b_ref[...]

    return pl.pallas_call(
        body,
        grid=(N // bn,),
        in_specs=[
            pl.BlockSpec((bn, X.shape[1]), lambda i: (i, 0)),
            pl.BlockSpec(W.shape, lambda i: (0, 0)),
            pl.BlockSpec((1, D), lambda i: (0, 0)),
        ],
        out_specs=pl.BlockSpec((bn, D), lambda i: (i, 0)),
        out_shape=jax.ShapeDtypeStruct((N, D), jnp.float32),
    )(X, W, b)


def _split_edge_idx(edges2d, half):
    def body(e_ref, o1_ref, o2_ref):
        e = e_ref[...]
        o1_ref[...] = jnp.where(e < half, e, half)
        o2_ref[...] = jnp.where(e >= half, e - half, half)

    rows = edges2d.shape[0]
    return pl.pallas_call(
        body,
        grid=(1,),
        in_specs=[pl.BlockSpec((rows, 128), lambda i: (0, 0))],
        out_specs=[pl.BlockSpec((rows, 128), lambda i: (0, 0))] * 2,
        out_shape=[jax.ShapeDtypeStruct(edges2d.shape, jnp.int32)] * 2,
    )(edges2d)


def _edge_logits(Xve, att_e):
    bl = 2000

    def body(x_ref, a_ref, o_ref):
        x = x_ref[...].reshape(bl, H, C)
        s = jnp.sum(x * a_ref[...][None], axis=2)
        s = jnp.where(s > 0, s, 0.2 * s)
        e = jnp.exp(s)
        o_ref[...] = jnp.concatenate(
            [e, jnp.zeros((bl, 128 - H), jnp.float32)], axis=1)

    return pl.pallas_call(
        body,
        grid=(L // bl,),
        in_specs=[
            pl.BlockSpec((bl, D), lambda i: (i, 0)),
            pl.BlockSpec((H, C), lambda i: (0, 0)),
        ],
        out_specs=pl.BlockSpec((bl, 128), lambda i: (i, 0)),
        out_shape=jax.ShapeDtypeStruct((L, 128), jnp.float32),
    )(Xve, att_e)


def _mul_rows(Xfeat, w):
    bl = 2000

    def body(x_ref, w_ref, o_ref):
        beta = w_ref[...][:, :H]
        x = x_ref[...].reshape(bl, H, C)
        o_ref[...] = (x * beta[:, :, None]).reshape(bl, D)

    return pl.pallas_call(
        body,
        grid=(L // bl,),
        in_specs=[
            pl.BlockSpec((bl, D), lambda i: (i, 0)),
            pl.BlockSpec((bl, 128), lambda i: (i, 0)),
        ],
        out_specs=pl.BlockSpec((bl, D), lambda i: (i, 0)),
        out_shape=jax.ShapeDtypeStruct((L, D), jnp.float32),
    )(Xfeat, w)


def _div_seg(agg, den):
    rows = agg.shape[0]
    bl = 2000

    def body(x_ref, d_ref, o_ref):
        d = d_ref[...][:, :H] + 1e-16
        x = x_ref[...].reshape(bl, H, C)
        o_ref[...] = (x / d[:, :, None]).reshape(bl, D)

    return pl.pallas_call(
        body,
        grid=(rows // bl,),
        in_specs=[
            pl.BlockSpec((bl, D), lambda i: (i, 0)),
            pl.BlockSpec((bl, 128), lambda i: (i, 0)),
        ],
        out_specs=pl.BlockSpec((bl, D), lambda i: (i, 0)),
        out_shape=jax.ShapeDtypeStruct((rows, D), jnp.float32),
    )(agg, den)


def _class_dots(XeCls, a_asp, a_usr, a_itm):
    bl = 2000
    nb_a, nb_u = LA // bl, (LA + LU) // bl

    def body(x_ref, aa_ref, au_ref, ai_ref, o_ref):
        pid = pl.program_id(0)
        att = jnp.where(pid < nb_a, aa_ref[...],
                        jnp.where(pid < nb_u, au_ref[...], ai_ref[...]))
        x = x_ref[...].reshape(bl, H, C)
        s = jnp.sum(x * att[None], axis=2)
        o_ref[...] = jnp.concatenate(
            [s, jnp.zeros((bl, 128 - H), jnp.float32)], axis=1)

    spec_a = pl.BlockSpec((H, C), lambda i: (0, 0))
    return pl.pallas_call(
        body,
        grid=(L // bl,),
        in_specs=[pl.BlockSpec((bl, D), lambda i: (i, 0)),
                  spec_a, spec_a, spec_a],
        out_specs=pl.BlockSpec((bl, 128), lambda i: (i, 0)),
        out_shape=jax.ShapeDtypeStruct((L, 128), jnp.float32),
    )(XeCls, a_asp, a_usr, a_itm)


def _vertex_logits(Sel):
    bl = 2000
    br = bl * H

    def body(s_ref, o_ref):
        s = s_ref[...]
        col = lax.broadcasted_iota(jnp.int32, (br, 128), 1)
        row = lax.broadcasted_iota(jnp.int32, (br, 128), 0)
        a = jnp.sum(jnp.where(col == row % H, s, 0.0), axis=1)
        a = a.reshape(bl, H)
        a = jnp.where(a > 0, a, 0.2 * a)
        e = jnp.exp(a)
        o_ref[...] = jnp.concatenate(
            [e, jnp.zeros((bl, 128 - H), jnp.float32)], axis=1)

    return pl.pallas_call(
        body,
        grid=(L // bl,),
        in_specs=[pl.BlockSpec((br, 128), lambda i: (i, 0))],
        out_specs=pl.BlockSpec((bl, 128), lambda i: (i, 0)),
        out_shape=jax.ShapeDtypeStruct((L, 128), jnp.float32),
    )(Sel)


def _div_relu(Xv, den):
    bl = 2000

    def body(x_ref, d_ref, o_ref):
        d = d_ref[...][:, :H] + 1e-16
        x = x_ref[...].reshape(bl, H, C)
        o_ref[...] = jnp.maximum((x / d[:, :, None]).reshape(bl, D), 0.0)

    return pl.pallas_call(
        body,
        grid=(N // bl,),
        in_specs=[
            pl.BlockSpec((bl, D), lambda i: (i, 0)),
            pl.BlockSpec((bl, 128), lambda i: (i, 0)),
        ],
        out_specs=pl.BlockSpec((bl, D), lambda i: (i, 0)),
        out_shape=jax.ShapeDtypeStruct((N, D), jnp.float32),
    )(Xv, den)


def kernel(X, vertex, edges, V_class_index, V_class_index_aspect,
           V_class_index_user, V_class_index_item,
           W_w, W_b, att_v_user, att_v_item, att_v_aspect, att_e):
    half = EDGE_NUM // 2
    ebn = 10112

    X0 = _matmul(X, W_w, W_b.reshape(1, D))
    idx1_2d, idx2_2d = _split_edge_idx(edges.reshape(L // 128, 128), half)
    idx1, idx2 = idx1_2d.reshape(L), idx2_2d.reshape(L)

    Xve = _gather_rows(X0, vertex, 320)
    w1 = _edge_logits(Xve, att_e.reshape(H, C))
    D1a = _scatter_add(w1, idx1, ebn, 320)
    D1b = _scatter_add(w1, idx2, ebn, 320)
    Y = _mul_rows(Xve, w1)
    A1 = _scatter_add(Y, idx1, ebn, 320)
    A2 = _scatter_add(Y, idx2, ebn, 320)
    Xe_agg = _div_seg(jnp.concatenate([A1[:half], A2[:half]], axis=0),
                      jnp.concatenate([D1a[:half], D1b[:half]], axis=0))
    Xe = _gather_rows(Xe_agg, edges, 320)

    cls_idx = jnp.concatenate(
        [V_class_index_aspect, V_class_index_user, V_class_index_item])
    XeCls = _gather_rows(Xe, cls_idx, 320)
    XeAll = _class_dots(XeCls, att_v_aspect.reshape(H, C),
                        att_v_user.reshape(H, C),
                        att_v_item.reshape(H, C))
    Sel = _gather_rows(XeAll, V_class_index.reshape(L * H), 320)
    w2 = _vertex_logits(Sel)
    D2 = _scatter_add(w2, vertex, ebn, 320)
    Z = _mul_rows(Xe, w2)
    Xv = _scatter_add(Z, vertex, ebn, 320)
    return _div_relu(Xv[:N], D2[:N])

# --- scband reference (transcript-rebuilt; emitter-appended) ---
"""Pipeline reference for scband-hhgnn-79242146611943 (READ-ONLY COPY).

The authoritative reference and input builder live on the scoring server;
editing this copy changes nothing except your own understanding.
"""

import jax, jax.numpy as jnp
import numpy as np

N = 10000
L = 160000
EDGE_NUM = 20000
H = 8
C = 16
IN_CH = 128
LA, LU, LI = 120000, 20000, 20000


def _seg_softmax(src, index, num_segments):
    smax = jax.ops.segment_max(src, index, num_segments=num_segments)
    smax = jnp.where(jnp.isfinite(smax), smax, 0.0)
    out = jnp.exp(src - smax[index])
    denom = jax.ops.segment_sum(out, index, num_segments=num_segments)
    return out / (denom[index] + 1e-16)


def setup_inputs(seed: int = 0):
    key = jax.random.key(seed)
    ks = jax.random.split(key, 12)
    X = jax.random.normal(ks[0], (N, IN_CH), dtype=jnp.float32)
    vertex = jax.random.randint(ks[1], (L,), 0, N, dtype=jnp.int32)
    edges = jax.random.randint(ks[2], (L,), 0, EDGE_NUM, dtype=jnp.int32)
    V_class_index = jax.random.randint(ks[3], (L, H), 0, L, dtype=jnp.int32)
    V_class_index_aspect = jax.random.randint(ks[4], (LA,), 0, L, dtype=jnp.int32)
    V_class_index_user = jax.random.randint(ks[5], (LU,), 0, L, dtype=jnp.int32)
    V_class_index_item = jax.random.randint(ks[6], (LI,), 0, L, dtype=jnp.int32)
    stdv_w = (6.0 / (IN_CH + H * C)) ** 0.5
    W_w = jax.random.uniform(ks[7], (H * C, IN_CH), dtype=jnp.float32, minval=-stdv_w, maxval=stdv_w)
    W_b = jnp.zeros((H * C,), dtype=jnp.float32)
    stdv_a = (6.0 / (H + C)) ** 0.5
    att_v_user = jax.random.uniform(ks[8], (1, H, C), dtype=jnp.float32, minval=-stdv_a, maxval=stdv_a)
    att_v_item = jax.random.uniform(ks[9], (1, H, C), dtype=jnp.float32, minval=-stdv_a, maxval=stdv_a)
    att_v_aspect = jax.random.uniform(ks[10], (1, H, C), dtype=jnp.float32, minval=-stdv_a, maxval=stdv_a)
    att_e = jax.random.uniform(ks[11], (1, H, C), dtype=jnp.float32, minval=-stdv_a, maxval=stdv_a)
    return {
        'X': X, 'vertex': vertex, 'edges': edges,
        'V_class_index': V_class_index,
        'V_class_index_aspect': V_class_index_aspect,
        'V_class_index_user': V_class_index_user,
        'V_class_index_item': V_class_index_item,
        'W_w': W_w, 'W_b': W_b,
        'att_v_user': att_v_user, 'att_v_item': att_v_item,
        'att_v_aspect': att_v_aspect, 'att_e': att_e,
    }


def reference(X, vertex, edges, V_class_index, V_class_index_aspect,
              V_class_index_user, V_class_index_item,
              W_w, W_b, att_v_user, att_v_item, att_v_aspect, att_e):
    # X0 = W(X); view(N, H, C)
    X0 = X @ W_w.T + W_b
    Xr = X0.reshape(N, H, C)
    # node -> incidence gather
    Xve = Xr[vertex]                                    # [L, H, C]
    # edge-level attention
    X_e = (Xve * att_e).sum(-1)                         # [L, H]
    beta = jax.nn.leaky_relu(X_e, 0.2)
    beta = _seg_softmax(beta, edges, EDGE_NUM)
    beta = beta[:, :, None]
    # scatter-sum incidences into hyperedges
    Xe_agg = jax.ops.segment_sum(Xve * beta, edges, num_segments=EDGE_NUM)  # [EDGE_NUM, H, C]
    # hyperedge -> incidence gather
    Xe = Xe_agg[edges]                                  # [L, H, C]
    # class-specific vertex attention
    Xe_aspect = (jnp.take(Xe, V_class_index_aspect, axis=0) * att_v_aspect).sum(-1)  # [LA, H]
    Xe_user = (jnp.take(Xe, V_class_index_user, axis=0) * att_v_user).sum(-1)        # [LU, H]
    Xe_item = (jnp.take(Xe, V_class_index_item, axis=0) * att_v_item).sum(-1)        # [LI, H]
    Xe_all = jnp.concatenate((Xe_aspect, Xe_user, Xe_item), axis=0)                  # [L, H]
    # gather along dim 0
    alpha_e = jnp.take_along_axis(Xe_all, V_class_index, axis=0)                     # [L, H]
    alpha = jax.nn.leaky_relu(alpha_e, 0.2)
    alpha = _seg_softmax(alpha, vertex, N)
    alpha = alpha[:, :, None]
    # scatter-sum incidences back into nodes
    Xv = jax.ops.segment_sum(Xe * alpha, vertex, num_segments=N)                     # [N, H, C]
    Xv = Xv.reshape(N, H * C)
    return jax.nn.relu(Xv)

if __name__ == "__main__":
    import jax
    _d = setup_inputs()
    print(jax.jit(kernel)(*tuple(_d.values())))

</pallas_src>

<mosaic_0001>
#map = affine_map<(d0, d1) -> (0, 0)>
#map1 = affine_map<(d0, d1) -> (0)>
module attributes {stable_mosaic.version = 14 : i64} {
  func.func @k(%arg0: i32, %arg1: i32, %arg2: memref<10112x128xf32, #tpu.memory_space<hbm>>, %arg3: memref<160000x128xf32, #tpu.memory_space<hbm>>, %arg4: memref<160000xi32, #tpu.memory_space<hbm>>, %arg5: memref<10112x128xf32, #tpu.memory_space<hbm>>, %arg6: memref<320xi32, #tpu.memory_space<vmem>>, %arg7: memref<320x128xf32, #tpu.memory_space<vmem>>, %arg8: memref<10112x128xf32, #tpu.memory_space<vmem_shared>>, %arg9: memref<!tpu.dma_semaphore, #tpu.memory_space<semaphore_mem>>) attributes {dimension_semantics = [#tpu.dimension_semantics<core_parallel>, #tpu.dimension_semantics<subcore_parallel>], iteration_bounds = array<i64: 2, 16>, scalar_prefetch = 0 : i64, scratch_operands = 4 : i64, tpu.core_type = #tpu.core_type<sc_vector_subcore>, window_params = [{transform_indices = #map}, {transform_indices = #map}, {transform_indices = #map1}, {transform_indices = #map}]} {
    %eq3A = arith.constant 0 : i32
    %eq3A_0 = arith.cmpi eq, %arg0, %eq3A : i32
    %convert_element_type3A = arith.extui %eq3A_0 : i1 to i32
    %cond3A = arith.constant 0 : i32
    %cond3A_1 = arith.cmpi ne, %convert_element_type3A, %cond3A : i32
    scf.if %cond3A_1 {
      %mul3A = arith.constant 632 : i32
      %mul3A_2 = arith.muli %arg1, %mul3A : i32
      %mul3A_3 = arith.constant 632 : i32
      %mul3A_4 = arith.muli %arg1, %mul3A_3 : i32
      "tpu.region"() ({
        %run_scoped3A = tpu.sem_alloc : memref<!tpu.dma_semaphore, #tpu.memory_space<semaphore_mem>>
        %dma_start3A = arith.constant 0 : i32
        %dma_start3A_15 = tpu.memref_slice %arg8[%mul3A_4, %dma_start3A] : memref<10112x128xf32, #tpu.memory_space<vmem_shared>> -> memref<632x128xf32, #tpu.memory_space<vmem_shared>>
        %dma_start3A_16 = arith.constant 0 : i32
        %dma_start3A_17 = tpu.memref_slice %arg2[%mul3A_2, %dma_start3A_16] : memref<10112x128xf32, #tpu.memory_space<hbm>> -> memref<632x128xf32, #tpu.memory_space<hbm>>
        tpu.enqueue_dma source(%dma_start3A_17 : memref<632x128xf32, #tpu.memory_space<hbm>>) target(%dma_start3A_15 : memref<632x128xf32, #tpu.memory_space<vmem_shared>>) target_semaphore(%run_scoped3A : memref<!tpu.dma_semaphore, #tpu.memory_space<semaphore_mem>>)
        %dma_wait3A = arith.constant 0 : i32
        %dma_wait3A_18 = tpu.memref_slice %arg8[%mul3A_4, %dma_wait3A] : memref<10112x128xf32, #tpu.memory_space<vmem_shared>> -> memref<632x128xf32, #tpu.memory_space<vmem_shared>>
        %dma_wait3A_19 = arith.constant 0 : i32
        %dma_wait3A_20 = tpu.memref_slice %arg2[%mul3A_2, %dma_wait3A_19] : memref<10112x128xf32, #tpu.memory_space<hbm>> -> memref<632x128xf32, #tpu.memory_space<hbm>>
        tpu.wait_dma2 semaphore(%run_scoped3A : memref<!tpu.dma_semaphore, #tpu.memory_space<semaphore_mem>>) src(%dma_wait3A_20 : memref<632x128xf32, #tpu.memory_space<hbm>>) dst(%dma_wait3A_18 : memref<632x128xf32, #tpu.memory_space<vmem_shared>>)
        tpu.yield
      }) : () -> ()
      %barrier3A = arith.constant 0 : index
      tpu.barrier barrier_id(%barrier3A)
      %scan3A = arith.constant 0 : i32
      %scan3A_5 = arith.constant 0 : i32
      %scan3A_6 = arith.constant 32 : i32
      %scan3A_7 = arith.addi %scan3A_5, %scan3A_6 : i32
      %scan3A_8 = arith.constant 1 : i32
      scf.for %scan3A_15 = %scan3A_5 to %scan3A_7 step %scan3A_8  : i32 {
        %mul3A_16 = arith.constant 16 : i32
        %mul3A_17 = arith.muli %scan3A_15, %mul3A_16 : i32
        %add3A = arith.addi %mul3A_17, %arg1 : i32
        %lt3A = arith.constant 500 : i32
        %lt3A_18 = arith.cmpi slt, %add3A, %lt3A : i32
        %convert_element_type3A_19 = arith.extui %lt3A_18 : i1 to i32
        %cond3A_20 = arith.constant 0 : i32
        %cond3A_21 = arith.cmpi ne, %convert_element_type3A_19, %cond3A_20 : i32
        scf.if %cond3A_21 {
          %mul3A_22 = arith.constant 320 : i32
          %mul3A_23 = arith.muli %add3A, %mul3A_22 : i32
          "tpu.region"() ({
            %run_scoped3A = tpu.sem_alloc : memref<!tpu.dma_semaphore, #tpu.memory_space<semaphore_mem>>
            %dma_start3A = tpu.memref_slice %arg4[%mul3A_23] : memref<160000xi32, #tpu.memory_space<hbm>> -> memref<320xi32, #tpu.memory_space<hbm>>
            %dma_start3A_24 = tpu.memref_slice %arg4[%mul3A_23] : memref<160000xi32, #tpu.memory_space<hbm>> -> memref<320xi32, #tpu.memory_space<hbm>>
            tpu.enqueue_dma source(%dma_start3A_24 : memref<320xi32, #tpu.memory_space<hbm>>) target(%arg6 : memref<320xi32, #tpu.memory_space<vmem>>) target_semaphore(%run_scoped3A : memref<!tpu.dma_semaphore, #tpu.memory_space<semaphore_mem>>)
            %dma_wait3A = tpu.memref_slice %arg4[%mul3A_23] : memref<160000xi32, #tpu.memory_space<hbm>> -> memref<320xi32, #tpu.memory_space<hbm>>
            %dma_wait3A_25 = tpu.memref_slice %arg4[%mul3A_23] : memref<160000xi32, #tpu.memory_space<hbm>> -> memref<320xi32, #tpu.memory_space<hbm>>
            tpu.wait_dma2 semaphore(%run_scoped3A : memref<!tpu.dma_semaphore, #tpu.memory_space<semaphore_mem>>) src(%dma_wait3A_25 : memref<320xi32, #tpu.memory_space<hbm>>) dst(%arg6 : memref<320xi32, #tpu.memory_space<vmem>>)
            tpu.yield
          }) : () -> ()
          "tpu.region"() ({
            %run_scoped3A = tpu.sem_alloc : memref<!tpu.dma_semaphore, #tpu.memory_space<semaphore_mem>>
            %dma_start3A = arith.constant 0 : i32
            %dma_start3A_24 = tpu.memref_slice %arg3[%mul3A_23, %dma_start3A] : memref<160000x128xf32, #tpu.memory_space<hbm>> -> memref<320x128xf32, #tpu.memory_space<hbm>>
            %dma_start3A_25 = arith.constant 0 : i32
            %dma_start3A_26 = tpu.memref_slice %arg3[%mul3A_23, %dma_start3A_25] : memref<160000x128xf32, #tpu.memory_space<hbm>> -> memref<320x128xf32, #tpu.memory_space<hbm>>
            tpu.enqueue_dma source(%dma_start3A_26 : memref<320x128xf32, #tpu.memory_space<hbm>>) target(%arg7 : memref<320x128xf32, #tpu.memory_space<vmem>>) target_semaphore(%run_scoped3A : memref<!tpu.dma_semaphore, #tpu.memory_space<semaphore_mem>>)
            %dma_wait3A = arith.constant 0 : i32
            %dma_wait3A_27 = tpu.memref_slice %arg3[%mul3A_23, %dma_wait3A] : memref<160000x128xf32, #tpu.memory_space<hbm>> -> memref<320x128xf32, #tpu.memory_space<hbm>>
            %dma_wait3A_28 = arith.constant 0 : i32
            %dma_wait3A_29 = tpu.memref_slice %arg3[%mul3A_23, %dma_wait3A_28] : memref<160000x128xf32, #tpu.memory_space<hbm>> -> memref<320x128xf32, #tpu.memory_space<hbm>>
            tpu.wait_dma2 semaphore(%run_scoped3A : memref<!tpu.dma_semaphore, #tpu.memory_space<semaphore_mem>>) src(%dma_wait3A_29 : memref<320x128xf32, #tpu.memory_space<hbm>>) dst(%arg7 : memref<320x128xf32, #tpu.memory_space<vmem>>)
            tpu.yield
          }) : () -> ()
          "tpu.region"() ({
            %run_scoped3A = tpu.sem_alloc : memref<!tpu.dma_semaphore, #tpu.memory_space<semaphore_mem>>
            %dma_start3A = arith.constant 0 : i32
            %dma_start3A_24 = arith.constant 0 : i32
            %dma_start3A_25 = tpu.memref_slice %arg8[%dma_start3A, %dma_start3A_24] : memref<10112x128xf32, #tpu.memory_space<vmem_shared>> -> memref<10112x128xf32, #tpu.memory_space<vmem_shared>>
            tpu.enqueue_indirect_dma source(%arg7 : memref<320x128xf32, #tpu.memory_space<vmem>>) target(%dma_start3A_25 : memref<10112x128xf32, #tpu.memory_space<vmem_shared>>) offsets(%arg6 : memref<320xi32, #tpu.memory_space<vmem>>) semaphore(%run_scoped3A : memref<!tpu.dma_semaphore, #tpu.memory_space<semaphore_mem>>) {add = true}
            %dma_wait3A = arith.constant 0 : i32
            %dma_wait3A_26 = arith.constant 0 : i32
            %dma_wait3A_27 = tpu.memref_slice %arg8[%dma_wait3A, %dma_wait3A_26] : memref<10112x128xf32, #tpu.memory_space<vmem_shared>> -> memref<10112x128xf32, #tpu.memory_space<vmem_shared>>
            tpu.wait_indirect_dma semaphore(%run_scoped3A : memref<!tpu.dma_semaphore, #tpu.memory_space<semaphore_mem>>) src(%arg7 : memref<320x128xf32, #tpu.memory_space<vmem>>) dst(%dma_wait3A_27 : memref<10112x128xf32, #tpu.memory_space<vmem_shared>>)
            tpu.yield
          }) : () -> ()
        } else {
        }
      }
      %scan3A_9 = arith.constant 32 : i32
      %barrier3A_10 = arith.constant 0 : index
      tpu.barrier barrier_id(%barrier3A_10)
      %mul3A_11 = arith.constant 632 : i32
      %mul3A_12 = arith.muli %arg1, %mul3A_11 : i32
      %mul3A_13 = arith.constant 632 : i32
      %mul3A_14 = arith.muli %arg1, %mul3A_13 : i32
      "tpu.region"() ({
        %run_scoped3A = tpu.sem_alloc : memref<!tpu.dma_semaphore, #tpu.memory_space<semaphore_mem>>
        %dma_start3A = arith.constant 0 : i32
        %dma_start3A_15 = tpu.memref_slice %arg5[%mul3A_14, %dma_start3A] : memref<10112x128xf32, #tpu.memory_space<hbm>> -> memref<632x128xf32, #tpu.memory_space<hbm>>
        %dma_start3A_16 = arith.constant 0 : i32
        %dma_start3A_17 = tpu.memref_slice %arg8[%mul3A_12, %dma_start3A_16] : memref<10112x128xf32, #tpu.memory_space<vmem_shared>> -> memref<632x128xf32, #tpu.memory_space<vmem_shared>>
        tpu.enqueue_dma source(%dma_start3A_17 : memref<632x128xf32, #tpu.memory_space<vmem_shared>>) target(%dma_start3A_15 : memref<632x128xf32, #tpu.memory_space<hbm>>) target_semaphore(%run_scoped3A : memref<!tpu.dma_semaphore, #tpu.memory_space<semaphore_mem>>)
        %dma_wait3A = arith.constant 0 : i32
        %dma_wait3A_18 = tpu.memref_slice %arg5[%mul3A_14, %dma_wait3A] : memref<10112x128xf32, #tpu.memory_space<hbm>> -> memref<632x128xf32, #tpu.memory_space<hbm>>
        %dma_wait3A_19 = arith.constant 0 : i32
        %dma_wait3A_20 = tpu.memref_slice %arg8[%mul3A_12, %dma_wait3A_19] : memref<10112x128xf32, #tpu.memory_space<vmem_shared>> -> memref<632x128xf32, #tpu.memory_space<vmem_shared>>
        tpu.wait_dma2 semaphore(%run_scoped3A : memref<!tpu.dma_semaphore, #tpu.memory_space<semaphore_mem>>) src(%dma_wait3A_20 : memref<632x128xf32, #tpu.memory_space<vmem_shared>>) dst(%dma_wait3A_18 : memref<632x128xf32, #tpu.memory_space<hbm>>)
        tpu.yield
      }) : () -> ()
    } else {
    }
    return
  }
}

#map = affine_map<(d0, d1) -> (0, 0)>
#map1 = affine_map<(d0, d1) -> (0)>
module attributes {stable_mosaic.version = 14 : i64} {
  func.func @k(%arg0: i32, %arg1: i32, %arg2: memref<10112x128xf32, #tpu.memory_space<hbm>>, %arg3: memref<160000x128xf32, #tpu.memory_space<hbm>>, %arg4: memref<160000xi32, #tpu.memory_space<hbm>>, %arg5: memref<10112x128xf32, #tpu.memory_space<hbm>>, %arg6: memref<320xi32, #tpu.memory_space<vmem>>, %arg7: memref<320x128xf32, #tpu.memory_space<vmem>>, %arg8: memref<10112x128xf32, #tpu.memory_space<vmem_shared>>, %arg9: memref<!tpu.dma_semaphore, #tpu.memory_space<semaphore_mem>>) attributes {dimension_semantics = [#tpu.dimension_semantics<core_parallel>, #tpu.dimension_semantics<subcore_parallel>], iteration_bounds = array<i64: 2, 16>, scalar_prefetch = 0 : i64, scratch_operands = 4 : i64, tpu.core_type = #tpu.core_type<sc_vector_subcore>, window_params = [{transform_indices = #map}, {transform_indices = #map}, {transform_indices = #map1}, {transform_indices = #map}]} {
    %eq3A = arith.constant 0 : i32
    %eq3A_0 = arith.cmpi eq, %arg0, %eq3A : i32
    %convert_element_type3A = arith.extui %eq3A_0 : i1 to i32
    %cond3A = arith.constant 0 : i32
    %cond3A_1 = arith.cmpi ne, %convert_element_type3A, %cond3A : i32
    scf.if %cond3A_1 {
      %mul3A = arith.constant 632 : i32
      %mul3A_2 = arith.muli %arg1, %mul3A : i32
      %mul3A_3 = arith.constant 632 : i32
      %mul3A_4 = arith.muli %arg1, %mul3A_3 : i32
      "tpu.region"() ({
        %run_scoped3A = tpu.sem_alloc : memref<!tpu.dma_semaphore, #tpu.memory_space<semaphore_mem>>
        %dma_start3A = arith.constant 0 : i32
        %dma_start3A_15 = tpu.memref_slice %arg8[%mul3A_4, %dma_start3A] : memref<10112x128xf32, #tpu.memory_space<vmem_shared>> -> memref<632x128xf32, #tpu.memory_space<vmem_shared>>
        %dma_start3A_16 = arith.constant 0 : i32
        %dma_start3A_17 = tpu.memref_slice %arg2[%mul3A_2, %dma_start3A_16] : memref<10112x128xf32, #tpu.memory_space<hbm>> -> memref<632x128xf32, #tpu.memory_space<hbm>>
        tpu.enqueue_dma source(%dma_start3A_17 : memref<632x128xf32, #tpu.memory_space<hbm>>) target(%dma_start3A_15 : memref<632x128xf32, #tpu.memory_space<vmem_shared>>) target_semaphore(%run_scoped3A : memref<!tpu.dma_semaphore, #tpu.memory_space<semaphore_mem>>)
        %dma_wait3A = arith.constant 0 : i32
        %dma_wait3A_18 = tpu.memref_slice %arg8[%mul3A_4, %dma_wait3A] : memref<10112x128xf32, #tpu.memory_space<vmem_shared>> -> memref<632x128xf32, #tpu.memory_space<vmem_shared>>
        %dma_wait3A_19 = arith.constant 0 : i32
        %dma_wait3A_20 = tpu.memref_slice %arg2[%mul3A_2, %dma_wait3A_19] : memref<10112x128xf32, #tpu.memory_space<hbm>> -> memref<632x128xf32, #tpu.memory_space<hbm>>
        tpu.wait_dma2 semaphore(%run_scoped3A : memref<!tpu.dma_semaphore, #tpu.memory_space<semaphore_mem>>) src(%dma_wait3A_20 : memref<632x128xf32, #tpu.memory_space<hbm>>) dst(%dma_wait3A_18 : memref<632x128xf32, #tpu.memory_space<vmem_shared>>)
        tpu.yield
      }) : () -> ()
      %barrier3A = arith.constant 0 : index
      tpu.barrier barrier_id(%barrier3A)
      %scan3A = arith.constant 0 : i32
      %scan3A_5 = arith.constant 0 : i32
      %scan3A_6 = arith.constant 32 : i32
      %scan3A_7 = arith.addi %scan3A_5, %scan3A_6 : i32
      %scan3A_8 = arith.constant 1 : i32
      scf.for %scan3A_15 = %scan3A_5 to %scan3A_7 step %scan3A_8  : i32 {
        %mul3A_16 = arith.constant 16 : i32
        %mul3A_17 = arith.muli %scan3A_15, %mul3A_16 : i32
        %add3A = arith.addi %mul3A_17, %arg1 : i32
        %lt3A = arith.constant 500 : i32
        %lt3A_18 = arith.cmpi slt, %add3A, %lt3A : i32
        %convert_element_type3A_19 = arith.extui %lt3A_18 : i1 to i32
        %cond3A_20 = arith.constant 0 : i32
        %cond3A_21 = arith.cmpi ne, %convert_element_type3A_19, %cond3A_20 : i32
        scf.if %cond3A_21 {
          %mul3A_22 = arith.constant 320 : i32
          %mul3A_23 = arith.muli %add3A, %mul3A_22 : i32
          "tpu.region"() ({
            %run_scoped3A = tpu.sem_alloc : memref<!tpu.dma_semaphore, #tpu.memory_space<semaphore_mem>>
            %dma_start3A = tpu.memref_slice %arg4[%mul3A_23] : memref<160000xi32, #tpu.memory_space<hbm>> -> memref<320xi32, #tpu.memory_space<hbm>>
            %dma_start3A_24 = tpu.memref_slice %arg4[%mul3A_23] : memref<160000xi32, #tpu.memory_space<hbm>> -> memref<320xi32, #tpu.memory_space<hbm>>
            tpu.enqueue_dma source(%dma_start3A_24 : memref<320xi32, #tpu.memory_space<hbm>>) target(%arg6 : memref<320xi32, #tpu.memory_space<vmem>>) target_semaphore(%run_scoped3A : memref<!tpu.dma_semaphore, #tpu.memory_space<semaphore_mem>>)
            %dma_wait3A = tpu.memref_slice %arg4[%mul3A_23] : memref<160000xi32, #tpu.memory_space<hbm>> -> memref<320xi32, #tpu.memory_space<hbm>>
            %dma_wait3A_25 = tpu.memref_slice %arg4[%mul3A_23] : memref<160000xi32, #tpu.memory_space<hbm>> -> memref<320xi32, #tpu.memory_space<hbm>>
            tpu.wait_dma2 semaphore(%run_scoped3A : memref<!tpu.dma_semaphore, #tpu.memory_space<semaphore_mem>>) src(%dma_wait3A_25 : memref<320xi32, #tpu.memory_space<hbm>>) dst(%arg6 : memref<320xi32, #tpu.memory_space<vmem>>)
            tpu.yield
          }) : () -> ()
          "tpu.region"() ({
            %run_scoped3A = tpu.sem_alloc : memref<!tpu.dma_semaphore, #tpu.memory_space<semaphore_mem>>
            %dma_start3A = arith.constant 0 : i32
            %dma_start3A_24 = tpu.memref_slice %arg3[%mul3A_23, %dma_start3A] : memref<160000x128xf32, #tpu.memory_space<hbm>> -> memref<320x128xf32, #tpu.memory_space<hbm>>
            %dma_start3A_25 = arith.constant 0 : i32
            %dma_start3A_26 = tpu.memref_slice %arg3[%mul3A_23, %dma_start3A_25] : memref<160000x128xf32, #tpu.memory_space<hbm>> -> memref<320x128xf32, #tpu.memory_space<hbm>>
            tpu.enqueue_dma source(%dma_start3A_26 : memref<320x128xf32, #tpu.memory_space<hbm>>) target(%arg7 : memref<320x128xf32, #tpu.memory_space<vmem>>) target_semaphore(%run_scoped3A : memref<!tpu.dma_semaphore, #tpu.memory_space<semaphore_mem>>)
            %dma_wait3A = arith.constant 0 : i32
            %dma_wait3A_27 = tpu.memref_slice %arg3[%mul3A_23, %dma_wait3A] : memref<160000x128xf32, #tpu.memory_space<hbm>> -> memref<320x128xf32, #tpu.memory_space<hbm>>
            %dma_wait3A_28 = arith.constant 0 : i32
            %dma_wait3A_29 = tpu.memref_slice %arg3[%mul3A_23, %dma_wait3A_28] : memref<160000x128xf32, #tpu.memory_space<hbm>> -> memref<320x128xf32, #tpu.memory_space<hbm>>
            tpu.wait_dma2 semaphore(%run_scoped3A : memref<!tpu.dma_semaphore, #tpu.memory_space<semaphore_mem>>) src(%dma_wait3A_29 : memref<320x128xf32, #tpu.memory_space<hbm>>) dst(%arg7 : memref<320x128xf32, #tpu.memory_space<vmem>>)
            tpu.yield
          }) : () -> ()
          "tpu.region"() ({
            %run_scoped3A = tpu.sem_alloc : memref<!tpu.dma_semaphore, #tpu.memory_space<semaphore_mem>>
            %dma_start3A = arith.constant 0 : i32
            %dma_start3A_24 = arith.constant 0 : i32
            %dma_start3A_25 = tpu.memref_slice %arg8[%dma_start3A, %dma_start3A_24] : memref<10112x128xf32, #tpu.memory_space<vmem_shared>> -> memref<10112x128xf32, #tpu.memory_space<vmem_shared>>
            tpu.enqueue_indirect_dma source(%arg7 : memref<320x128xf32, #tpu.memory_space<vmem>>) target(%dma_start3A_25 : memref<10112x128xf32, #tpu.memory_space<vmem_shared>>) offsets(%arg6 : memref<320xi32, #tpu.memory_space<vmem>>) semaphore(%run_scoped3A : memref<!tpu.dma_semaphore, #tpu.memory_space<semaphore_mem>>) {add = true}
            %dma_wait3A = arith.constant 0 : i32
            %dma_wait3A_26 = arith.constant 0 : i32
            %dma_wait3A_27 = tpu.memref_slice %arg8[%dma_wait3A, %dma_wait3A_26] : memref<10112x128xf32, #tpu.memory_space<vmem_shared>> -> memref<10112x128xf32, #tpu.memory_space<vmem_shared>>
            tpu.wait_indirect_dma semaphore(%run_scoped3A : memref<!tpu.dma_semaphore, #tpu.memory_space<semaphore_mem>>) src(%arg7 : memref<320x128xf32, #tpu.memory_space<vmem>>) dst(%dma_wait3A_27 : memref<10112x128xf32, #tpu.memory_space<vmem_shared>>)
            tpu.yield
          }) : () -> ()
        } else {
        }
      }
      %scan3A_9 = arith.constant 32 : i32
      %barrier3A_10 = arith.constant 0 : index
      tpu.barrier barrier_id(%barrier3A_10)
      %mul3A_11 = arith.constant 632 : i32
      %mul3A_12 = arith.muli %arg1, %mul3A_11 : i32
      %mul3A_13 = arith.constant 632 : i32
      %mul3A_14 = arith.muli %arg1, %mul3A_13 : i32
      "tpu.region"() ({
        %run_scoped3A = tpu.sem_alloc : memref<!tpu.dma_semaphore, #tpu.memory_space<semaphore_mem>>
        %dma_start3A = arith.constant 0 : i32
        %dma_start3A_15 = tpu.memref_slice %arg5[%mul3A_14, %dma_start3A] : memref<10112x128xf32, #tpu.memory_space<hbm>> -> memref<632x128xf32, #tpu.memory_space<hbm>>
        %dma_start3A_16 = arith.constant 0 : i32
        %dma_start3A_17 = tpu.memref_slice %arg8[%mul3A_12, %dma_start3A_16] : memref<10112x128xf32, #tpu.memory_space<vmem_shared>> -> memref<632x128xf32, #tpu.memory_space<vmem_shared>>
        tpu.enqueue_dma source(%dma_start3A_17 : memref<632x128xf32, #tpu.memory_space<vmem_shared>>) target(%dma_start3A_15 : memref<632x128xf32, #tpu.memory_space<hbm>>) target_semaphore(%run_scoped3A : memref<!tpu.dma_semaphore, #tpu.memory_space<semaphore_mem>>)
        %dma_wait3A = arith.constant 0 : i32
        %dma_wait3A_18 = tpu.memref_slice %arg5[%mul3A_14, %dma_wait3A] : memref<10112x128xf32, #tpu.memory_space<hbm>> -> memref<632x128xf32, #tpu.memory_space<hbm>>
        %dma_wait3A_19 = arith.constant 0 : i32
        %dma_wait3A_20 = tpu.memref_slice %arg8[%mul3A_12, %dma_wait3A_19] : memref<10112x128xf32, #tpu.memory_space<vmem_shared>> -> memref<632x128xf32, #tpu.memory_space<vmem_shared>>
        tpu.wait_dma2 semaphore(%run_scoped3A : memref<!tpu.dma_semaphore, #tpu.memory_space<semaphore_mem>>) src(%dma_wait3A_20 : memref<632x128xf32, #tpu.memory_space<vmem_shared>>) dst(%dma_wait3A_18 : memref<632x128xf32, #tpu.memory_space<hbm>>)
        tpu.yield
      }) : () -> ()
    } else {
    }
    return
  }
}

#map = affine_map<(d0, d1) -> (0, 0)>
#map1 = affine_map<(d0, d1) -> (0)>
module attributes {stable_mosaic.version = 14 : i64} {
  func.func @k(%arg0: i32, %arg1: i32, %arg2: memref<10000x128xf32, #tpu.memory_space<hbm>>, %arg3: memref<160000xi32, #tpu.memory_space<hbm>>, %arg4: memref<160000x128xf32, #tpu.memory_space<hbm>>, %arg5: memref<320xi32, #tpu.memory_space<vmem>>, %arg6: memref<320x128xf32, #tpu.memory_space<vmem>>, %arg7: memref<!tpu.dma_semaphore, #tpu.memory_space<semaphore_mem>>) attributes {dimension_semantics = [#tpu.dimension_semantics<core_parallel>, #tpu.dimension_semantics<subcore_parallel>], iteration_bounds = array<i64: 2, 16>, scalar_prefetch = 0 : i64, scratch_operands = 3 : i64, tpu.core_type = #tpu.core_type<sc_vector_subcore>, window_params = [{transform_indices = #map}, {transform_indices = #map1}, {transform_indices = #map}]} {
    %mul3A = arith.constant 2 : i32
    %mul3A_0 = arith.muli %arg1, %mul3A : i32
    %add3A = arith.addi %mul3A_0, %arg0 : i32
    %scan3A = arith.constant 0 : i32
    %scan3A_1 = arith.constant 0 : i32
    %scan3A_2 = arith.constant 16 : i32
    %scan3A_3 = arith.addi %scan3A_1, %scan3A_2 : i32
    %scan3A_4 = arith.constant 1 : i32
    scf.for %scan3A_6 = %scan3A_1 to %scan3A_3 step %scan3A_4  : i32 {
      %mul3A_7 = arith.constant 32 : i32
      %mul3A_8 = arith.muli %scan3A_6, %mul3A_7 : i32
      %add3A_9 = arith.addi %mul3A_8, %add3A : i32
      %lt3A = arith.constant 500 : i32
      %lt3A_10 = arith.cmpi slt, %add3A_9, %lt3A : i32
      %convert_element_type3A = arith.extui %lt3A_10 : i1 to i32
      %cond3A = arith.constant 0 : i32
      %cond3A_11 = arith.cmpi ne, %convert_element_type3A, %cond3A : i32
      scf.if %cond3A_11 {
        %mul3A_12 = arith.constant 320 : i32
        %mul3A_13 = arith.muli %add3A_9, %mul3A_12 : i32
        "tpu.region"() ({
          %run_scoped3A = tpu.sem_alloc : memref<!tpu.dma_semaphore, #tpu.memory_space<semaphore_mem>>
          %dma_start3A_18 = tpu.memref_slice %arg3[%mul3A_13] : memref<160000xi32, #tpu.memory_space<hbm>> -> memref<320xi32, #tpu.memory_space<hbm>>
          %dma_start3A_19 = tpu.memref_slice %arg3[%mul3A_13] : memref<160000xi32, #tpu.memory_space<hbm>> -> memref<320xi32, #tpu.memory_space<hbm>>
          tpu.enqueue_dma source(%dma_start3A_19 : memref<320xi32, #tpu.memory_space<hbm>>) target(%arg5 : memref<320xi32, #tpu.memory_space<vmem>>) target_semaphore(%run_scoped3A : memref<!tpu.dma_semaphore, #tpu.memory_space<semaphore_mem>>)
          %dma_wait3A_20 = tpu.memref_slice %arg3[%mul3A_13] : memref<160000xi32, #tpu.memory_space<hbm>> -> memref<320xi32, #tpu.memory_space<hbm>>
          %dma_wait3A_21 = tpu.memref_slice %arg3[%mul3A_13] : memref<160000xi32, #tpu.memory_space<hbm>> -> memref<320xi32, #tpu.memory_space<hbm>>
          tpu.wait_dma2 semaphore(%run_scoped3A : memref<!tpu.dma_semaphore, #tpu.memory_space<semaphore_mem>>) src(%dma_wait3A_21 : memref<320xi32, #tpu.memory_space<hbm>>) dst(%arg5 : memref<320xi32, #tpu.memory_space<vmem>>)
          tpu.yield
        }) : () -> ()
        %dma_start3A = arith.constant 0 : i32
        %dma_start3A_14 = arith.constant 0 : i32
        %dma_start3A_15 = tpu.memref_slice %arg2[%dma_start3A, %dma_start3A_14] : memref<10000x128xf32, #tpu.memory_space<hbm>> -> memref<10000x128xf32, #tpu.memory_space<hbm>>
        tpu.enqueue_indirect_dma source(%dma_start3A_15 : memref<10000x128xf32, #tpu.memory_space<hbm>>) target(%arg6 : memref<320x128xf32, #tpu.memory_space<vmem>>) offsets(%arg5 : memref<320xi32, #tpu.memory_space<vmem>>) semaphore(%arg7 : memref<!tpu.dma_semaphore, #tpu.memory_space<semaphore_mem>>)
        %dma_wait3A = arith.constant 0 : i32
        %dma_wait3A_16 = arith.constant 0 : i32
        %dma_wait3A_17 = tpu.memref_slice %arg2[%dma_wait3A, %dma_wait3A_16] : memref<10000x128xf32, #tpu.memory_space<hbm>> -> memref<10000x128xf32, #tpu.memory_space<hbm>>
        tpu.wait_indirect_dma semaphore(%arg7 : memref<!tpu.dma_semaphore, #tpu.memory_space<semaphore_mem>>) src(%dma_wait3A_17 : memref<10000x128xf32, #tpu.memory_space<hbm>>) dst(%arg6 : memref<320x128xf32, #tpu.memory_space<vmem>>)
        "tpu.region"() ({
          %run_scoped3A = tpu.sem_alloc : memref<!tpu.dma_semaphore, #tpu.memory_space<semaphore_mem>>
          %dma_start3A_18 = arith.constant 0 : i32
          %dma_start3A_19 = tpu.memref_slice %arg4[%mul3A_13, %dma_start3A_18] : memref<160000x128xf32, #tpu.memory_space<hbm>> -> memref<320x128xf32, #tpu.memory_space<hbm>>
          %dma_start3A_20 = arith.constant 0 : i32
          %dma_start3A_21 = tpu.memref_slice %arg4[%mul3A_13, %dma_start3A_20] : memref<160000x128xf32, #tpu.memory_space<hbm>> -> memref<320x128xf32, #tpu.memory_space<hbm>>
          tpu.enqueue_dma source(%arg6 : memref<320x128xf32, #tpu.memory_space<vmem>>) target(%dma_start3A_21 : memref<320x128xf32, #tpu.memory_space<hbm>>) target_semaphore(%run_scoped3A : memref<!tpu.dma_semaphore, #tpu.memory_space<semaphore_mem>>)
          %dma_wait3A_22 = arith.constant 0 : i32
          %dma_wait3A_23 = tpu.memref_slice %arg4[%mul3A_13, %dma_wait3A_22] : memref<160000x128xf32, #tpu.memory_space<hbm>> -> memref<320x128xf32, #tpu.memory_space<hbm>>
          %dma_wait3A_24 = arith.constant 0 : i32
          %dma_wait3A_25 = tpu.memref_slice %arg4[%mul3A_13, %dma_wait3A_24] : memref<160000x128xf32, #tpu.memory_space<hbm>> -> memref<320x128xf32, #tpu.memory_space<hbm>>
          tpu.wait_dma2 semaphore(%run_scoped3A : memref<!tpu.dma_semaphore, #tpu.memory_space<semaphore_mem>>) src(%arg6 : memref<320x128xf32, #tpu.memory_space<vmem>>) dst(%dma_wait3A_25 : memref<320x128xf32, #tpu.memory_space<hbm>>)
          tpu.yield
        }) : () -> ()
      } else {
      }
    }
    %scan3A_5 = arith.constant 16 : i32
    return
  }
}

#map = affine_map<(d0, d1) -> (0, 0)>
#map1 = affine_map<(d0, d1) -> (0)>
module attributes {stable_mosaic.version = 14 : i64} {
  func.func @k(%arg0: i32, %arg1: i32, %arg2: memref<10112x128xf32, #tpu.memory_space<hbm>>, %arg3: memref<160000x128xf32, #tpu.memory_space<hbm>>, %arg4: memref<160000xi32, #tpu.memory_space<hbm>>, %arg5: memref<10112x128xf32, #tpu.memory_space<hbm>>, %arg6: memref<320xi32, #tpu.memory_space<vmem>>, %arg7: memref<320x128xf32, #tpu.memory_space<vmem>>, %arg8: memref<10112x128xf32, #tpu.memory_space<vmem_shared>>, %arg9: memref<!tpu.dma_semaphore, #tpu.memory_space<semaphore_mem>>) attributes {dimension_semantics = [#tpu.dimension_semantics<core_parallel>, #tpu.dimension_semantics<subcore_parallel>], iteration_bounds = array<i64: 2, 16>, scalar_prefetch = 0 : i64, scratch_operands = 4 : i64, tpu.core_type = #tpu.core_type<sc_vector_subcore>, window_params = [{transform_indices = #map}, {transform_indices = #map}, {transform_indices = #map1}, {transform_indices = #map}]} {
    %eq3A = arith.constant 0 : i32
    %eq3A_0 = arith.cmpi eq, %arg0, %eq3A : i32
    %convert_element_type3A = arith.extui %eq3A_0 : i1 to i32
    %cond3A = arith.constant 0 : i32
    %cond3A_1 = arith.cmpi ne, %convert_element_type3A, %cond3A : i32
    scf.if %cond3A_1 {
      %mul3A = arith.constant 632 : i32
      %mul3A_2 = arith.muli %arg1, %mul3A : i32
      %mul3A_3 = arith.constant 632 : i32
      %mul3A_4 = arith.muli %arg1, %mul3A_3 : i32
      "tpu.region"() ({
        %run_scoped3A = tpu.sem_alloc : memref<!tpu.dma_semaphore, #tpu.memory_space<semaphore_mem>>
        %dma_start3A = arith.constant 0 : i32
        %dma_start3A_15 = tpu.memref_slice %arg8[%mul3A_4, %dma_start3A] : memref<10112x128xf32, #tpu.memory_space<vmem_shared>> -> memref<632x128xf32, #tpu.memory_space<vmem_shared>>
        %dma_start3A_16 = arith.constant 0 : i32
        %dma_start3A_17 = tpu.memref_slice %arg2[%mul3A_2, %dma_start3A_16] : memref<10112x128xf32, #tpu.memory_space<hbm>> -> memref<632x128xf32, #tpu.memory_space<hbm>>
        tpu.enqueue_dma source(%dma_start3A_17 : memref<632x128xf32, #tpu.memory_space<hbm>>) target(%dma_start3A_15 : memref<632x128xf32, #tpu.memory_space<vmem_shared>>) target_semaphore(%run_scoped3A : memref<!tpu.dma_semaphore, #tpu.memory_space<semaphore_mem>>)
        %dma_wait3A = arith.constant 0 : i32
        %dma_wait3A_18 = tpu.memref_slice %arg8[%mul3A_4, %dma_wait3A] : memref<10112x128xf32, #tpu.memory_space<vmem_shared>> -> memref<632x128xf32, #tpu.memory_space<vmem_shared>>
        %dma_wait3A_19 = arith.constant 0 : i32
        %dma_wait3A_20 = tpu.memref_slice %arg2[%mul3A_2, %dma_wait3A_19] : memref<10112x128xf32, #tpu.memory_space<hbm>> -> memref<632x128xf32, #tpu.memory_space<hbm>>
        tpu.wait_dma2 semaphore(%run_scoped3A : memref<!tpu.dma_semaphore, #tpu.memory_space<semaphore_mem>>) src(%dma_wait3A_20 : memref<632x128xf32, #tpu.memory_space<hbm>>) dst(%dma_wait3A_18 : memref<632x128xf32, #tpu.memory_space<vmem_shared>>)
        tpu.yield
      }) : () -> ()
      %barrier3A = arith.constant 0 : index
      tpu.barrier barrier_id(%barrier3A)
      %scan3A = arith.constant 0 : i32
      %scan3A_5 = arith.constant 0 : i32
      %scan3A_6 = arith.constant 32 : i32
      %scan3A_7 = arith.addi %scan3A_5, %scan3A_6 : i32
      %scan3A_8 = arith.constant 1 : i32
      scf.for %scan3A_15 = %scan3A_5 to %scan3A_7 step %scan3A_8  : i32 {
        %mul3A_16 = arith.constant 16 : i32
        %mul3A_17 = arith.muli %scan3A_15, %mul3A_16 : i32
        %add3A = arith.addi %mul3A_17, %arg1 : i32
        %lt3A = arith.constant 500 : i32
        %lt3A_18 = arith.cmpi slt, %add3A, %lt3A : i32
        %convert_element_type3A_19 = arith.extui %lt3A_18 : i1 to i32
        %cond3A_20 = arith.constant 0 : i32
        %cond3A_21 = arith.cmpi ne, %convert_element_type3A_19, %cond3A_20 : i32
        scf.if %cond3A_21 {
          %mul3A_22 = arith.constant 320 : i32
          %mul3A_23 = arith.muli %add3A, %mul3A_22 : i32
          "tpu.region"() ({
            %run_scoped3A = tpu.sem_alloc : memref<!tpu.dma_semaphore, #tpu.memory_space<semaphore_mem>>
            %dma_start3A = tpu.memref_slice %arg4[%mul3A_23] : memref<160000xi32, #tpu.memory_space<hbm>> -> memref<320xi32, #tpu.memory_space<hbm>>
            %dma_start3A_24 = tpu.memref_slice %arg4[%mul3A_23] : memref<160000xi32, #tpu.memory_space<hbm>> -> memref<320xi32, #tpu.memory_space<hbm>>
            tpu.enqueue_dma source(%dma_start3A_24 : memref<320xi32, #tpu.memory_space<hbm>>) target(%arg6 : memref<320xi32, #tpu.memory_space<vmem>>) target_semaphore(%run_scoped3A : memref<!tpu.dma_semaphore, #tpu.memory_space<semaphore_mem>>)
            %dma_wait3A = tpu.memref_slice %arg4[%mul3A_23] : memref<160000xi32, #tpu.memory_space<hbm>> -> memref<320xi32, #tpu.memory_space<hbm>>
            %dma_wait3A_25 = tpu.memref_slice %arg4[%mul3A_23] : memref<160000xi32, #tpu.memory_space<hbm>> -> memref<320xi32, #tpu.memory_space<hbm>>
            tpu.wait_dma2 semaphore(%run_scoped3A : memref<!tpu.dma_semaphore, #tpu.memory_space<semaphore_mem>>) src(%dma_wait3A_25 : memref<320xi32, #tpu.memory_space<hbm>>) dst(%arg6 : memref<320xi32, #tpu.memory_space<vmem>>)
            tpu.yield
          }) : () -> ()
          "tpu.region"() ({
            %run_scoped3A = tpu.sem_alloc : memref<!tpu.dma_semaphore, #tpu.memory_space<semaphore_mem>>
            %dma_start3A = arith.constant 0 : i32
            %dma_start3A_24 = tpu.memref_slice %arg3[%mul3A_23, %dma_start3A] : memref<160000x128xf32, #tpu.memory_space<hbm>> -> memref<320x128xf32, #tpu.memory_space<hbm>>
            %dma_start3A_25 = arith.constant 0 : i32
            %dma_start3A_26 = tpu.memref_slice %arg3[%mul3A_23, %dma_start3A_25] : memref<160000x128xf32, #tpu.memory_space<hbm>> -> memref<320x128xf32, #tpu.memory_space<hbm>>
            tpu.enqueue_dma source(%dma_start3A_26 : memref<320x128xf32, #tpu.memory_space<hbm>>) target(%arg7 : memref<320x128xf32, #tpu.memory_space<vmem>>) target_semaphore(%run_scoped3A : memref<!tpu.dma_semaphore, #tpu.memory_space<semaphore_mem>>)
            %dma_wait3A = arith.constant 0 : i32
            %dma_wait3A_27 = tpu.memref_slice %arg3[%mul3A_23, %dma_wait3A] : memref<160000x128xf32, #tpu.memory_space<hbm>> -> memref<320x128xf32, #tpu.memory_space<hbm>>
            %dma_wait3A_28 = arith.constant 0 : i32
            %dma_wait3A_29 = tpu.memref_slice %arg3[%mul3A_23, %dma_wait3A_28] : memref<160000x128xf32, #tpu.memory_space<hbm>> -> memref<320x128xf32, #tpu.memory_space<hbm>>
            tpu.wait_dma2 semaphore(%run_scoped3A : memref<!tpu.dma_semaphore, #tpu.memory_space<semaphore_mem>>) src(%dma_wait3A_29 : memref<320x128xf32, #tpu.memory_space<hbm>>) dst(%arg7 : memref<320x128xf32, #tpu.memory_space<vmem>>)
            tpu.yield
          }) : () -> ()
          "tpu.region"() ({
            %run_scoped3A = tpu.sem_alloc : memref<!tpu.dma_semaphore, #tpu.memory_space<semaphore_mem>>
            %dma_start3A = arith.constant 0 : i32
            %dma_start3A_24 = arith.constant 0 : i32
            %dma_start3A_25 = tpu.memref_slice %arg8[%dma_start3A, %dma_start3A_24] : memref<10112x128xf32, #tpu.memory_space<vmem_shared>> -> memref<10112x128xf32, #tpu.memory_space<vmem_shared>>
            tpu.enqueue_indirect_dma source(%arg7 : memref<320x128xf32, #tpu.memory_space<vmem>>) target(%dma_start3A_25 : memref<10112x128xf32, #tpu.memory_space<vmem_shared>>) offsets(%arg6 : memref<320xi32, #tpu.memory_space<vmem>>) semaphore(%run_scoped3A : memref<!tpu.dma_semaphore, #tpu.memory_space<semaphore_mem>>) {add = true}
            %dma_wait3A = arith.constant 0 : i32
            %dma_wait3A_26 = arith.constant 0 : i32
            %dma_wait3A_27 = tpu.memref_slice %arg8[%dma_wait3A, %dma_wait3A_26] : memref<10112x128xf32, #tpu.memory_space<vmem_shared>> -> memref<10112x128xf32, #tpu.memory_space<vmem_shared>>
            tpu.wait_indirect_dma semaphore(%run_scoped3A : memref<!tpu.dma_semaphore, #tpu.memory_space<semaphore_mem>>) src(%arg7 : memref<320x128xf32, #tpu.memory_space<vmem>>) dst(%dma_wait3A_27 : memref<10112x128xf32, #tpu.memory_space<vmem_shared>>)
            tpu.yield
          }) : () -> ()
        } else {
        }
      }
      %scan3A_9 = arith.constant 32 : i32
      %barrier3A_10 = arith.constant 0 : index
      tpu.barrier barrier_id(%barrier3A_10)
      %mul3A_11 = arith.constant 632 : i32
      %mul3A_12 = arith.muli %arg1, %mul3A_11 : i32
      %mul3A_13 = arith.constant 632 : i32
      %mul3A_14 = arith.muli %arg1, %mul3A_13 : i32
      "tpu.region"() ({
        %run_scoped3A = tpu.sem_alloc : memref<!tpu.dma_semaphore, #tpu.memory_space<semaphore_mem>>
        %dma_start3A = arith.constant 0 : i32
        %dma_start3A_15 = tpu.memref_slice %arg5[%mul3A_14, %dma_start3A] : memref<10112x128xf32, #tpu.memory_space<hbm>> -> memref<632x128xf32, #tpu.memory_space<hbm>>
        %dma_start3A_16 = arith.constant 0 : i32
        %dma_start3A_17 = tpu.memref_slice %arg8[%mul3A_12, %dma_start3A_16] : memref<10112x128xf32, #tpu.memory_space<vmem_shared>> -> memref<632x128xf32, #tpu.memory_space<vmem_shared>>
        tpu.enqueue_dma source(%dma_start3A_17 : memref<632x128xf32, #tpu.memory_space<vmem_shared>>) target(%dma_start3A_15 : memref<632x128xf32, #tpu.memory_space<hbm>>) target_semaphore(%run_scoped3A : memref<!tpu.dma_semaphore, #tpu.memory_space<semaphore_mem>>)
        %dma_wait3A = arith.constant 0 : i32
        %dma_wait3A_18 = tpu.memref_slice %arg5[%mul3A_14, %dma_wait3A] : memref<10112x128xf32, #tpu.memory_space<hbm>> -> memref<632x128xf32, #tpu.memory_space<hbm>>
        %dma_wait3A_19 = arith.constant 0 : i32
        %dma_wait3A_20 = tpu.memref_slice %arg8[%mul3A_12, %dma_wait3A_19] : memref<10112x128xf32, #tpu.memory_space<vmem_shared>> -> memref<632x128xf32, #tpu.memory_space<vmem_shared>>
        tpu.wait_dma2 semaphore(%run_scoped3A : memref<!tpu.dma_semaphore, #tpu.memory_space<semaphore_mem>>) src(%dma_wait3A_20 : memref<632x128xf32, #tpu.memory_space<vmem_shared>>) dst(%dma_wait3A_18 : memref<632x128xf32, #tpu.memory_space<hbm>>)
        tpu.yield
      }) : () -> ()
    } else {
    }
    return
  }
}

#map = affine_map<(d0, d1) -> (0, 0)>
#map1 = affine_map<(d0, d1) -> (0)>
module attributes {stable_mosaic.version = 14 : i64} {
  func.func @k(%arg0: i32, %arg1: i32, %arg2: memref<10112x128xf32, #tpu.memory_space<hbm>>, %arg3: memref<160000x128xf32, #tpu.memory_space<hbm>>, %arg4: memref<160000xi32, #tpu.memory_space<hbm>>, %arg5: memref<10112x128xf32, #tpu.memory_space<hbm>>, %arg6: memref<320xi32, #tpu.memory_space<vmem>>, %arg7: memref<320x128xf32, #tpu.memory_space<vmem>>, %arg8: memref<10112x128xf32, #tpu.memory_space<vmem_shared>>, %arg9: memref<!tpu.dma_semaphore, #tpu.memory_space<semaphore_mem>>) attributes {dimension_semantics = [#tpu.dimension_semantics<core_parallel>, #tpu.dimension_semantics<subcore_parallel>], iteration_bounds = array<i64: 2, 16>, scalar_prefetch = 0 : i64, scratch_operands = 4 : i64, tpu.core_type = #tpu.core_type<sc_vector_subcore>, window_params = [{transform_indices = #map}, {transform_indices = #map}, {transform_indices = #map1}, {transform_indices = #map}]} {
    %eq3A = arith.constant 0 : i32
    %eq3A_0 = arith.cmpi eq, %arg0, %eq3A : i32
    %convert_element_type3A = arith.extui %eq3A_0 : i1 to i32
    %cond3A = arith.constant 0 : i32
    %cond3A_1 = arith.cmpi ne, %convert_element_type3A, %cond3A : i32
    scf.if %cond3A_1 {
      %mul3A = arith.constant 632 : i32
      %mul3A_2 = arith.muli %arg1, %mul3A : i32
      %mul3A_3 = arith.constant 632 : i32
      %mul3A_4 = arith.muli %arg1, %mul3A_3 : i32
      "tpu.region"() ({
        %run_scoped3A = tpu.sem_alloc : memref<!tpu.dma_semaphore, #tpu.memory_space<semaphore_mem>>
        %dma_start3A = arith.constant 0 : i32
        %dma_start3A_15 = tpu.memref_slice %arg8[%mul3A_4, %dma_start3A] : memref<10112x128xf32, #tpu.memory_space<vmem_shared>> -> memref<632x128xf32, #tpu.memory_space<vmem_shared>>
        %dma_start3A_16 = arith.constant 0 : i32
        %dma_start3A_17 = tpu.memref_slice %arg2[%mul3A_2, %dma_start3A_16] : memref<10112x128xf32, #tpu.memory_space<hbm>> -> memref<632x128xf32, #tpu.memory_space<hbm>>
        tpu.enqueue_dma source(%dma_start3A_17 : memref<632x128xf32, #tpu.memory_space<hbm>>) target(%dma_start3A_15 : memref<632x128xf32, #tpu.memory_space<vmem_shared>>) target_semaphore(%run_scoped3A : memref<!tpu.dma_semaphore, #tpu.memory_space<semaphore_mem>>)
        %dma_wait3A = arith.constant 0 : i32
        %dma_wait3A_18 = tpu.memref_slice %arg8[%mul3A_4, %dma_wait3A] : memref<10112x128xf32, #tpu.memory_space<vmem_shared>> -> memref<632x128xf32, #tpu.memory_space<vmem_shared>>
        %dma_wait3A_19 = arith.constant 0 : i32
        %dma_wait3A_20 = tpu.memref_slice %arg2[%mul3A_2, %dma_wait3A_19] : memref<10112x128xf32, #tpu.memory_space<hbm>> -> memref<632x128xf32, #tpu.memory_space<hbm>>
        tpu.wait_dma2 semaphore(%run_scoped3A : memref<!tpu.dma_semaphore, #tpu.memory_space<semaphore_mem>>) src(%dma_wait3A_20 : memref<632x128xf32, #tpu.memory_space<hbm>>) dst(%dma_wait3A_18 : memref<632x128xf32, #tpu.memory_space<vmem_shared>>)
        tpu.yield
      }) : () -> ()
      %barrier3A = arith.constant 0 : index
      tpu.barrier barrier_id(%barrier3A)
      %scan3A = arith.constant 0 : i32
      %scan3A_5 = arith.constant 0 : i32
      %scan3A_6 = arith.constant 32 : i32
      %scan3A_7 = arith.addi %scan3A_5, %scan3A_6 : i32
      %scan3A_8 = arith.constant 1 : i32
      scf.for %scan3A_15 = %scan3A_5 to %scan3A_7 step %scan3A_8  : i32 {
        %mul3A_16 = arith.constant 16 : i32
        %mul3A_17 = arith.muli %scan3A_15, %mul3A_16 : i32
        %add3A = arith.addi %mul3A_17, %arg1 : i32
        %lt3A = arith.constant 500 : i32
        %lt3A_18 = arith.cmpi slt, %add3A, %lt3A : i32
        %convert_element_type3A_19 = arith.extui %lt3A_18 : i1 to i32
        %cond3A_20 = arith.constant 0 : i32
        %cond3A_21 = arith.cmpi ne, %convert_element_type3A_19, %cond3A_20 : i32
        scf.if %cond3A_21 {
          %mul3A_22 = arith.constant 320 : i32
          %mul3A_23 = arith.muli %add3A, %mul3A_22 : i32
          "tpu.region"() ({
            %run_scoped3A = tpu.sem_alloc : memref<!tpu.dma_semaphore, #tpu.memory_space<semaphore_mem>>
            %dma_start3A = tpu.memref_slice %arg4[%mul3A_23] : memref<160000xi32, #tpu.memory_space<hbm>> -> memref<320xi32, #tpu.memory_space<hbm>>
            %dma_start3A_24 = tpu.memref_slice %arg4[%mul3A_23] : memref<160000xi32, #tpu.memory_space<hbm>> -> memref<320xi32, #tpu.memory_space<hbm>>
            tpu.enqueue_dma source(%dma_start3A_24 : memref<320xi32, #tpu.memory_space<hbm>>) target(%arg6 : memref<320xi32, #tpu.memory_space<vmem>>) target_semaphore(%run_scoped3A : memref<!tpu.dma_semaphore, #tpu.memory_space<semaphore_mem>>)
            %dma_wait3A = tpu.memref_slice %arg4[%mul3A_23] : memref<160000xi32, #tpu.memory_space<hbm>> -> memref<320xi32, #tpu.memory_space<hbm>>
            %dma_wait3A_25 = tpu.memref_slice %arg4[%mul3A_23] : memref<160000xi32, #tpu.memory_space<hbm>> -> memref<320xi32, #tpu.memory_space<hbm>>
            tpu.wait_dma2 semaphore(%run_scoped3A : memref<!tpu.dma_semaphore, #tpu.memory_space<semaphore_mem>>) src(%dma_wait3A_25 : memref<320xi32, #tpu.memory_space<hbm>>) dst(%arg6 : memref<320xi32, #tpu.memory_space<vmem>>)
            tpu.yield
          }) : () -> ()
          "tpu.region"() ({
            %run_scoped3A = tpu.sem_alloc : memref<!tpu.dma_semaphore, #tpu.memory_space<semaphore_mem>>
            %dma_start3A = arith.constant 0 : i32
            %dma_start3A_24 = tpu.memref_slice %arg3[%mul3A_23, %dma_start3A] : memref<160000x128xf32, #tpu.memory_space<hbm>> -> memref<320x128xf32, #tpu.memory_space<hbm>>
            %dma_start3A_25 = arith.constant 0 : i32
            %dma_start3A_26 = tpu.memref_slice %arg3[%mul3A_23, %dma_start3A_25] : memref<160000x128xf32, #tpu.memory_space<hbm>> -> memref<320x128xf32, #tpu.memory_space<hbm>>
            tpu.enqueue_dma source(%dma_start3A_26 : memref<320x128xf32, #tpu.memory_space<hbm>>) target(%arg7 : memref<320x128xf32, #tpu.memory_space<vmem>>) target_semaphore(%run_scoped3A : memref<!tpu.dma_semaphore, #tpu.memory_space<semaphore_mem>>)
            %dma_wait3A = arith.constant 0 : i32
            %dma_wait3A_27 = tpu.memref_slice %arg3[%mul3A_23, %dma_wait3A] : memref<160000x128xf32, #tpu.memory_space<hbm>> -> memref<320x128xf32, #tpu.memory_space<hbm>>
            %dma_wait3A_28 = arith.constant 0 : i32
            %dma_wait3A_29 = tpu.memref_slice %arg3[%mul3A_23, %dma_wait3A_28] : memref<160000x128xf32, #tpu.memory_space<hbm>> -> memref<320x128xf32, #tpu.memory_space<hbm>>
            tpu.wait_dma2 semaphore(%run_scoped3A : memref<!tpu.dma_semaphore, #tpu.memory_space<semaphore_mem>>) src(%dma_wait3A_29 : memref<320x128xf32, #tpu.memory_space<hbm>>) dst(%arg7 : memref<320x128xf32, #tpu.memory_space<vmem>>)
            tpu.yield
          }) : () -> ()
          "tpu.region"() ({
            %run_scoped3A = tpu.sem_alloc : memref<!tpu.dma_semaphore, #tpu.memory_space<semaphore_mem>>
            %dma_start3A = arith.constant 0 : i32
            %dma_start3A_24 = arith.constant 0 : i32
            %dma_start3A_25 = tpu.memref_slice %arg8[%dma_start3A, %dma_start3A_24] : memref<10112x128xf32, #tpu.memory_space<vmem_shared>> -> memref<10112x128xf32, #tpu.memory_space<vmem_shared>>
            tpu.enqueue_indirect_dma source(%arg7 : memref<320x128xf32, #tpu.memory_space<vmem>>) target(%dma_start3A_25 : memref<10112x128xf32, #tpu.memory_space<vmem_shared>>) offsets(%arg6 : memref<320xi32, #tpu.memory_space<vmem>>) semaphore(%run_scoped3A : memref<!tpu.dma_semaphore, #tpu.memory_space<semaphore_mem>>) {add = true}
            %dma_wait3A = arith.constant 0 : i32
            %dma_wait3A_26 = arith.constant 0 : i32
            %dma_wait3A_27 = tpu.memref_slice %arg8[%dma_wait3A, %dma_wait3A_26] : memref<10112x128xf32, #tpu.memory_space<vmem_shared>> -> memref<10112x128xf32, #tpu.memory_space<vmem_shared>>
            tpu.wait_indirect_dma semaphore(%run_scoped3A : memref<!tpu.dma_semaphore, #tpu.memory_space<semaphore_mem>>) src(%arg7 : memref<320x128xf32, #tpu.memory_space<vmem>>) dst(%dma_wait3A_27 : memref<10112x128xf32, #tpu.memory_space<vmem_shared>>)
            tpu.yield
          }) : () -> ()
        } else {
        }
      }
      %scan3A_9 = arith.constant 32 : i32
      %barrier3A_10 = arith.constant 0 : index
      tpu.barrier barrier_id(%barrier3A_10)
      %mul3A_11 = arith.constant 632 : i32
      %mul3A_12 = arith.muli %arg1, %mul3A_11 : i32
      %mul3A_13 = arith.constant 632 : i32
      %mul3A_14 = arith.muli %arg1, %mul3A_13 : i32
      "tpu.region"() ({
        %run_scoped3A = tpu.sem_alloc : memref<!tpu.dma_semaphore, #tpu.memory_space<semaphore_mem>>
        %dma_start3A = arith.constant 0 : i32
        %dma_start3A_15 = tpu.memref_slice %arg5[%mul3A_14, %dma_start3A] : memref<10112x128xf32, #tpu.memory_space<hbm>> -> memref<632x128xf32, #tpu.memory_space<hbm>>
        %dma_start3A_16 = arith.constant 0 : i32
        %dma_start3A_17 = tpu.memref_slice %arg8[%mul3A_12, %dma_start3A_16] : memref<10112x128xf32, #tpu.memory_space<vmem_shared>> -> memref<632x128xf32, #tpu.memory_space<vmem_shared>>
        tpu.enqueue_dma source(%dma_start3A_17 : memref<632x128xf32, #tpu.memory_space<vmem_shared>>) target(%dma_start3A_15 : memref<632x128xf32, #tpu.memory_space<hbm>>) target_semaphore(%run_scoped3A : memref<!tpu.dma_semaphore, #tpu.memory_space<semaphore_mem>>)
        %dma_wait3A = arith.constant 0 : i32
        %dma_wait3A_18 = tpu.memref_slice %arg5[%mul3A_14, %dma_wait3A] : memref<10112x128xf32, #tpu.memory_space<hbm>> -> memref<632x128xf32, #tpu.memory_space<hbm>>
        %dma_wait3A_19 = arith.constant 0 : i32
        %dma_wait3A_20 = tpu.memref_slice %arg8[%mul3A_12, %dma_wait3A_19] : memref<10112x128xf32, #tpu.memory_space<vmem_shared>> -> memref<632x128xf32, #tpu.memory_space<vmem_shared>>
        tpu.wait_dma2 semaphore(%run_scoped3A : memref<!tpu.dma_semaphore, #tpu.memory_space<semaphore_mem>>) src(%dma_wait3A_20 : memref<632x128xf32, #tpu.memory_space<vmem_shared>>) dst(%dma_wait3A_18 : memref<632x128xf32, #tpu.memory_space<hbm>>)
        tpu.yield
      }) : () -> ()
    } else {
    }
    return
  }
}

#map = affine_map<(d0, d1) -> (0, 0)>
#map1 = affine_map<(d0, d1) -> (0)>
module attributes {stable_mosaic.version = 14 : i64} {
  func.func @k(%arg0: i32, %arg1: i32, %arg2: memref<20000x128xf32, #tpu.memory_space<hbm>>, %arg3: memref<160000xi32, #tpu.memory_space<hbm>>, %arg4: memref<160000x128xf32, #tpu.memory_space<hbm>>, %arg5: memref<320xi32, #tpu.memory_space<vmem>>, %arg6: memref<320x128xf32, #tpu.memory_space<vmem>>, %arg7: memref<!tpu.dma_semaphore, #tpu.memory_space<semaphore_mem>>) attributes {dimension_semantics = [#tpu.dimension_semantics<core_parallel>, #tpu.dimension_semantics<subcore_parallel>], iteration_bounds = array<i64: 2, 16>, scalar_prefetch = 0 : i64, scratch_operands = 3 : i64, tpu.core_type = #tpu.core_type<sc_vector_subcore>, window_params = [{transform_indices = #map}, {transform_indices = #map1}, {transform_indices = #map}]} {
    %mul3A = arith.constant 2 : i32
    %mul3A_0 = arith.muli %arg1, %mul3A : i32
    %add3A = arith.addi %mul3A_0, %arg0 : i32
    %scan3A = arith.constant 0 : i32
    %scan3A_1 = arith.constant 0 : i32
    %scan3A_2 = arith.constant 16 : i32
    %scan3A_3 = arith.addi %scan3A_1, %scan3A_2 : i32
    %scan3A_4 = arith.constant 1 : i32
    scf.for %scan3A_6 = %scan3A_1 to %scan3A_3 step %scan3A_4  : i32 {
      %mul3A_7 = arith.constant 32 : i32
      %mul3A_8 = arith.muli %scan3A_6, %mul3A_7 : i32
      %add3A_9 = arith.addi %mul3A_8, %add3A : i32
      %lt3A = arith.constant 500 : i32
      %lt3A_10 = arith.cmpi slt, %add3A_9, %lt3A : i32
      %convert_element_type3A = arith.extui %lt3A_10 : i1 to i32
      %cond3A = arith.constant 0 : i32
      %cond3A_11 = arith.cmpi ne, %convert_element_type3A, %cond3A : i32
      scf.if %cond3A_11 {
        %mul3A_12 = arith.constant 320 : i32
        %mul3A_13 = arith.muli %add3A_9, %mul3A_12 : i32
        "tpu.region"() ({
          %run_scoped3A = tpu.sem_alloc : memref<!tpu.dma_semaphore, #tpu.memory_space<semaphore_mem>>
          %dma_start3A_18 = tpu.memref_slice %arg3[%mul3A_13] : memref<160000xi32, #tpu.memory_space<hbm>> -> memref<320xi32, #tpu.memory_space<hbm>>
          %dma_start3A_19 = tpu.memref_slice %arg3[%mul3A_13] : memref<160000xi32, #tpu.memory_space<hbm>> -> memref<320xi32, #tpu.memory_space<hbm>>
          tpu.enqueue_dma source(%dma_start3A_19 : memref<320xi32, #tpu.memory_space<hbm>>) target(%arg5 : memref<320xi32, #tpu.memory_space<vmem>>) target_semaphore(%run_scoped3A : memref<!tpu.dma_semaphore, #tpu.memory_space<semaphore_mem>>)
          %dma_wait3A_20 = tpu.memref_slice %arg3[%mul3A_13] : memref<160000xi32, #tpu.memory_space<hbm>> -> memref<320xi32, #tpu.memory_space<hbm>>
          %dma_wait3A_21 = tpu.memref_slice %arg3[%mul3A_13] : memref<160000xi32, #tpu.memory_space<hbm>> -> memref<320xi32, #tpu.memory_space<hbm>>
          tpu.wait_dma2 semaphore(%run_scoped3A : memref<!tpu.dma_semaphore, #tpu.memory_space<semaphore_mem>>) src(%dma_wait3A_21 : memref<320xi32, #tpu.memory_space<hbm>>) dst(%arg5 : memref<320xi32, #tpu.memory_space<vmem>>)
          tpu.yield
        }) : () -> ()
        %dma_start3A = arith.constant 0 : i32
        %dma_start3A_14 = arith.constant 0 : i32
        %dma_start3A_15 = tpu.memref_slice %arg2[%dma_start3A, %dma_start3A_14] : memref<20000x128xf32, #tpu.memory_space<hbm>> -> memref<20000x128xf32, #tpu.memory_space<hbm>>
        tpu.enqueue_indirect_dma source(%dma_start3A_15 : memref<20000x128xf32, #tpu.memory_space<hbm>>) target(%arg6 : memref<320x128xf32, #tpu.memory_space<vmem>>) offsets(%arg5 : memref<320xi32, #tpu.memory_space<vmem>>) semaphore(%arg7 : memref<!tpu.dma_semaphore, #tpu.memory_space<semaphore_mem>>)
        %dma_wait3A = arith.constant 0 : i32
        %dma_wait3A_16 = arith.constant 0 : i32
        %dma_wait3A_17 = tpu.memref_slice %arg2[%dma_wait3A, %dma_wait3A_16] : memref<20000x128xf32, #tpu.memory_space<hbm>> -> memref<20000x128xf32, #tpu.memory_space<hbm>>
        tpu.wait_indirect_dma semaphore(%arg7 : memref<!tpu.dma_semaphore, #tpu.memory_space<semaphore_mem>>) src(%dma_wait3A_17 : memref<20000x128xf32, #tpu.memory_space<hbm>>) dst(%arg6 : memref<320x128xf32, #tpu.memory_space<vmem>>)
        "tpu.region"() ({
          %run_scoped3A = tpu.sem_alloc : memref<!tpu.dma_semaphore, #tpu.memory_space<semaphore_mem>>
          %dma_start3A_18 = arith.constant 0 : i32
          %dma_start3A_19 = tpu.memref_slice %arg4[%mul3A_13, %dma_start3A_18] : memref<160000x128xf32, #tpu.memory_space<hbm>> -> memref<320x128xf32, #tpu.memory_space<hbm>>
          %dma_start3A_20 = arith.constant 0 : i32
          %dma_start3A_21 = tpu.memref_slice %arg4[%mul3A_13, %dma_start3A_20] : memref<160000x128xf32, #tpu.memory_space<hbm>> -> memref<320x128xf32, #tpu.memory_space<hbm>>
          tpu.enqueue_dma source(%arg6 : memref<320x128xf32, #tpu.memory_space<vmem>>) target(%dma_start3A_21 : memref<320x128xf32, #tpu.memory_space<hbm>>) target_semaphore(%run_scoped3A : memref<!tpu.dma_semaphore, #tpu.memory_space<semaphore_mem>>)
          %dma_wait3A_22 = arith.constant 0 : i32
          %dma_wait3A_23 = tpu.memref_slice %arg4[%mul3A_13, %dma_wait3A_22] : memref<160000x128xf32, #tpu.memory_space<hbm>> -> memref<320x128xf32, #tpu.memory_space<hbm>>
          %dma_wait3A_24 = arith.constant 0 : i32
          %dma_wait3A_25 = tpu.memref_slice %arg4[%mul3A_13, %dma_wait3A_24] : memref<160000x128xf32, #tpu.memory_space<hbm>> -> memref<320x128xf32, #tpu.memory_space<hbm>>
          tpu.wait_dma2 semaphore(%run_scoped3A : memref<!tpu.dma_semaphore, #tpu.memory_space<semaphore_mem>>) src(%arg6 : memref<320x128xf32, #tpu.memory_space<vmem>>) dst(%dma_wait3A_25 : memref<320x128xf32, #tpu.memory_space<hbm>>)
          tpu.yield
        }) : () -> ()
      } else {
      }
    }
    %scan3A_5 = arith.constant 16 : i32
    return
  }
}

#map = affine_map<(d0, d1) -> (0, 0)>
#map1 = affine_map<(d0, d1) -> (0)>
module attributes {stable_mosaic.version = 14 : i64} {
  func.func @k(%arg0: i32, %arg1: i32, %arg2: memref<160000x128xf32, #tpu.memory_space<hbm>>, %arg3: memref<160000xi32, #tpu.memory_space<hbm>>, %arg4: memref<160000x128xf32, #tpu.memory_space<hbm>>, %arg5: memref<320xi32, #tpu.memory_space<vmem>>, %arg6: memref<320x128xf32, #tpu.memory_space<vmem>>, %arg7: memref<!tpu.dma_semaphore, #tpu.memory_space<semaphore_mem>>) attributes {dimension_semantics = [#tpu.dimension_semantics<core_parallel>, #tpu.dimension_semantics<subcore_parallel>], iteration_bounds = array<i64: 2, 16>, scalar_prefetch = 0 : i64, scratch_operands = 3 : i64, tpu.core_type = #tpu.core_type<sc_vector_subcore>, window_params = [{transform_indices = #map}, {transform_indices = #map1}, {transform_indices = #map}]} {
    %mul3A = arith.constant 2 : i32
    %mul3A_0 = arith.muli %arg1, %mul3A : i32
    %add3A = arith.addi %mul3A_0, %arg0 : i32
    %scan3A = arith.constant 0 : i32
    %scan3A_1 = arith.constant 0 : i32
    %scan3A_2 = arith.constant 16 : i32
    %scan3A_3 = arith.addi %scan3A_1, %scan3A_2 : i32
    %scan3A_4 = arith.constant 1 : i32
    scf.for %scan3A_6 = %scan3A_1 to %scan3A_3 step %scan3A_4  : i32 {
      %mul3A_7 = arith.constant 32 : i32
      %mul3A_8 = arith.muli %scan3A_6, %mul3A_7 : i32
      %add3A_9 = arith.addi %mul3A_8, %add3A : i32
      %lt3A = arith.constant 500 : i32
      %lt3A_10 = arith.cmpi slt, %add3A_9, %lt3A : i32
      %convert_element_type3A = arith.extui %lt3A_10 : i1 to i32
      %cond3A = arith.constant 0 : i32
      %cond3A_11 = arith.cmpi ne, %convert_element_type3A, %cond3A : i32
      scf.if %cond3A_11 {
        %mul3A_12 = arith.constant 320 : i32
        %mul3A_13 = arith.muli %add3A_9, %mul3A_12 : i32
        "tpu.region"() ({
          %run_scoped3A = tpu.sem_alloc : memref<!tpu.dma_semaphore, #tpu.memory_space<semaphore_mem>>
          %dma_start3A_18 = tpu.memref_slice %arg3[%mul3A_13] : memref<160000xi32, #tpu.memory_space<hbm>> -> memref<320xi32, #tpu.memory_space<hbm>>
          %dma_start3A_19 = tpu.memref_slice %arg3[%mul3A_13] : memref<160000xi32, #tpu.memory_space<hbm>> -> memref<320xi32, #tpu.memory_space<hbm>>
          tpu.enqueue_dma source(%dma_start3A_19 : memref<320xi32, #tpu.memory_space<hbm>>) target(%arg5 : memref<320xi32, #tpu.memory_space<vmem>>) target_semaphore(%run_scoped3A : memref<!tpu.dma_semaphore, #tpu.memory_space<semaphore_mem>>)
          %dma_wait3A_20 = tpu.memref_slice %arg3[%mul3A_13] : memref<160000xi32, #tpu.memory_space<hbm>> -> memref<320xi32, #tpu.memory_space<hbm>>
          %dma_wait3A_21 = tpu.memref_slice %arg3[%mul3A_13] : memref<160000xi32, #tpu.memory_space<hbm>> -> memref<320xi32, #tpu.memory_space<hbm>>
          tpu.wait_dma2 semaphore(%run_scoped3A : memref<!tpu.dma_semaphore, #tpu.memory_space<semaphore_mem>>) src(%dma_wait3A_21 : memref<320xi32, #tpu.memory_space<hbm>>) dst(%arg5 : memref<320xi32, #tpu.memory_space<vmem>>)
          tpu.yield
        }) : () -> ()
        %dma_start3A = arith.constant 0 : i32
        %dma_start3A_14 = arith.constant 0 : i32
        %dma_start3A_15 = tpu.memref_slice %arg2[%dma_start3A, %dma_start3A_14] : memref<160000x128xf32, #tpu.memory_space<hbm>> -> memref<160000x128xf32, #tpu.memory_space<hbm>>
        tpu.enqueue_indirect_dma source(%dma_start3A_15 : memref<160000x128xf32, #tpu.memory_space<hbm>>) target(%arg6 : memref<320x128xf32, #tpu.memory_space<vmem>>) offsets(%arg5 : memref<320xi32, #tpu.memory_space<vmem>>) semaphore(%arg7 : memref<!tpu.dma_semaphore, #tpu.memory_space<semaphore_mem>>)
        %dma_wait3A = arith.constant 0 : i32
        %dma_wait3A_16 = arith.constant 0 : i32
        %dma_wait3A_17 = tpu.memref_slice %arg2[%dma_wait3A, %dma_wait3A_16] : memref<160000x128xf32, #tpu.memory_space<hbm>> -> memref<160000x128xf32, #tpu.memory_space<hbm>>
        tpu.wait_indirect_dma semaphore(%arg7 : memref<!tpu.dma_semaphore, #tpu.memory_space<semaphore_mem>>) src(%dma_wait3A_17 : memref<160000x128xf32, #tpu.memory_space<hbm>>) dst(%arg6 : memref<320x128xf32, #tpu.memory_space<vmem>>)
        "tpu.region"() ({
          %run_scoped3A = tpu.sem_alloc : memref<!tpu.dma_semaphore, #tpu.memory_space<semaphore_mem>>
          %dma_start3A_18 = arith.constant 0 : i32
          %dma_start3A_19 = tpu.memref_slice %arg4[%mul3A_13, %dma_start3A_18] : memref<160000x128xf32, #tpu.memory_space<hbm>> -> memref<320x128xf32, #tpu.memory_space<hbm>>
          %dma_start3A_20 = arith.constant 0 : i32
          %dma_start3A_21 = tpu.memref_slice %arg4[%mul3A_13, %dma_start3A_20] : memref<160000x128xf32, #tpu.memory_space<hbm>> -> memref<320x128xf32, #tpu.memory_space<hbm>>
          tpu.enqueue_dma source(%arg6 : memref<320x128xf32, #tpu.memory_space<vmem>>) target(%dma_start3A_21 : memref<320x128xf32, #tpu.memory_space<hbm>>) target_semaphore(%run_scoped3A : memref<!tpu.dma_semaphore, #tpu.memory_space<semaphore_mem>>)
          %dma_wait3A_22 = arith.constant 0 : i32
          %dma_wait3A_23 = tpu.memref_slice %arg4[%mul3A_13, %dma_wait3A_22] : memref<160000x128xf32, #tpu.memory_space<hbm>> -> memref<320x128xf32, #tpu.memory_space<hbm>>
          %dma_wait3A_24 = arith.constant 0 : i32
          %dma_wait3A_25 = tpu.memref_slice %arg4[%mul3A_13, %dma_wait3A_24] : memref<160000x128xf32, #tpu.memory_space<hbm>> -> memref<320x128xf32, #tpu.memory_space<hbm>>
          tpu.wait_dma2 semaphore(%run_scoped3A : memref<!tpu.dma_semaphore, #tpu.memory_space<semaphore_mem>>) src(%arg6 : memref<320x128xf32, #tpu.memory_space<vmem>>) dst(%dma_wait3A_25 : memref<320x128xf32, #tpu.memory_space<hbm>>)
          tpu.yield
        }) : () -> ()
      } else {
      }
    }
    %scan3A_5 = arith.constant 16 : i32
    return
  }
}

#map = affine_map<(d0, d1) -> (0, 0)>
#map1 = affine_map<(d0, d1) -> (0)>
module attributes {stable_mosaic.version = 14 : i64} {
  func.func @k(%arg0: i32, %arg1: i32, %arg2: memref<160000x128xf32, #tpu.memory_space<hbm>>, %arg3: memref<1280000xi32, #tpu.memory_space<hbm>>, %arg4: memref<1280000x128xf32, #tpu.memory_space<hbm>>, %arg5: memref<320xi32, #tpu.memory_space<vmem>>, %arg6: memref<320x128xf32, #tpu.memory_space<vmem>>, %arg7: memref<!tpu.dma_semaphore, #tpu.memory_space<semaphore_mem>>) attributes {dimension_semantics = [#tpu.dimension_semantics<core_parallel>, #tpu.dimension_semantics<subcore_parallel>], iteration_bounds = array<i64: 2, 16>, scalar_prefetch = 0 : i64, scratch_operands = 3 : i64, tpu.core_type = #tpu.core_type<sc_vector_subcore>, window_params = [{transform_indices = #map}, {transform_indices = #map1}, {transform_indices = #map}]} {
    %mul3A = arith.constant 2 : i32
    %mul3A_0 = arith.muli %arg1, %mul3A : i32
    %add3A = arith.addi %mul3A_0, %arg0 : i32
    %scan3A = arith.constant 0 : i32
    %scan3A_1 = arith.constant 0 : i32
    %scan3A_2 = arith.constant 125 : i32
    %scan3A_3 = arith.addi %scan3A_1, %scan3A_2 : i32
    %scan3A_4 = arith.constant 1 : i32
    scf.for %scan3A_6 = %scan3A_1 to %scan3A_3 step %scan3A_4  : i32 {
      %mul3A_7 = arith.constant 32 : i32
      %mul3A_8 = arith.muli %scan3A_6, %mul3A_7 : i32
      %add3A_9 = arith.addi %mul3A_8, %add3A : i32
      %lt3A = arith.constant 4000 : i32
      %lt3A_10 = arith.cmpi slt, %add3A_9, %lt3A : i32
      %convert_element_type3A = arith.extui %lt3A_10 : i1 to i32
      %cond3A = arith.constant 0 : i32
      %cond3A_11 = arith.cmpi ne, %convert_element_type3A, %cond3A : i32
      scf.if %cond3A_11 {
        %mul3A_12 = arith.constant 320 : i32
        %mul3A_13 = arith.muli %add3A_9, %mul3A_12 : i32
        "tpu.region"() ({
          %run_scoped3A = tpu.sem_alloc : memref<!tpu.dma_semaphore, #tpu.memory_space<semaphore_mem>>
          %dma_start3A_18 = tpu.memref_slice %arg3[%mul3A_13] : memref<1280000xi32, #tpu.memory_space<hbm>> -> memref<320xi32, #tpu.memory_space<hbm>>
          %dma_start3A_19 = tpu.memref_slice %arg3[%mul3A_13] : memref<1280000xi32, #tpu.memory_space<hbm>> -> memref<320xi32, #tpu.memory_space<hbm>>
          tpu.enqueue_dma source(%dma_start3A_19 : memref<320xi32, #tpu.memory_space<hbm>>) target(%arg5 : memref<320xi32, #tpu.memory_space<vmem>>) target_semaphore(%run_scoped3A : memref<!tpu.dma_semaphore, #tpu.memory_space<semaphore_mem>>)
          %dma_wait3A_20 = tpu.memref_slice %arg3[%mul3A_13] : memref<1280000xi32, #tpu.memory_space<hbm>> -> memref<320xi32, #tpu.memory_space<hbm>>
          %dma_wait3A_21 = tpu.memref_slice %arg3[%mul3A_13] : memref<1280000xi32, #tpu.memory_space<hbm>> -> memref<320xi32, #tpu.memory_space<hbm>>
          tpu.wait_dma2 semaphore(%run_scoped3A : memref<!tpu.dma_semaphore, #tpu.memory_space<semaphore_mem>>) src(%dma_wait3A_21 : memref<320xi32, #tpu.memory_space<hbm>>) dst(%arg5 : memref<320xi32, #tpu.memory_space<vmem>>)
          tpu.yield
        }) : () -> ()
        %dma_start3A = arith.constant 0 : i32
        %dma_start3A_14 = arith.constant 0 : i32
        %dma_start3A_15 = tpu.memref_slice %arg2[%dma_start3A, %dma_start3A_14] : memref<160000x128xf32, #tpu.memory_space<hbm>> -> memref<160000x128xf32, #tpu.memory_space<hbm>>
        tpu.enqueue_indirect_dma source(%dma_start3A_15 : memref<160000x128xf32, #tpu.memory_space<hbm>>) target(%arg6 : memref<320x128xf32, #tpu.memory_space<vmem>>) offsets(%arg5 : memref<320xi32, #tpu.memory_space<vmem>>) semaphore(%arg7 : memref<!tpu.dma_semaphore, #tpu.memory_space<semaphore_mem>>)
        %dma_wait3A = arith.constant 0 : i32
        %dma_wait3A_16 = arith.constant 0 : i32
        %dma_wait3A_17 = tpu.memref_slice %arg2[%dma_wait3A, %dma_wait3A_16] : memref<160000x128xf32, #tpu.memory_space<hbm>> -> memref<160000x128xf32, #tpu.memory_space<hbm>>
        tpu.wait_indirect_dma semaphore(%arg7 : memref<!tpu.dma_semaphore, #tpu.memory_space<semaphore_mem>>) src(%dma_wait3A_17 : memref<160000x128xf32, #tpu.memory_space<hbm>>) dst(%arg6 : memref<320x128xf32, #tpu.memory_space<vmem>>)
        "tpu.region"() ({
          %run_scoped3A = tpu.sem_alloc : memref<!tpu.dma_semaphore, #tpu.memory_space<semaphore_mem>>
          %dma_start3A_18 = arith.constant 0 : i32
          %dma_start3A_19 = tpu.memref_slice %arg4[%mul3A_13, %dma_start3A_18] : memref<1280000x128xf32, #tpu.memory_space<hbm>> -> memref<320x128xf32, #tpu.memory_space<hbm>>
          %dma_start3A_20 = arith.constant 0 : i32
          %dma_start3A_21 = tpu.memref_slice %arg4[%mul3A_13, %dma_start3A_20] : memref<1280000x128xf32, #tpu.memory_space<hbm>> -> memref<320x128xf32, #tpu.memory_space<hbm>>
          tpu.enqueue_dma source(%arg6 : memref<320x128xf32, #tpu.memory_space<vmem>>) target(%dma_start3A_21 : memref<320x128xf32, #tpu.memory_space<hbm>>) target_semaphore(%run_scoped3A : memref<!tpu.dma_semaphore, #tpu.memory_space<semaphore_mem>>)
          %dma_wait3A_22 = arith.constant 0 : i32
          %dma_wait3A_23 = tpu.memref_slice %arg4[%mul3A_13, %dma_wait3A_22] : memref<1280000x128xf32, #tpu.memory_space<hbm>> -> memref<320x128xf32, #tpu.memory_space<hbm>>
          %dma_wait3A_24 = arith.constant 0 : i32
          %dma_wait3A_25 = tpu.memref_slice %arg4[%mul3A_13, %dma_wait3A_24] : memref<1280000x128xf32, #tpu.memory_space<hbm>> -> memref<320x128xf32, #tpu.memory_space<hbm>>
          tpu.wait_dma2 semaphore(%run_scoped3A : memref<!tpu.dma_semaphore, #tpu.memory_space<semaphore_mem>>) src(%arg6 : memref<320x128xf32, #tpu.memory_space<vmem>>) dst(%dma_wait3A_25 : memref<320x128xf32, #tpu.memory_space<hbm>>)
          tpu.yield
        }) : () -> ()
      } else {
      }
    }
    %scan3A_5 = arith.constant 125 : i32
    return
  }
}

#map = affine_map<(d0, d1) -> (0, 0)>
#map1 = affine_map<(d0, d1) -> (0)>
module attributes {stable_mosaic.version = 14 : i64} {
  func.func @k(%arg0: i32, %arg1: i32, %arg2: memref<10112x128xf32, #tpu.memory_space<hbm>>, %arg3: memref<160000x128xf32, #tpu.memory_space<hbm>>, %arg4: memref<160000xi32, #tpu.memory_space<hbm>>, %arg5: memref<10112x128xf32, #tpu.memory_space<hbm>>, %arg6: memref<320xi32, #tpu.memory_space<vmem>>, %arg7: memref<320x128xf32, #tpu.memory_space<vmem>>, %arg8: memref<10112x128xf32, #tpu.memory_space<vmem_shared>>, %arg9: memref<!tpu.dma_semaphore, #tpu.memory_space<semaphore_mem>>) attributes {dimension_semantics = [#tpu.dimension_semantics<core_parallel>, #tpu.dimension_semantics<subcore_parallel>], iteration_bounds = array<i64: 2, 16>, scalar_prefetch = 0 : i64, scratch_operands = 4 : i64, tpu.core_type = #tpu.core_type<sc_vector_subcore>, window_params = [{transform_indices = #map}, {transform_indices = #map}, {transform_indices = #map1}, {transform_indices = #map}]} {
    %eq3A = arith.constant 0 : i32
    %eq3A_0 = arith.cmpi eq, %arg0, %eq3A : i32
    %convert_element_type3A = arith.extui %eq3A_0 : i1 to i32
    %cond3A = arith.constant 0 : i32
    %cond3A_1 = arith.cmpi ne, %convert_element_type3A, %cond3A : i32
    scf.if %cond3A_1 {
      %mul3A = arith.constant 632 : i32
      %mul3A_2 = arith.muli %arg1, %mul3A : i32
      %mul3A_3 = arith.constant 632 : i32
      %mul3A_4 = arith.muli %arg1, %mul3A_3 : i32
      "tpu.region"() ({
        %run_scoped3A = tpu.sem_alloc : memref<!tpu.dma_semaphore, #tpu.memory_space<semaphore_mem>>
        %dma_start3A = arith.constant 0 : i32
        %dma_start3A_15 = tpu.memref_slice %arg8[%mul3A_4, %dma_start3A] : memref<10112x128xf32, #tpu.memory_space<vmem_shared>> -> memref<632x128xf32, #tpu.memory_space<vmem_shared>>
        %dma_start3A_16 = arith.constant 0 : i32
        %dma_start3A_17 = tpu.memref_slice %arg2[%mul3A_2, %dma_start3A_16] : memref<10112x128xf32, #tpu.memory_space<hbm>> -> memref<632x128xf32, #tpu.memory_space<hbm>>
        tpu.enqueue_dma source(%dma_start3A_17 : memref<632x128xf32, #tpu.memory_space<hbm>>) target(%dma_start3A_15 : memref<632x128xf32, #tpu.memory_space<vmem_shared>>) target_semaphore(%run_scoped3A : memref<!tpu.dma_semaphore, #tpu.memory_space<semaphore_mem>>)
        %dma_wait3A = arith.constant 0 : i32
        %dma_wait3A_18 = tpu.memref_slice %arg8[%mul3A_4, %dma_wait3A] : memref<10112x128xf32, #tpu.memory_space<vmem_shared>> -> memref<632x128xf32, #tpu.memory_space<vmem_shared>>
        %dma_wait3A_19 = arith.constant 0 : i32
        %dma_wait3A_20 = tpu.memref_slice %arg2[%mul3A_2, %dma_wait3A_19] : memref<10112x128xf32, #tpu.memory_space<hbm>> -> memref<632x128xf32, #tpu.memory_space<hbm>>
        tpu.wait_dma2 semaphore(%run_scoped3A : memref<!tpu.dma_semaphore, #tpu.memory_space<semaphore_mem>>) src(%dma_wait3A_20 : memref<632x128xf32, #tpu.memory_space<hbm>>) dst(%dma_wait3A_18 : memref<632x128xf32, #tpu.memory_space<vmem_shared>>)
        tpu.yield
      }) : () -> ()
      %barrier3A = arith.constant 0 : index
      tpu.barrier barrier_id(%barrier3A)
      %scan3A = arith.constant 0 : i32
      %scan3A_5 = arith.constant 0 : i32
      %scan3A_6 = arith.constant 32 : i32
      %scan3A_7 = arith.addi %scan3A_5, %scan3A_6 : i32
      %scan3A_8 = arith.constant 1 : i32
      scf.for %scan3A_15 = %scan3A_5 to %scan3A_7 step %scan3A_8  : i32 {
        %mul3A_16 = arith.constant 16 : i32
        %mul3A_17 = arith.muli %scan3A_15, %mul3A_16 : i32
        %add3A = arith.addi %mul3A_17, %arg1 : i32
        %lt3A = arith.constant 500 : i32
        %lt3A_18 = arith.cmpi slt, %add3A, %lt3A : i32
        %convert_element_type3A_19 = arith.extui %lt3A_18 : i1 to i32
        %cond3A_20 = arith.constant 0 : i32
        %cond3A_21 = arith.cmpi ne, %convert_element_type3A_19, %cond3A_20 : i32
        scf.if %cond3A_21 {
          %mul3A_22 = arith.constant 320 : i32
          %mul3A_23 = arith.muli %add3A, %mul3A_22 : i32
          "tpu.region"() ({
            %run_scoped3A = tpu.sem_alloc : memref<!tpu.dma_semaphore, #tpu.memory_space<semaphore_mem>>
            %dma_start3A = tpu.memref_slice %arg4[%mul3A_23] : memref<160000xi32, #tpu.memory_space<hbm>> -> memref<320xi32, #tpu.memory_space<hbm>>
            %dma_start3A_24 = tpu.memref_slice %arg4[%mul3A_23] : memref<160000xi32, #tpu.memory_space<hbm>> -> memref<320xi32, #tpu.memory_space<hbm>>
            tpu.enqueue_dma source(%dma_start3A_24 : memref<320xi32, #tpu.memory_space<hbm>>) target(%arg6 : memref<320xi32, #tpu.memory_space<vmem>>) target_semaphore(%run_scoped3A : memref<!tpu.dma_semaphore, #tpu.memory_space<semaphore_mem>>)
            %dma_wait3A = tpu.memref_slice %arg4[%mul3A_23] : memref<160000xi32, #tpu.memory_space<hbm>> -> memref<320xi32, #tpu.memory_space<hbm>>
            %dma_wait3A_25 = tpu.memref_slice %arg4[%mul3A_23] : memref<160000xi32, #tpu.memory_space<hbm>> -> memref<320xi32, #tpu.memory_space<hbm>>
            tpu.wait_dma2 semaphore(%run_scoped3A : memref<!tpu.dma_semaphore, #tpu.memory_space<semaphore_mem>>) src(%dma_wait3A_25 : memref<320xi32, #tpu.memory_space<hbm>>) dst(%arg6 : memref<320xi32, #tpu.memory_space<vmem>>)
            tpu.yield
          }) : () -> ()
          "tpu.region"() ({
            %run_scoped3A = tpu.sem_alloc : memref<!tpu.dma_semaphore, #tpu.memory_space<semaphore_mem>>
            %dma_start3A = arith.constant 0 : i32
            %dma_start3A_24 = tpu.memref_slice %arg3[%mul3A_23, %dma_start3A] : memref<160000x128xf32, #tpu.memory_space<hbm>> -> memref<320x128xf32, #tpu.memory_space<hbm>>
            %dma_start3A_25 = arith.constant 0 : i32
            %dma_start3A_26 = tpu.memref_slice %arg3[%mul3A_23, %dma_start3A_25] : memref<160000x128xf32, #tpu.memory_space<hbm>> -> memref<320x128xf32, #tpu.memory_space<hbm>>
            tpu.enqueue_dma source(%dma_start3A_26 : memref<320x128xf32, #tpu.memory_space<hbm>>) target(%arg7 : memref<320x128xf32, #tpu.memory_space<vmem>>) target_semaphore(%run_scoped3A : memref<!tpu.dma_semaphore, #tpu.memory_space<semaphore_mem>>)
            %dma_wait3A = arith.constant 0 : i32
            %dma_wait3A_27 = tpu.memref_slice %arg3[%mul3A_23, %dma_wait3A] : memref<160000x128xf32, #tpu.memory_space<hbm>> -> memref<320x128xf32, #tpu.memory_space<hbm>>
            %dma_wait3A_28 = arith.constant 0 : i32
            %dma_wait3A_29 = tpu.memref_slice %arg3[%mul3A_23, %dma_wait3A_28] : memref<160000x128xf32, #tpu.memory_space<hbm>> -> memref<320x128xf32, #tpu.memory_space<hbm>>
            tpu.wait_dma2 semaphore(%run_scoped3A : memref<!tpu.dma_semaphore, #tpu.memory_space<semaphore_mem>>) src(%dma_wait3A_29 : memref<320x128xf32, #tpu.memory_space<hbm>>) dst(%arg7 : memref<320x128xf32, #tpu.memory_space<vmem>>)
            tpu.yield
          }) : () -> ()
          "tpu.region"() ({
            %run_scoped3A = tpu.sem_alloc : memref<!tpu.dma_semaphore, #tpu.memory_space<semaphore_mem>>
            %dma_start3A = arith.constant 0 : i32
            %dma_start3A_24 = arith.constant 0 : i32
            %dma_start3A_25 = tpu.memref_slice %arg8[%dma_start3A, %dma_start3A_24] : memref<10112x128xf32, #tpu.memory_space<vmem_shared>> -> memref<10112x128xf32, #tpu.memory_space<vmem_shared>>
            tpu.enqueue_indirect_dma source(%arg7 : memref<320x128xf32, #tpu.memory_space<vmem>>) target(%dma_start3A_25 : memref<10112x128xf32, #tpu.memory_space<vmem_shared>>) offsets(%arg6 : memref<320xi32, #tpu.memory_space<vmem>>) semaphore(%run_scoped3A : memref<!tpu.dma_semaphore, #tpu.memory_space<semaphore_mem>>) {add = true}
            %dma_wait3A = arith.constant 0 : i32
            %dma_wait3A_26 = arith.constant 0 : i32
            %dma_wait3A_27 = tpu.memref_slice %arg8[%dma_wait3A, %dma_wait3A_26] : memref<10112x128xf32, #tpu.memory_space<vmem_shared>> -> memref<10112x128xf32, #tpu.memory_space<vmem_shared>>
            tpu.wait_indirect_dma semaphore(%run_scoped3A : memref<!tpu.dma_semaphore, #tpu.memory_space<semaphore_mem>>) src(%arg7 : memref<320x128xf32, #tpu.memory_space<vmem>>) dst(%dma_wait3A_27 : memref<10112x128xf32, #tpu.memory_space<vmem_shared>>)
            tpu.yield
          }) : () -> ()
        } else {
        }
      }
      %scan3A_9 = arith.constant 32 : i32
      %barrier3A_10 = arith.constant 0 : index
      tpu.barrier barrier_id(%barrier3A_10)
      %mul3A_11 = arith.constant 632 : i32
      %mul3A_12 = arith.muli %arg1, %mul3A_11 : i32
      %mul3A_13 = arith.constant 632 : i32
      %mul3A_14 = arith.muli %arg1, %mul3A_13 : i32
      "tpu.region"() ({
        %run_scoped3A = tpu.sem_alloc : memref<!tpu.dma_semaphore, #tpu.memory_space<semaphore_mem>>
        %dma_start3A = arith.constant 0 : i32
        %dma_start3A_15 = tpu.memref_slice %arg5[%mul3A_14, %dma_start3A] : memref<10112x128xf32, #tpu.memory_space<hbm>> -> memref<632x128xf32, #tpu.memory_space<hbm>>
        %dma_start3A_16 = arith.constant 0 : i32
        %dma_start3A_17 = tpu.memref_slice %arg8[%mul3A_12, %dma_start3A_16] : memref<10112x128xf32, #tpu.memory_space<vmem_shared>> -> memref<632x128xf32, #tpu.memory_space<vmem_shared>>
        tpu.enqueue_dma source(%dma_start3A_17 : memref<632x128xf32, #tpu.memory_space<vmem_shared>>) target(%dma_start3A_15 : memref<632x128xf32, #tpu.memory_space<hbm>>) target_semaphore(%run_scoped3A : memref<!tpu.dma_semaphore, #tpu.memory_space<semaphore_mem>>)
        %dma_wait3A = arith.constant 0 : i32
        %dma_wait3A_18 = tpu.memref_slice %arg5[%mul3A_14, %dma_wait3A] : memref<10112x128xf32, #tpu.memory_space<hbm>> -> memref<632x128xf32, #tpu.memory_space<hbm>>
        %dma_wait3A_19 = arith.constant 0 : i32
        %dma_wait3A_20 = tpu.memref_slice %arg8[%mul3A_12, %dma_wait3A_19] : memref<10112x128xf32, #tpu.memory_space<vmem_shared>> -> memref<632x128xf32, #tpu.memory_space<vmem_shared>>
        tpu.wait_dma2 semaphore(%run_scoped3A : memref<!tpu.dma_semaphore, #tpu.memory_space<semaphore_mem>>) src(%dma_wait3A_20 : memref<632x128xf32, #tpu.memory_space<vmem_shared>>) dst(%dma_wait3A_18 : memref<632x128xf32, #tpu.memory_space<hbm>>)
        tpu.yield
      }) : () -> ()
    } else {
    }
    return
  }
}

#map = affine_map<(d0, d1) -> (0, 0)>
#map1 = affine_map<(d0, d1) -> (0)>
module attributes {stable_mosaic.version = 14 : i64} {
  func.func @k(%arg0: i32, %arg1: i32, %arg2: memref<10112x128xf32, #tpu.memory_space<hbm>>, %arg3: memref<160000x128xf32, #tpu.memory_space<hbm>>, %arg4: memref<160000xi32, #tpu.memory_space<hbm>>, %arg5: memref<10112x128xf32, #tpu.memory_space<hbm>>, %arg6: memref<320xi32, #tpu.memory_space<vmem>>, %arg7: memref<320x128xf32, #tpu.memory_space<vmem>>, %arg8: memref<10112x128xf32, #tpu.memory_space<vmem_shared>>, %arg9: memref<!tpu.dma_semaphore, #tpu.memory_space<semaphore_mem>>) attributes {dimension_semantics = [#tpu.dimension_semantics<core_parallel>, #tpu.dimension_semantics<subcore_parallel>], iteration_bounds = array<i64: 2, 16>, scalar_prefetch = 0 : i64, scratch_operands = 4 : i64, tpu.core_type = #tpu.core_type<sc_vector_subcore>, window_params = [{transform_indices = #map}, {transform_indices = #map}, {transform_indices = #map1}, {transform_indices = #map}]} {
    %eq3A = arith.constant 0 : i32
    %eq3A_0 = arith.cmpi eq, %arg0, %eq3A : i32
    %convert_element_type3A = arith.extui %eq3A_0 : i1 to i32
    %cond3A = arith.constant 0 : i32
    %cond3A_1 = arith.cmpi ne, %convert_element_type3A, %cond3A : i32
    scf.if %cond3A_1 {
      %mul3A = arith.constant 632 : i32
      %mul3A_2 = arith.muli %arg1, %mul3A : i32
      %mul3A_3 = arith.constant 632 : i32
      %mul3A_4 = arith.muli %arg1, %mul3A_3 : i32
      "tpu.region"() ({
        %run_scoped3A = tpu.sem_alloc : memref<!tpu.dma_semaphore, #tpu.memory_space<semaphore_mem>>
        %dma_start3A = arith.constant 0 : i32
        %dma_start3A_15 = tpu.memref_slice %arg8[%mul3A_4, %dma_start3A] : memref<10112x128xf32, #tpu.memory_space<vmem_shared>> -> memref<632x128xf32, #tpu.memory_space<vmem_shared>>
        %dma_start3A_16 = arith.constant 0 : i32
        %dma_start3A_17 = tpu.memref_slice %arg2[%mul3A_2, %dma_start3A_16] : memref<10112x128xf32, #tpu.memory_space<hbm>> -> memref<632x128xf32, #tpu.memory_space<hbm>>
        tpu.enqueue_dma source(%dma_start3A_17 : memref<632x128xf32, #tpu.memory_space<hbm>>) target(%dma_start3A_15 : memref<632x128xf32, #tpu.memory_space<vmem_shared>>) target_semaphore(%run_scoped3A : memref<!tpu.dma_semaphore, #tpu.memory_space<semaphore_mem>>)
        %dma_wait3A = arith.constant 0 : i32
        %dma_wait3A_18 = tpu.memref_slice %arg8[%mul3A_4, %dma_wait3A] : memref<10112x128xf32, #tpu.memory_space<vmem_shared>> -> memref<632x128xf32, #tpu.memory_space<vmem_shared>>
        %dma_wait3A_19 = arith.constant 0 : i32
        %dma_wait3A_20 = tpu.memref_slice %arg2[%mul3A_2, %dma_wait3A_19] : memref<10112x128xf32, #tpu.memory_space<hbm>> -> memref<632x128xf32, #tpu.memory_space<hbm>>
        tpu.wait_dma2 semaphore(%run_scoped3A : memref<!tpu.dma_semaphore, #tpu.memory_space<semaphore_mem>>) src(%dma_wait3A_20 : memref<632x128xf32, #tpu.memory_space<hbm>>) dst(%dma_wait3A_18 : memref<632x128xf32, #tpu.memory_space<vmem_shared>>)
        tpu.yield
      }) : () -> ()
      %barrier3A = arith.constant 0 : index
      tpu.barrier barrier_id(%barrier3A)
      %scan3A = arith.constant 0 : i32
      %scan3A_5 = arith.constant 0 : i32
      %scan3A_6 = arith.constant 32 : i32
      %scan3A_7 = arith.addi %scan3A_5, %scan3A_6 : i32
      %scan3A_8 = arith.constant 1 : i32
      scf.for %scan3A_15 = %scan3A_5 to %scan3A_7 step %scan3A_8  : i32 {
        %mul3A_16 = arith.constant 16 : i32
        %mul3A_17 = arith.muli %scan3A_15, %mul3A_16 : i32
        %add3A = arith.addi %mul3A_17, %arg1 : i32
        %lt3A = arith.constant 500 : i32
        %lt3A_18 = arith.cmpi slt, %add3A, %lt3A : i32
        %convert_element_type3A_19 = arith.extui %lt3A_18 : i1 to i32
        %cond3A_20 = arith.constant 0 : i32
        %cond3A_21 = arith.cmpi ne, %convert_element_type3A_19, %cond3A_20 : i32
        scf.if %cond3A_21 {
          %mul3A_22 = arith.constant 320 : i32
          %mul3A_23 = arith.muli %add3A, %mul3A_22 : i32
          "tpu.region"() ({
            %run_scoped3A = tpu.sem_alloc : memref<!tpu.dma_semaphore, #tpu.memory_space<semaphore_mem>>
            %dma_start3A = tpu.memref_slice %arg4[%mul3A_23] : memref<160000xi32, #tpu.memory_space<hbm>> -> memref<320xi32, #tpu.memory_space<hbm>>
            %dma_start3A_24 = tpu.memref_slice %arg4[%mul3A_23] : memref<160000xi32, #tpu.memory_space<hbm>> -> memref<320xi32, #tpu.memory_space<hbm>>
            tpu.enqueue_dma source(%dma_start3A_24 : memref<320xi32, #tpu.memory_space<hbm>>) target(%arg6 : memref<320xi32, #tpu.memory_space<vmem>>) target_semaphore(%run_scoped3A : memref<!tpu.dma_semaphore, #tpu.memory_space<semaphore_mem>>)
            %dma_wait3A = tpu.memref_slice %arg4[%mul3A_23] : memref<160000xi32, #tpu.memory_space<hbm>> -> memref<320xi32, #tpu.memory_space<hbm>>
            %dma_wait3A_25 = tpu.memref_slice %arg4[%mul3A_23] : memref<160000xi32, #tpu.memory_space<hbm>> -> memref<320xi32, #tpu.memory_space<hbm>>
            tpu.wait_dma2 semaphore(%run_scoped3A : memref<!tpu.dma_semaphore, #tpu.memory_space<semaphore_mem>>) src(%dma_wait3A_25 : memref<320xi32, #tpu.memory_space<hbm>>) dst(%arg6 : memref<320xi32, #tpu.memory_space<vmem>>)
            tpu.yield
          }) : () -> ()
          "tpu.region"() ({
            %run_scoped3A = tpu.sem_alloc : memref<!tpu.dma_semaphore, #tpu.memory_space<semaphore_mem>>
            %dma_start3A = arith.constant 0 : i32
            %dma_start3A_24 = tpu.memref_slice %arg3[%mul3A_23, %dma_start3A] : memref<160000x128xf32, #tpu.memory_space<hbm>> -> memref<320x128xf32, #tpu.memory_space<hbm>>
            %dma_start3A_25 = arith.constant 0 : i32
            %dma_start3A_26 = tpu.memref_slice %arg3[%mul3A_23, %dma_start3A_25] : memref<160000x128xf32, #tpu.memory_space<hbm>> -> memref<320x128xf32, #tpu.memory_space<hbm>>
            tpu.enqueue_dma source(%dma_start3A_26 : memref<320x128xf32, #tpu.memory_space<hbm>>) target(%arg7 : memref<320x128xf32, #tpu.memory_space<vmem>>) target_semaphore(%run_scoped3A : memref<!tpu.dma_semaphore, #tpu.memory_space<semaphore_mem>>)
            %dma_wait3A = arith.constant 0 : i32
            %dma_wait3A_27 = tpu.memref_slice %arg3[%mul3A_23, %dma_wait3A] : memref<160000x128xf32, #tpu.memory_space<hbm>> -> memref<320x128xf32, #tpu.memory_space<hbm>>
            %dma_wait3A_28 = arith.constant 0 : i32
            %dma_wait3A_29 = tpu.memref_slice %arg3[%mul3A_23, %dma_wait3A_28] : memref<160000x128xf32, #tpu.memory_space<hbm>> -> memref<320x128xf32, #tpu.memory_space<hbm>>
            tpu.wait_dma2 semaphore(%run_scoped3A : memref<!tpu.dma_semaphore, #tpu.memory_space<semaphore_mem>>) src(%dma_wait3A_29 : memref<320x128xf32, #tpu.memory_space<hbm>>) dst(%arg7 : memref<320x128xf32, #tpu.memory_space<vmem>>)
            tpu.yield
          }) : () -> ()
          "tpu.region"() ({
            %run_scoped3A = tpu.sem_alloc : memref<!tpu.dma_semaphore, #tpu.memory_space<semaphore_mem>>
            %dma_start3A = arith.constant 0 : i32
            %dma_start3A_24 = arith.constant 0 : i32
            %dma_start3A_25 = tpu.memref_slice %arg8[%dma_start3A, %dma_start3A_24] : memref<10112x128xf32, #tpu.memory_space<vmem_shared>> -> memref<10112x128xf32, #tpu.memory_space<vmem_shared>>
            tpu.enqueue_indirect_dma source(%arg7 : memref<320x128xf32, #tpu.memory_space<vmem>>) target(%dma_start3A_25 : memref<10112x128xf32, #tpu.memory_space<vmem_shared>>) offsets(%arg6 : memref<320xi32, #tpu.memory_space<vmem>>) semaphore(%run_scoped3A : memref<!tpu.dma_semaphore, #tpu.memory_space<semaphore_mem>>) {add = true}
            %dma_wait3A = arith.constant 0 : i32
            %dma_wait3A_26 = arith.constant 0 : i32
            %dma_wait3A_27 = tpu.memref_slice %arg8[%dma_wait3A, %dma_wait3A_26] : memref<10112x128xf32, #tpu.memory_space<vmem_shared>> -> memref<10112x128xf32, #tpu.memory_space<vmem_shared>>
            tpu.wait_indirect_dma semaphore(%run_scoped3A : memref<!tpu.dma_semaphore, #tpu.memory_space<semaphore_mem>>) src(%arg7 : memref<320x128xf32, #tpu.memory_space<vmem>>) dst(%dma_wait3A_27 : memref<10112x128xf32, #tpu.memory_space<vmem_shared>>)
            tpu.yield
          }) : () -> ()
        } else {
        }
      }
      %scan3A_9 = arith.constant 32 : i32
      %barrier3A_10 = arith.constant 0 : index
      tpu.barrier barrier_id(%barrier3A_10)
      %mul3A_11 = arith.constant 632 : i32
      %mul3A_12 = arith.muli %arg1, %mul3A_11 : i32
      %mul3A_13 = arith.constant 632 : i32
      %mul3A_14 = arith.muli %arg1, %mul3A_13 : i32
      "tpu.region"() ({
        %run_scoped3A = tpu.sem_alloc : memref<!tpu.dma_semaphore, #tpu.memory_space<semaphore_mem>>
        %dma_start3A = arith.constant 0 : i32
        %dma_start3A_15 = tpu.memref_slice %arg5[%mul3A_14, %dma_start3A] : memref<10112x128xf32, #tpu.memory_space<hbm>> -> memref<632x128xf32, #tpu.memory_space<hbm>>
        %dma_start3A_16 = arith.constant 0 : i32
        %dma_start3A_17 = tpu.memref_slice %arg8[%mul3A_12, %dma_start3A_16] : memref<10112x128xf32, #tpu.memory_space<vmem_shared>> -> memref<632x128xf32, #tpu.memory_space<vmem_shared>>
        tpu.enqueue_dma source(%dma_start3A_17 : memref<632x128xf32, #tpu.memory_space<vmem_shared>>) target(%dma_start3A_15 : memref<632x128xf32, #tpu.memory_space<hbm>>) target_semaphore(%run_scoped3A : memref<!tpu.dma_semaphore, #tpu.memory_space<semaphore_mem>>)
        %dma_wait3A = arith.constant 0 : i32
        %dma_wait3A_18 = tpu.memref_slice %arg5[%mul3A_14, %dma_wait3A] : memref<10112x128xf32, #tpu.memory_space<hbm>> -> memref<632x128xf32, #tpu.memory_space<hbm>>
        %dma_wait3A_19 = arith.constant 0 : i32
        %dma_wait3A_20 = tpu.memref_slice %arg8[%mul3A_12, %dma_wait3A_19] : memref<10112x128xf32, #tpu.memory_space<vmem_shared>> -> memref<632x128xf32, #tpu.memory_space<vmem_shared>>
        tpu.wait_dma2 semaphore(%run_scoped3A : memref<!tpu.dma_semaphore, #tpu.memory_space<semaphore_mem>>) src(%dma_wait3A_20 : memref<632x128xf32, #tpu.memory_space<vmem_shared>>) dst(%dma_wait3A_18 : memref<632x128xf32, #tpu.memory_space<hbm>>)
        tpu.yield
      }) : () -> ()
    } else {
    }
    return
  }
}

module attributes {stable_mosaic.version = 14 : i64} {
  func.func @body(%arg0: i32, %arg1: memref<2000x128xf32, #tpu.memory_space<vmem>>, %arg2: memref<2000x128xf32, #tpu.memory_space<vmem>>, %arg3: memref<2000x128xf32, #tpu.memory_space<vmem>>) attributes {dimension_semantics = [#tpu.dimension_semantics<arbitrary>], iteration_bounds = array<i64: 80>, scalar_prefetch = 0 : i64, scratch_operands = 0 : i64, tpu.core_type = #tpu.core_type<tc>, window_params = [{transform_indices = @transform_0, window_bounds = array<i64: 2000, 128>}, {transform_indices = @transform_1, window_bounds = array<i64: 2000, 128>}, {transform_indices = @transform_2, window_bounds = array<i64: 2000, 128>}]} {
    %get3A = arith.constant 0 : index
    %get3A_0 = arith.constant 0 : index
    %get3A_1 = vector.load %arg2[%get3A, %get3A_0] : memref<2000x128xf32, #tpu.memory_space<vmem>>, vector<2000x128xf32>
    %slice3A = vector.extract_strided_slice %get3A_1 {offsets = [0, 0], sizes = [2000, 8], strides = [1, 1]} : vector<2000x128xf32> to vector<2000x8xf32>
    %get3A_2 = arith.constant 0 : index
    %get3A_3 = arith.constant 0 : index
    %get3A_4 = vector.load %arg1[%get3A_2, %get3A_3] : memref<2000x128xf32, #tpu.memory_space<vmem>>, vector<2000x128xf32>
    %reshape3A = vector.shape_cast %get3A_4 : vector<2000x128xf32> to vector<2000x8x16xf32>
    %broadcast_in_dim3A = vector.shape_cast %slice3A : vector<2000x8xf32> to vector<2000x8x1xf32>
    %mul3A = vector.broadcast %broadcast_in_dim3A : vector<2000x8x1xf32> to vector<2000x8x16xf32>
    %mul3A_5 = arith.mulf %reshape3A, %mul3A : vector<2000x8x16xf32>
    %reshape3A_6 = vector.shape_cast %mul3A_5 : vector<2000x8x16xf32> to vector<2000x128xf32>
    %swap3A = arith.constant 0 : index
    %swap3A_7 = arith.constant 0 : index
    %swap3A_8 = vector.load %arg3[%swap3A, %swap3A_7] : memref<2000x128xf32, #tpu.memory_space<vmem>>, vector<2000x128xf32>
    tpu.vector_store %arg3[%swap3A, %swap3A_7], %reshape3A_6 {strides = array<i32>} : memref<2000x128xf32, #tpu.memory_space<vmem>>, vector<2000x128xf32>,
    return
  }
  func.func @transform_0(%arg0: i32) -> (i32, i32) {
    %c0_i32 = arith.constant 0 : i32
    %c0_i32_0 = arith.constant 0 : i32
    return %arg0, %c0_i32 : i32, i32
  }
  func.func @transform_1(%arg0: i32) -> (i32, i32) {
    %c0_i32 = arith.constant 0 : i32
    %c0_i32_0 = arith.constant 0 : i32
    return %arg0, %c0_i32 : i32, i32
  }
  func.func @transform_2(%arg0: i32) -> (i32, i32) {
    %c0_i32 = arith.constant 0 : i32
    %c0_i32_0 = arith.constant 0 : i32
    return %arg0, %c0_i32 : i32, i32
  }
}

module attributes {stable_mosaic.version = 14 : i64} {
  func.func @body(%arg0: i32, %arg1: memref<1250x128xi32, #tpu.memory_space<vmem>>, %arg2: memref<1250x128xi32, #tpu.memory_space<vmem>>, %arg3: memref<1250x128xi32, #tpu.memory_space<vmem>>) attributes {dimension_semantics = [#tpu.dimension_semantics<arbitrary>], iteration_bounds = array<i64: 1>, scalar_prefetch = 0 : i64, scratch_operands = 0 : i64, tpu.core_type = #tpu.core_type<tc>, window_params = [{pipeline_mode = #tpu.pipeline_mode<synchronous>, transform_indices = @transform_0, window_bounds = array<i64: 1250, 128>}, {pipeline_mode = #tpu.pipeline_mode<synchronous>, transform_indices = @transform_1, window_bounds = array<i64: 1250, 128>}, {pipeline_mode = #tpu.pipeline_mode<synchronous>, transform_indices = @transform_2, window_bounds = array<i64: 1250, 128>}]} {
    %get3A = arith.constant 0 : index
    %get3A_0 = arith.constant 0 : index
    %get3A_1 = vector.load %arg1[%get3A, %get3A_0] : memref<1250x128xi32, #tpu.memory_space<vmem>>, vector<1250x128xi32>
    %lt3A = arith.constant 10000 : i32
    %lt3A_2 = vector.broadcast %lt3A : i32 to vector<1250x128xi32>
    %lt3A_3 = arith.cmpi slt, %get3A_1, %lt3A_2 : vector<1250x128xi32>
    %jit3A = arith.constant 10000 : i32
    %broadcast_in_dim3A = vector.broadcast %jit3A : i32 to vector<1250x128xi32>
    %select_n3A = arith.select %lt3A_3, %get3A_1, %broadcast_in_dim3A : vector<1250x128xi1>, vector<1250x128xi32>
    %swap3A = arith.constant 0 : index
    %swap3A_4 = arith.constant 0 : index
    %swap3A_5 = vector.load %arg2[%swap3A, %swap3A_4] : memref<1250x128xi32, #tpu.memory_space<vmem>>, vector<1250x128xi32>
    tpu.vector_store %arg2[%swap3A, %swap3A_4], %select_n3A {strides = array<i32>} : memref<1250x128xi32, #tpu.memory_space<vmem>>, vector<1250x128xi32>,
    %ge3A = arith.constant 10000 : i32
    %ge3A_6 = vector.broadcast %ge3A : i32 to vector<1250x128xi32>
    %ge3A_7 = arith.cmpi sge, %get3A_1, %ge3A_6 : vector<1250x128xi32>
    %sub3A = arith.constant 10000 : i32
    %sub3A_8 = vector.broadcast %sub3A : i32 to vector<1250x128xi32>
    %sub3A_9 = arith.subi %get3A_1, %sub3A_8 : vector<1250x128xi32>
    %jit3A_10 = arith.constant 10000 : i32
    %broadcast_in_dim3A_11 = vector.broadcast %jit3A_10 : i32 to vector<1250x128xi32>
    %select_n3A_12 = arith.select %ge3A_7, %sub3A_9, %broadcast_in_dim3A_11 : vector<1250x128xi1>, vector<1250x128xi32>
    %swap3A_13 = arith.constant 0 : index
    %swap3A_14 = arith.constant 0 : index
    %swap3A_15 = vector.load %arg3[%swap3A_13, %swap3A_14] : memref<1250x128xi32, #tpu.memory_space<vmem>>, vector<1250x128xi32>
    tpu.vector_store %arg3[%swap3A_13, %swap3A_14], %select_n3A_12 {strides = array<i32>} : memref<1250x128xi32, #tpu.memory_space<vmem>>, vector<1250x128xi32>,
    return
  }
  func.func @transform_0(%arg0: i32) -> (i32, i32) {
    %c0_i32 = arith.constant 0 : i32
    %c0_i32_0 = arith.constant 0 : i32
    %c0_i32_1 = arith.constant 0 : i32
    return %c0_i32, %c0_i32_0 : i32, i32
  }
  func.func @transform_1(%arg0: i32) -> (i32, i32) {
    %c0_i32 = arith.constant 0 : i32
    %c0_i32_0 = arith.constant 0 : i32
    %c0_i32_1 = arith.constant 0 : i32
    return %c0_i32, %c0_i32_0 : i32, i32
  }
  func.func @transform_2(%arg0: i32) -> (i32, i32) {
    %c0_i32 = arith.constant 0 : i32
    %c0_i32_0 = arith.constant 0 : i32
    %c0_i32_1 = arith.constant 0 : i32
    return %c0_i32, %c0_i32_0 : i32, i32
  }
}

module attributes {stable_mosaic.version = 14 : i64} {
  func.func @body(%arg0: i32, %arg1: memref<1000x128xf32, #tpu.memory_space<vmem>>, %arg2: memref<128x128xf32, #tpu.memory_space<vmem>>, %arg3: memref<1x128xf32, #tpu.memory_space<vmem>>, %arg4: memref<1000x128xf32, #tpu.memory_space<vmem>>) attributes {dimension_semantics = [#tpu.dimension_semantics<arbitrary>], iteration_bounds = array<i64: 10>, scalar_prefetch = 0 : i64, scratch_operands = 0 : i64, tpu.core_type = #tpu.core_type<tc>, window_params = [{transform_indices = @transform_0, window_bounds = array<i64: 1000, 128>}, {pipeline_mode = #tpu.pipeline_mode<synchronous>, transform_indices = @transform_1, window_bounds = array<i64: 128, 128>}, {pipeline_mode = #tpu.pipeline_mode<synchronous>, transform_indices = @transform_2, window_bounds = array<i64: 1, 128>}, {transform_indices = @transform_3, window_bounds = array<i64: 1000, 128>}]} {
    %get3A = arith.constant 0 : index
    %get3A_0 = arith.constant 0 : index
    %get3A_1 = vector.load %arg1[%get3A, %get3A_0] : memref<1000x128xf32, #tpu.memory_space<vmem>>, vector<1000x128xf32>
    %get3A_2 = arith.constant 0 : index
    %get3A_3 = arith.constant 0 : index
    %get3A_4 = vector.load %arg2[%get3A_2, %get3A_3] : memref<128x128xf32, #tpu.memory_space<vmem>>, vector<128x128xf32>
    %dot_general3A = arith.constant dense<0.000000e+00> : vector<1000x128xf32>
    %dot_general3A_5 = tpu.matmul %get3A_1, %get3A_4, %dot_general3A {dimension_numbers = #tpu.dot_dimension_numbers<[1], [1], [0], [0], [0, 0, 1, 0], [], []>, transpose_lhs_hint = false} : vector<1000x128xf32>, vector<128x128xf32>, vector<1000x128xf32> -> vector<1000x128xf32>
    %get3A_6 = arith.constant 0 : index
    %get3A_7 = arith.constant 0 : index
    %get3A_8 = vector.load %arg3[%get3A_6, %get3A_7] : memref<1x128xf32, #tpu.memory_space<vmem>>, vector<1x128xf32>
    %add3A = vector.broadcast %get3A_8 : vector<1x128xf32> to vector<1000x128xf32>
    %add3A_9 = arith.addf %dot_general3A_5, %add3A : vector<1000x128xf32>
    %swap3A = arith.constant 0 : index
    %swap3A_10 = arith.constant 0 : index
    %swap3A_11 = vector.load %arg4[%swap3A, %swap3A_10] : memref<1000x128xf32, #tpu.memory_space<vmem>>, vector<1000x128xf32>
    tpu.vector_store %arg4[%swap3A, %swap3A_10], %add3A_9 {strides = array<i32>} : memref<1000x128xf32, #tpu.memory_space<vmem>>, vector<1000x128xf32>,
    return
  }
  func.func @transform_0(%arg0: i32) -> (i32, i32) {
    %c0_i32 = arith.constant 0 : i32
    %c0_i32_0 = arith.constant 0 : i32
    return %arg0, %c0_i32 : i32, i32
  }
  func.func @transform_1(%arg0: i32) -> (i32, i32) {
    %c0_i32 = arith.constant 0 : i32
    %c0_i32_0 = arith.constant 0 : i32
    %c0_i32_1 = arith.constant 0 : i32
    return %c0_i32, %c0_i32_0 : i32, i32
  }
  func.func @transform_2(%arg0: i32) -> (i32, i32) {
    %c0_i32 = arith.constant 0 : i32
    %c0_i32_0 = arith.constant 0 : i32
    %c0_i32_1 = arith.constant 0 : i32
    return %c0_i32, %c0_i32_0 : i32, i32
  }
  func.func @transform_3(%arg0: i32) -> (i32, i32) {
    %c0_i32 = arith.constant 0 : i32
    %c0_i32_0 = arith.constant 0 : i32
    return %arg0, %c0_i32 : i32, i32
  }
}

module attributes {stable_mosaic.version = 14 : i64} {
  func.func @body(%arg0: i32, %arg1: memref<2000x128xf32, #tpu.memory_space<vmem>>, %arg2: memref<8x16xf32, #tpu.memory_space<vmem>>, %arg3: memref<2000x128xf32, #tpu.memory_space<vmem>>) attributes {dimension_semantics = [#tpu.dimension_semantics<arbitrary>], iteration_bounds = array<i64: 80>, scalar_prefetch = 0 : i64, scratch_operands = 0 : i64, tpu.core_type = #tpu.core_type<tc>, window_params = [{transform_indices = @transform_0, window_bounds = array<i64: 2000, 128>}, {pipeline_mode = #tpu.pipeline_mode<synchronous>, transform_indices = @transform_1, window_bounds = array<i64: 8, 16>}, {transform_indices = @transform_2, window_bounds = array<i64: 2000, 128>}]} {
    %get3A = arith.constant 0 : index
    %get3A_0 = arith.constant 0 : index
    %get3A_1 = vector.load %arg1[%get3A, %get3A_0] : memref<2000x128xf32, #tpu.memory_space<vmem>>, vector<2000x128xf32>
    %reshape3A = vector.shape_cast %get3A_1 : vector<2000x128xf32> to vector<2000x8x16xf32>
    %get3A_2 = arith.constant 0 : index
    %get3A_3 = arith.constant 0 : index
    %get3A_4 = vector.load %arg2[%get3A_2, %get3A_3] : memref<8x16xf32, #tpu.memory_space<vmem>>, vector<8x16xf32>
    %broadcast_in_dim3A = vector.shape_cast %get3A_4 : vector<8x16xf32> to vector<1x8x16xf32>
    %mul3A = vector.broadcast %broadcast_in_dim3A : vector<1x8x16xf32> to vector<2000x8x16xf32>
    %mul3A_5 = arith.mulf %reshape3A, %mul3A : vector<2000x8x16xf32>
    %reduce_sum3A = arith.constant dense<0.000000e+00> : vector<2000x8xf32>
    %reduce_sum3A_6 = vector.multi_reduction <add>, %mul3A_5, %reduce_sum3A [2] : vector<2000x8x16xf32> to vector<2000x8xf32>
    %gt3A = arith.constant 0.000000e+00 : f32
    %gt3A_7 = vector.broadcast %gt3A : f32 to vector<2000x8xf32>
    %gt3A_8 = arith.cmpf ogt, %reduce_sum3A_6, %gt3A_7 : vector<2000x8xf32>
    %mul3A_9 = arith.constant 2.000000e-01 : f32
    %mul3A_10 = vector.broadcast %mul3A_9 : f32 to vector<2000x8xf32>
    %mul3A_11 = arith.mulf %mul3A_10, %reduce_sum3A_6 : vector<2000x8xf32>
    %select_n3A = arith.select %gt3A_8, %reduce_sum3A_6, %mul3A_11 : vector<2000x8xi1>, vector<2000x8xf32>
    %exp3A = math.exp %select_n3A : vector<2000x8xf32>
    %broadcast_in_dim3A_12 = arith.constant 0.000000e+00 : f32
    %broadcast_in_dim3A_13 = vector.broadcast %broadcast_in_dim3A_12 : f32 to vector<2000x120xf32>
    %concatenate3A = tpu.concatenate %exp3A, %broadcast_in_dim3A_13 in 1 : vector<2000x8xf32>, vector<2000x120xf32> -> vector<2000x128xf32>
    %swap3A = arith.constant 0 : index
    %swap3A_14 = arith.constant 0 : index
    %swap3A_15 = vector.load %arg3[%swap3A, %swap3A_14] : memref<2000x128xf32, #tpu.memory_space<vmem>>, vector<2000x128xf32>
    tpu.vector_store %arg3[%swap3A, %swap3A_14], %concatenate3A {strides = array<i32>} : memref<2000x128xf32, #tpu.memory_space<vmem>>, vector<2000x128xf32>,
    return
  }
  func.func @transform_0(%arg0: i32) -> (i32, i32) {
    %c0_i32 = arith.constant 0 : i32
    %c0_i32_0 = arith.constant 0 : i32
    return %arg0, %c0_i32 : i32, i32
  }
  func.func @transform_1(%arg0: i32) -> (i32, i32) {
    %c0_i32 = arith.constant 0 : i32
    %c0_i32_0 = arith.constant 0 : i32
    %c0_i32_1 = arith.constant 0 : i32
    return %c0_i32, %c0_i32_0 : i32, i32
  }
  func.func @transform_2(%arg0: i32) -> (i32, i32) {
    %c0_i32 = arith.constant 0 : i32
    %c0_i32_0 = arith.constant 0 : i32
    return %arg0, %c0_i32 : i32, i32
  }
}

module attributes {stable_mosaic.version = 14 : i64} {
  func.func @body(%arg0: i32, %arg1: memref<2000x128xf32, #tpu.memory_space<vmem>>, %arg2: memref<2000x128xf32, #tpu.memory_space<vmem>>, %arg3: memref<2000x128xf32, #tpu.memory_space<vmem>>) attributes {dimension_semantics = [#tpu.dimension_semantics<arbitrary>], iteration_bounds = array<i64: 10>, scalar_prefetch = 0 : i64, scratch_operands = 0 : i64, tpu.core_type = #tpu.core_type<tc>, window_params = [{transform_indices = @transform_0, window_bounds = array<i64: 2000, 128>}, {transform_indices = @transform_1, window_bounds = array<i64: 2000, 128>}, {transform_indices = @transform_2, window_bounds = array<i64: 2000, 128>}]} {
    %get3A = arith.constant 0 : index
    %get3A_0 = arith.constant 0 : index
    %get3A_1 = vector.load %arg2[%get3A, %get3A_0] : memref<2000x128xf32, #tpu.memory_space<vmem>>, vector<2000x128xf32>
    %slice3A = vector.extract_strided_slice %get3A_1 {offsets = [0, 0], sizes = [2000, 8], strides = [1, 1]} : vector<2000x128xf32> to vector<2000x8xf32>
    %add3A = arith.constant 1.000000e-16 : f32
    %add3A_2 = vector.broadcast %add3A : f32 to vector<2000x8xf32>
    %add3A_3 = arith.addf %slice3A, %add3A_2 : vector<2000x8xf32>
    %get3A_4 = arith.constant 0 : index
    %get3A_5 = arith.constant 0 : index
    %get3A_6 = vector.load %arg1[%get3A_4, %get3A_5] : memref<2000x128xf32, #tpu.memory_space<vmem>>, vector<2000x128xf32>
    %reshape3A = vector.shape_cast %get3A_6 : vector<2000x128xf32> to vector<2000x8x16xf32>
    %broadcast_in_dim3A = vector.shape_cast %add3A_3 : vector<2000x8xf32> to vector<2000x8x1xf32>
    %div3A = vector.broadcast %broadcast_in_dim3A : vector<2000x8x1xf32> to vector<2000x8x16xf32>
    %div3A_7 = arith.divf %reshape3A, %div3A : vector<2000x8x16xf32>
    %reshape3A_8 = vector.shape_cast %div3A_7 : vector<2000x8x16xf32> to vector<2000x128xf32>
    %swap3A = arith.constant 0 : index
    %swap3A_9 = arith.constant 0 : index
    %swap3A_10 = vector.load %arg3[%swap3A, %swap3A_9] : memref<2000x128xf32, #tpu.memory_space<vmem>>, vector<2000x128xf32>
    tpu.vector_store %arg3[%swap3A, %swap3A_9], %reshape3A_8 {strides = array<i32>} : memref<2000x128xf32, #tpu.memory_space<vmem>>, vector<2000x128xf32>,
    return
  }
  func.func @transform_0(%arg0: i32) -> (i32, i32) {
    %c0_i32 = arith.constant 0 : i32
    %c0_i32_0 = arith.constant 0 : i32
    return %arg0, %c0_i32 : i32, i32
  }
  func.func @transform_1(%arg0: i32) -> (i32, i32) {
    %c0_i32 = arith.constant 0 : i32
    %c0_i32_0 = arith.constant 0 : i32
    return %arg0, %c0_i32 : i32, i32
  }
  func.func @transform_2(%arg0: i32) -> (i32, i32) {
    %c0_i32 = arith.constant 0 : i32
    %c0_i32_0 = arith.constant 0 : i32
    return %arg0, %c0_i32 : i32, i32
  }
}

module attributes {stable_mosaic.version = 14 : i64} {
  func.func @body(%arg0: i32, %arg1: memref<2000x128xf32, #tpu.memory_space<vmem>>, %arg2: memref<8x16xf32, #tpu.memory_space<vmem>>, %arg3: memref<8x16xf32, #tpu.memory_space<vmem>>, %arg4: memref<8x16xf32, #tpu.memory_space<vmem>>, %arg5: memref<2000x128xf32, #tpu.memory_space<vmem>>) attributes {dimension_semantics = [#tpu.dimension_semantics<arbitrary>], iteration_bounds = array<i64: 80>, scalar_prefetch = 0 : i64, scratch_operands = 0 : i64, tpu.core_type = #tpu.core_type<tc>, window_params = [{transform_indices = @transform_0, window_bounds = array<i64: 2000, 128>}, {pipeline_mode = #tpu.pipeline_mode<synchronous>, transform_indices = @transform_1, window_bounds = array<i64: 8, 16>}, {pipeline_mode = #tpu.pipeline_mode<synchronous>, transform_indices = @transform_2, window_bounds = array<i64: 8, 16>}, {pipeline_mode = #tpu.pipeline_mode<synchronous>, transform_indices = @transform_3, window_bounds = array<i64: 8, 16>}, {transform_indices = @transform_4, window_bounds = array<i64: 2000, 128>}]} {
    %lt3A = arith.constant 60 : i32
    %lt3A_0 = arith.cmpi slt, %arg0, %lt3A : i32
    %get3A = arith.constant 0 : index
    %get3A_1 = arith.constant 0 : index
    %get3A_2 = vector.load %arg2[%get3A, %get3A_1] : memref<8x16xf32, #tpu.memory_space<vmem>>, vector<8x16xf32>
    %lt3A_3 = arith.constant 70 : i32
    %lt3A_4 = arith.cmpi slt, %arg0, %lt3A_3 : i32
    %get3A_5 = arith.constant 0 : index
    %get3A_6 = arith.constant 0 : index
    %get3A_7 = vector.load %arg3[%get3A_5, %get3A_6] : memref<8x16xf32, #tpu.memory_space<vmem>>, vector<8x16xf32>
    %get3A_8 = arith.constant 0 : index
    %get3A_9 = arith.constant 0 : index
    %get3A_10 = vector.load %arg4[%get3A_8, %get3A_9] : memref<8x16xf32, #tpu.memory_space<vmem>>, vector<8x16xf32>
    %select_n3A = arith.select %lt3A_4, %get3A_7, %get3A_10 : vector<8x16xf32>
    %select_n3A_11 = arith.select %lt3A_0, %get3A_2, %select_n3A : vector<8x16xf32>
    %get3A_12 = arith.constant 0 : index
    %get3A_13 = arith.constant 0 : index
    %get3A_14 = vector.load %arg1[%get3A_12, %get3A_13] : memref<2000x128xf32, #tpu.memory_space<vmem>>, vector<2000x128xf32>
    %reshape3A = vector.shape_cast %get3A_14 : vector<2000x128xf32> to vector<2000x8x16xf32>
    %broadcast_in_dim3A = vector.shape_cast %select_n3A_11 : vector<8x16xf32> to vector<1x8x16xf32>
    %mul3A = vector.broadcast %broadcast_in_dim3A : vector<1x8x16xf32> to vector<2000x8x16xf32>
    %mul3A_15 = arith.mulf %reshape3A, %mul3A : vector<2000x8x16xf32>
    %reduce_sum3A = arith.constant dense<0.000000e+00> : vector<2000x8xf32>
    %reduce_sum3A_16 = vector.multi_reduction <add>, %mul3A_15, %reduce_sum3A [2] : vector<2000x8x16xf32> to vector<2000x8xf32>
    %broadcast_in_dim3A_17 = arith.constant 0.000000e+00 : f32
    %broadcast_in_dim3A_18 = vector.broadcast %broadcast_in_dim3A_17 : f32 to vector<2000x120xf32>
    %concatenate3A = tpu.concatenate %reduce_sum3A_16, %broadcast_in_dim3A_18 in 1 : vector<2000x8xf32>, vector<2000x120xf32> -> vector<2000x128xf32>
    %swap3A = arith.constant 0 : index
    %swap3A_19 = arith.constant 0 : index
    %swap3A_20 = vector.load %arg5[%swap3A, %swap3A_19] : memref<2000x128xf32, #tpu.memory_space<vmem>>, vector<2000x128xf32>
    tpu.vector_store %arg5[%swap3A, %swap3A_19], %concatenate3A {strides = array<i32>} : memref<2000x128xf32, #tpu.memory_space<vmem>>, vector<2000x128xf32>,
    return
  }
  func.func @transform_0(%arg0: i32) -> (i32, i32) {
    %c0_i32 = arith.constant 0 : i32
    %c0_i32_0 = arith.constant 0 : i32
    return %arg0, %c0_i32 : i32, i32
  }
  func.func @transform_1(%arg0: i32) -> (i32, i32) {
    %c0_i32 = arith.constant 0 : i32
    %c0_i32_0 = arith.constant 0 : i32
    %c0_i32_1 = arith.constant 0 : i32
    return %c0_i32, %c0_i32_0 : i32, i32
  }
  func.func @transform_2(%arg0: i32) -> (i32, i32) {
    %c0_i32 = arith.constant 0 : i32
    %c0_i32_0 = arith.constant 0 : i32
    %c0_i32_1 = arith.constant 0 : i32
    return %c0_i32, %c0_i32_0 : i32, i32
  }
  func.func @transform_3(%arg0: i32) -> (i32, i32) {
    %c0_i32 = arith.constant 0 : i32
    %c0_i32_0 = arith.constant 0 : i32
    %c0_i32_1 = arith.constant 0 : i32
    return %c0_i32, %c0_i32_0 : i32, i32
  }
  func.func @transform_4(%arg0: i32) -> (i32, i32) {
    %c0_i32 = arith.constant 0 : i32
    %c0_i32_0 = arith.constant 0 : i32
    return %arg0, %c0_i32 : i32, i32
  }
}

module attributes {stable_mosaic.version = 14 : i64} {
  func.func @body(%arg0: i32, %arg1: memref<16000x128xf32, #tpu.memory_space<vmem>>, %arg2: memref<2000x128xf32, #tpu.memory_space<vmem>>) attributes {dimension_semantics = [#tpu.dimension_semantics<arbitrary>], iteration_bounds = array<i64: 80>, scalar_prefetch = 0 : i64, scratch_operands = 0 : i64, tpu.core_type = #tpu.core_type<tc>, window_params = [{transform_indices = @transform_0, window_bounds = array<i64: 16000, 128>}, {transform_indices = @transform_1, window_bounds = array<i64: 2000, 128>}]} {
    %get3A = arith.constant 0 : index
    %get3A_0 = arith.constant 0 : index
    %get3A_1 = vector.load %arg1[%get3A, %get3A_0] : memref<16000x128xf32, #tpu.memory_space<vmem>>, vector<16000x128xf32>
    %iota3A = tpu.iota {dimensions = array<i32: 1>} : vector<16000x128xi32>
    %iota3A_2 = tpu.iota {dimensions = array<i32: 0>} : vector<16000x128xi32>
    %jit3A = arith.constant 8 : i32
    %eq3A = arith.constant 0 : i32
    %eq3A_3 = arith.cmpi eq, %jit3A, %eq3A : i32
    %jit3A_4 = arith.constant 1 : i32
    %select_n3A = arith.select %eq3A_3, %jit3A_4, %jit3A : i32
    %rem3A = vector.broadcast %select_n3A : i32 to vector<16000x128xi32>
    %rem3A_5 = arith.remsi %iota3A_2, %rem3A : vector<16000x128xi32>
    %ne3A = arith.constant 0 : i32
    %ne3A_6 = vector.broadcast %ne3A : i32 to vector<16000x128xi32>
    %ne3A_7 = arith.cmpi ne, %rem3A_5, %ne3A_6 : vector<16000x128xi32>
    %lt3A = arith.constant 0 : i32
    %lt3A_8 = vector.broadcast %lt3A : i32 to vector<16000x128xi32>
    %lt3A_9 = arith.cmpi slt, %rem3A_5, %lt3A_8 : vector<16000x128xi32>
    %lt3A_10 = arith.constant 0 : i32
    %lt3A_11 = arith.cmpi slt, %select_n3A, %lt3A_10 : i32
    %ne3A_12 = vector.broadcast %lt3A_11 : i1 to vector<16000x128xi1>
    %ne3A_13 = vector.broadcast %ne3A_12 : vector<16000x128xi1> to vector<16000x128xi1>
    %ne3A_14 = arith.xori %lt3A_9, %ne3A_13 : vector<16000x128xi1>
    %and3A = arith.andi %ne3A_14, %ne3A_7 : vector<16000x128xi1>
    %add3A = vector.broadcast %select_n3A : i32 to vector<16000x128xi32>
    %add3A_15 = arith.addi %rem3A_5, %add3A : vector<16000x128xi32>
    %select_n3A_16 = arith.select %and3A, %add3A_15, %rem3A_5 : vector<16000x128xi1>, vector<16000x128xi32>
    %eq3A_17 = arith.cmpi eq, %iota3A, %select_n3A_16 : vector<16000x128xi32>
    %jit3A_18 = arith.constant 0.000000e+00 : f32
    %broadcast_in_dim3A = vector.broadcast %jit3A_18 : f32 to vector<16000x128xf32>
    %select_n3A_19 = arith.select %eq3A_17, %get3A_1, %broadcast_in_dim3A : vector<16000x128xi1>, vector<16000x128xf32>
    %reduce_sum3A = arith.constant dense<0.000000e+00> : vector<16000xf32>
    %reduce_sum3A_20 = vector.multi_reduction <add>, %select_n3A_19, %reduce_sum3A [1] : vector<16000x128xf32> to vector<16000xf32>
    %reshape3A = vector.shape_cast %reduce_sum3A_20 : vector<16000xf32> to vector<2000x8xf32>
    %gt3A = arith.constant 0.000000e+00 : f32
    %gt3A_21 = vector.broadcast %gt3A : f32 to vector<2000x8xf32>
    %gt3A_22 = arith.cmpf ogt, %reshape3A, %gt3A_21 : vector<2000x8xf32>
    %mul3A = arith.constant 2.000000e-01 : f32
    %mul3A_23 = vector.broadcast %mul3A : f32 to vector<2000x8xf32>
    %mul3A_24 = arith.mulf %mul3A_23, %reshape3A : vector<2000x8xf32>
    %select_n3A_25 = arith.select %gt3A_22, %reshape3A, %mul3A_24 : vector<2000x8xi1>, vector<2000x8xf32>
    %exp3A = math.exp %select_n3A_25 : vector<2000x8xf32>
    %broadcast_in_dim3A_26 = arith.constant 0.000000e+00 : f32
    %broadcast_in_dim3A_27 = vector.broadcast %broadcast_in_dim3A_26 : f32 to vector<2000x120xf32>
    %concatenate3A = tpu.concatenate %exp3A, %broadcast_in_dim3A_27 in 1 : vector<2000x8xf32>, vector<2000x120xf32> -> vector<2000x128xf32>
    %swap3A = arith.constant 0 : index
    %swap3A_28 = arith.constant 0 : index
    %swap3A_29 = vector.load %arg2[%swap3A, %swap3A_28] : memref<2000x128xf32, #tpu.memory_space<vmem>>, vector<2000x128xf32>
    tpu.vector_store %arg2[%swap3A, %swap3A_28], %concatenate3A {strides = array<i32>} : memref<2000x128xf32, #tpu.memory_space<vmem>>, vector<2000x128xf32>,
    return
  }
  func.func @transform_0(%arg0: i32) -> (i32, i32) {
    %c0_i32 = arith.constant 0 : i32
    %c0_i32_0 = arith.constant 0 : i32
    return %arg0, %c0_i32 : i32, i32
  }
  func.func @transform_1(%arg0: i32) -> (i32, i32) {
    %c0_i32 = arith.constant 0 : i32
    %c0_i32_0 = arith.constant 0 : i32
    return %arg0, %c0_i32 : i32, i32
  }
}

module attributes {stable_mosaic.version = 14 : i64} {
  func.func @body(%arg0: i32, %arg1: memref<2000x128xf32, #tpu.memory_space<vmem>>, %arg2: memref<2000x128xf32, #tpu.memory_space<vmem>>, %arg3: memref<2000x128xf32, #tpu.memory_space<vmem>>) attributes {dimension_semantics = [#tpu.dimension_semantics<arbitrary>], iteration_bounds = array<i64: 5>, scalar_prefetch = 0 : i64, scratch_operands = 0 : i64, tpu.core_type = #tpu.core_type<tc>, window_params = [{transform_indices = @transform_0, window_bounds = array<i64: 2000, 128>}, {transform_indices = @transform_1, window_bounds = array<i64: 2000, 128>}, {transform_indices = @transform_2, window_bounds = array<i64: 2000, 128>}]} {
    %get3A = arith.constant 0 : index
    %get3A_0 = arith.constant 0 : index
    %get3A_1 = vector.load %arg2[%get3A, %get3A_0] : memref<2000x128xf32, #tpu.memory_space<vmem>>, vector<2000x128xf32>
    %slice3A = vector.extract_strided_slice %get3A_1 {offsets = [0, 0], sizes = [2000, 8], strides = [1, 1]} : vector<2000x128xf32> to vector<2000x8xf32>
    %add3A = arith.constant 1.000000e-16 : f32
    %add3A_2 = vector.broadcast %add3A : f32 to vector<2000x8xf32>
    %add3A_3 = arith.addf %slice3A, %add3A_2 : vector<2000x8xf32>
    %get3A_4 = arith.constant 0 : index
    %get3A_5 = arith.constant 0 : index
    %get3A_6 = vector.load %arg1[%get3A_4, %get3A_5] : memref<2000x128xf32, #tpu.memory_space<vmem>>, vector<2000x128xf32>
    %reshape3A = vector.shape_cast %get3A_6 : vector<2000x128xf32> to vector<2000x8x16xf32>
    %broadcast_in_dim3A = vector.shape_cast %add3A_3 : vector<2000x8xf32> to vector<2000x8x1xf32>
    %div3A = vector.broadcast %broadcast_in_dim3A : vector<2000x8x1xf32> to vector<2000x8x16xf32>
    %div3A_7 = arith.divf %reshape3A, %div3A : vector<2000x8x16xf32>
    %reshape3A_8 = vector.shape_cast %div3A_7 : vector<2000x8x16xf32> to vector<2000x128xf32>
    %max3A = arith.constant 0.000000e+00 : f32
    %max3A_9 = vector.broadcast %max3A : f32 to vector<2000x128xf32>
    %max3A_10 = arith.maximumf %reshape3A_8, %max3A_9 : vector<2000x128xf32>
    %swap3A = arith.constant 0 : index
    %swap3A_11 = arith.constant 0 : index
    %swap3A_12 = vector.load %arg3[%swap3A, %swap3A_11] : memref<2000x128xf32, #tpu.memory_space<vmem>>, vector<2000x128xf32>
    tpu.vector_store %arg3[%swap3A, %swap3A_11], %max3A_10 {strides = array<i32>} : memref<2000x128xf32, #tpu.memory_space<vmem>>, vector<2000x128xf32>,
    return
  }
  func.func @transform_0(%arg0: i32) -> (i32, i32) {
    %c0_i32 = arith.constant 0 : i32
    %c0_i32_0 = arith.constant 0 : i32
    return %arg0, %c0_i32 : i32, i32
  }
  func.func @transform_1(%arg0: i32) -> (i32, i32) {
    %c0_i32 = arith.constant 0 : i32
    %c0_i32_0 = arith.constant 0 : i32
    return %arg0, %c0_i32 : i32, i32
  }
  func.func @transform_2(%arg0: i32) -> (i32, i32) {
    %c0_i32 = arith.constant 0 : i32
    %c0_i32_0 = arith.constant 0 : i32
    return %arg0, %c0_i32 : i32, i32
  }
}

</mosaic_0001>

<sc_bundles>
// kernel: kernel.21.cloned.1.call-start
scs
__scs_entry_jumppad:
0x0: {  	(pc) =	sbr.rel $0x88, $3  }
0x1: {  	(tag) =	ssettag $0x0;
	lr =	simm.s32 $0x1  }
0x2: {  	[smem:$0x3F94] =	sst lr;
	_ =	strace $0xD0000000  }
0x3: {  	_ = 	snop  }
0x4: {  	_ = 	snop  }
0x5: {  	_ = 	snop  }
0x6: {  	_ = 	snop  }
0x7: {  	_ = 	snop  }
__scs_overlays_trampoline_lowered:
0x8: {  	[smem:$0x3FA3] =	sst s0  }
0x9: {  	[smem:$0x3FA4] =	sst s1  }
0xa: {  	[smem:$0x3FA5] =	sst s2  }
0xb: {  	[smem:$0x3FA6] =	sst s3  }
0xc: {  	[smem:$0x3FA7] =	sst s4  }
0xd: {  	[smem:$0x3FA8] =	sst s5  }
0xe: {  	[smem:$0x3FA9] =	sst s6  }
0xf: {  	[smem:$0x3FAA] =	sst s7  }
0x10: {  	[smem:$0x3FAB] =	sst s8  }
0x11: {  	[smem:$0x3FAC] =	sst s9;
	s0 =	simm.s32 @!p0 $0x0  }
0x12: {  	s1 =	sld [smem:$0x3F92];
	s0 =	simm.s32 @p0 $0x1  }
0x13: {  	[smem:$0x3FAD] =	sst s0;
	s0 =	simm.s32 @!p1 $0x0  }
0x14: {  	s2 =	sld [smem:$0x3F91];
	s0 =	simm.s32 @p1 $0x1  }
0x15: {  	[smem:$0x3FAE] =	sst s0;
	s0 =	simm.s32 @!p2 $0x0  }
0x16: {  	s3 =	sld [smem:$0x3FDB];
	s0 =	simm.s32 @p2 $0x1  }
0x17: {  	s4 =	simm.s32 $0x1BF5;
	[smem:$0x3FB0] =	sst s0  }
0x18: {  	s0 =	sld [smem:$0x3F93];
	_ =	swait.ge [sflag:s4], $0x0  }
0x19: {  	s7 =	sld [smem:$0x3F94]  }
0x1a: {  	s8 =	sadd.s32 $0xFFFFE003, lr  }
0x1b: {  	s9 =	sadd.s32 $0xFFFFFEF7, lr;
	s5 =	simm.s32 $0xFFFFFFFF;
	p2 =	slt.u32 s8, $0xFFFFF086  }
0x1c: {  	p1 =	slt.u32 s9, $0xF7A;
	s5 =	simm.s32 @!p2 $0x0  }
0x1d: {  	s5 =	simm.s32 @p1 $0x1;
	p0 =	seq.s32 s7, s2  }
0x1e: {  	s7 =	smul.u32 @!p0 $0xF7A, s2;
	p2 =	seq.s32 @!p0 s5, $0x0  }
0x1f: {  	s9 =	smul.u32 $0xF7A, s1;
	s8 =	simm.s32 @!p0 $0x1BF5;
	p2 =	por !p2, p0  }
0x20: {  	[sflag:s8] =	ssyncset.s32 @!p0 $0xFFFFF086;
	s6 =	sadd.s32 @!p0 s3, s7;
	s7 =	simm.s32 @!p0 $0x108  }
0x21: {  	s3 =	sadd.s32 s3, s9;
	s6 =	sadd.s32 @!p0 $0x88, s6;
	s7 =	simm.s32 @p2 $0x1082  }
0x22: {  	[simem:s7], [sflag:s8] =	dma.local @!p0 [hbm:s6], $0xF7A  }
0x23: {  	s9 =	sor.u32 $0xD0000000, s2;
	s6 =	simm.s32 $0x108;
	_ =	swait.ge @!p0 [sflag:s8], $0x0  }
0x24: {  	s3 =	sadd.s32 $0x88, s3;
	s6 =	simm.s32 @!p1 $0x1082;
	[sflag:s4] =	ssyncset.s32 $0xFFFFF086  }
0x25: {  	[simem:s6], [sflag:s4] =	dma.local [hbm:s3], $0xF7A  }
0x26: {  	[smem:$0x3F94] =	sst s1;
	(tag) =	ssettag s2;
	_ =	strace s9  }
0x27: {  	s1 =	sld [smem:$0x3FA4]  }
0x28: {  	s2 =	sld [smem:$0x3FA5]  }
0x29: {  	s4 =	sld [smem:$0x3FA7]  }
0x2a: {  	p0 =	seq.s32 s5, $0x0;
	s5 =	sld [smem:$0x3FA8]  }
0x2b: {  	s6 =	sld [smem:$0x3FA9]  }
0x2c: {  	s7 =	sld [smem:$0x3FAA]  }
0x2d: {  	s3 =	simm.s32 $0x108;
	s8 =	sld [smem:$0x3FAB]  }
0x2e: {  	s3 =	simm.s32 @!p0 $0x1082;
	s9 =	sld [smem:$0x3FAC]  }
0x2f: {  	lr =	sadd.s32 s0, s3;
	s0 =	sld [smem:$0x3FA3]  }
0x30: {  	s3 =	sld [smem:$0x3FA6]  }
0x31: {  	[smem:$0x3FAF] =	sst s10  }
0x32: {  	s10 =	sld [smem:$0x3FAD];
	_ =	sdelay $0x3  }
0x33: {  	p0 =	seq.s32 s10, $0x1;
	s10 =	sld [smem:$0x3FAF];
	_ =	sdelay $0x3  }
0x34: {  	[smem:$0x3FAF] =	sst s10  }
0x35: {  	s10 =	sld [smem:$0x3FAE];
	_ =	sdelay $0x3  }
0x36: {  	p1 =	seq.s32 s10, $0x1;
	s10 =	sld [smem:$0x3FAF];
	_ =	sdelay $0x3  }
0x37: {  	[smem:$0x3FAF] =	sst s10  }
0x38: {  	s10 =	sld [smem:$0x3FB0]  }
0x39: {  	_ = 	snop;
	(pc) =	sbr.ind lr, $3  }
0x3a: {  	_ = 	snop  }
0x3b: {  	_ = 	snop  }
0x3c: {  	p2 =	seq.s32 s10, $0x1;
	s10 =	sld [smem:$0x3FAF]  }
0x3d: {  	_ =	shalt  }
0x3e: {  	_ =	shalt  }
0x3f: {  	_ =	shalt  }
0x40: {  	_ =	shalt  }
0x41: {  	_ =	shalt  }
0x42: {  	_ =	shalt  }
0x43: {  	_ =	shalt  }
0x44: {  	_ =	shalt  }
0x45: {  	_ =	shalt  }
0x46: {  	_ =	shalt  }
0x47: {  	_ =	shalt  }
0x48: {  	_ =	shalt  }
0x49: {  	_ =	shalt  }
0x4a: {  	_ =	shalt  }
0x4b: {  	_ =	shalt  }
0x4c: {  	_ =	shalt  }
0x4d: {  	_ =	shalt  }
0x4e: {  	_ =	shalt  }
0x4f: {  	_ =	shalt  }
0x50: {  	_ =	shalt  }
0x51: {  	_ =	shalt  }
0x52: {  	_ =	shalt  }
0x53: {  	_ =	shalt  }
0x54: {  	_ =	shalt  }
0x55: {  	_ =	shalt  }
0x56: {  	_ =	shalt  }
0x57: {  	_ =	shalt  }
0x58: {  	_ =	shalt  }
0x59: {  	_ =	shalt  }
0x5a: {  	_ =	shalt  }
0x5b: {  	_ =	shalt  }
0x5c: {  	_ =	shalt  }
0x5d: {  	_ =	shalt  }
0x5e: {  	_ =	shalt  }
0x5f: {  	_ =	shalt  }
0x60: {  	_ =	shalt  }
0x61: {  	_ =	shalt  }
0x62: {  	_ =	shalt  }
0x63: {  	_ =	shalt  }
0x64: {  	_ =	shalt  }
0x65: {  	_ =	shalt  }
0x66: {  	_ =	shalt  }
0x67: {  	_ =	shalt  }
0x68: {  	_ =	shalt  }
0x69: {  	_ =	shalt  }
0x6a: {  	_ =	shalt  }
0x6b: {  	_ =	shalt  }
0x6c: {  	_ =	shalt  }
0x6d: {  	_ =	shalt  }
0x6e: {  	_ =	shalt  }
0x6f: {  	_ =	shalt  }
0x70: {  	_ =	shalt  }
0x71: {  	_ =	shalt  }
0x72: {  	_ =	shalt  }
0x73: {  	_ =	shalt  }
0x74: {  	_ =	shalt  }
0x75: {  	_ =	shalt  }
0x76: {  	_ =	shalt  }
0x77: {  	_ =	shalt  }
0x78: {  	_ =	shalt  }
0x79: {  	_ =	shalt  }
0x7a: {  	_ =	shalt  }
0x7b: {  	_ =	shalt  }
0x7c: {  	_ =	shalt  }
0x7d: {  	_ =	shalt  }
0x7e: {  	_ =	shalt  }
0x7f: {  	_ =	shalt  }
0x80: {  	_ =	shalt  }
0x81: {  	_ =	shalt  }
0x82: {  	_ =	shalt  }
0x83: {  	_ =	shalt  }
0x84: {  	_ =	shalt  }
0x85: {  	_ =	shalt  }
0x86: {  	_ =	shalt  }
0x87: {  	_ =	shalt  }
.Lfunc_end0:
.L_simem_size_0:
called_computation_lowered:
.L_overlay_start_0:
0x88: {  	s2 =	sld [smem:$0x3FD9]  }
0x89: {  	s3 =	sld [smem:$0x3FFE];
	_ =	sdelay $0x1  }
0x8a: {  	s1 =	srdreg.scid  }
0x8b: {  	s0 =	sand.u32 $0x1, s1  }
0x8c: {  	s17 =	sshll.u32 s0, $0xA;
	s2 =	sadd.s32 s3, s2  }
0x8d: {  	s2 =	sadd.s32 s2, s17  }
0x8e: {  	[smem:$0x3FBB] =	sst s2  }
0x8f: {  	_ = 	snop  }
0x90: {  	s2 =	sld [smem:$0x3FC8]  }
0x91: {  	s18 =	sld [smem:$0x3FD0];
	(tm) =	ssettm $0x1  }
0x92: {  	s4 =	sld [smem:$0x3FFB];
	_ =	sdelay $0x3  }
0x93: {  	_ =	strace s4  }
0x94: {  	s4 =	sld [smem:$0x3FFC];
	_ =	sdelay $0x3  }
0x95: {  	_ =	strace s4  }
0x96: {  	s4 =	sld [smem:$0x3FFD];
	_ =	sdelay $0x3  }
0x97: {  	_ =	strace s4  }
0x98: {  	_ =	strace $0x8FFFFFFF  }
0x99: {  	s19 =	sld [smem:$0x3FDB];
	_ =	sdelay $0x1  }
0x9a: {  	s5 =	simm.s32 $_scs_section_size  }
0x9b: {  	s6 =	simm.s32 $_size__tile_overlayer_lowered;
	s7 =	simm.s32 $_tile_overlayer_lowered  }
0x9c: {  	s22 =	simm.s32 $0x1BFF;
	s21 =	sshll.u32 s7, $0x1;
	s4 =	sadd.s32 s5, s19  }
0x9d: {  	s8 =	simm.s32 $0x0;
	s20 =	sshll.u32 s6, $0x1;
	s6 =	sadd.s32 s21, s4  }
0x9e: {  	[timem:s8], [sflag:s22] =	dma.local [hbm:s6], s20  }
0x9f: {  	_ =	swait.ge [sflag:s22], s20  }
0xa0: {  	s5 =	ssub.s32 $0x0, s20;
	[sflag:s22] =	ssyncset.done $0x0  }
0xa1: {  	[sflag:s22] =	ssyncadd.s32 s5;
	_ =	sdelay $0x1  }
0xa2: {  	s23 =	simm.s32 $0x1B8B  }
0xa3: {  	_ =	swait.ge [sflag:s23], $0x1  }
0xa4: {  	[sflag:s23] =	ssyncset.done $0x0  }
0xa5: {  	s25 =	simm.s32 $0x1B8E;
	s24 =	sld [smem:$0x3FFE];
	[sflag:s23] =	ssyncadd.s32 $0xFFFFFFFF  }
0xa6: {  	s26 =	simm.s32 $execute0_lowered;
	[smem:$0x3FD2] =	sst s25  }
0xa7: {  	s6 =	sshll.u32 s26, $0x1;
	_ =	strace $0x80000046;
	[dreg:$0x1] =	wrdreg $0xFFFFFFFF  }
0xa8: {  	s28 =	simm.s32 $_size_execute0_lowered;
	s4 =	sadd.s32 s4, s6;
	[dreg:$0x0] =	wrdreg $0x0  }
0xa9: {  	s6 =	sshll.u32 s28, $0x1;
	[dreg:$0x2] =	wrdreg s4  }
0xaa: {  	[dreg:$0x3] =	wrdreg s6  }
0xab: {  	[dreg:$0x4] =	wrdreg $0xC0  }
0xac: {  	_ =	task [dreg:s8], $0x5FFFF  }
0xad: {  	[dreg:$0x1] =	wrdreg $0xFFFFFFFF  }
0xae: {  	[dreg:$0x0] =	wrdreg $0x60  }
0xaf: {  	[dreg:$0x2] =	wrdreg s18  }
0xb0: {  	[dreg:$0x3] =	wrdreg s2  }
0xb1: {  	[dreg:$0x4] =	wrdreg s24  }
0xb2: {  	[dreg:$0x5] =	wrdreg $0x9  }
0xb3: {  	_ =	task.clear_ibuf [dreg:s8], $0x6FFFF;
	_ =	strace $0x90000046  }
0xb4: {  	s29 =	simm.s32 $0x9;
	_ =	strace $0x80000048  }
0xb5: {  	_ =	swait.ge [sflag:s29], $0x1  }
0xb6: {  	[sflag:s29] =	ssyncadd.s32 $0xFFFFFFFF  }
0xb7: {  	_ =	strace $0x90000048  }
0xb8: {  	_ =	sfence  }
0xb9: {  	s30 =	sld [smem:$0x0];
	_ =	sdelay $0x2  }
0xba: {  	s31 =	sshll.u32 s1, $0xD;
	s1 =	sshrl.u32 s1, $0x2  }
0xbb: {  	s3 =	sand.u32 $0x4000, s31;
	s1 =	sadd.s32 s1, s30  }
0xbc: {  	s0 =	sor.u32 s3, s0;
	s1 =	sshll.u32 s1, $0x11  }
0xbd: {  	s0 =	sor.u32 s1, s0  }
0xbe: {  	s0 =	sadd.s32 $0x8F2B, s0  }
0xbf: {  	[sflag:s0] =	ssyncadd.remote.s32 $0x1  }
0xc0: {  	_ =	sfence.sel $0xFFFF  }
0xc1: {  	[dreg:$0x0] =	wrdreg $0xFFFFFFFF;
	(pc) =	sbr.abs _section_cstart, $3  }
0xc2: {  	[dreg:$0x1] =	wrdreg $0xFFFFFFFF  }
0xc3: {  	_ =	task.clear_ibuf [dreg:s8], $0x2FFFF;
	_ =	strace $0x9FFFFFFF  }
0xc4: {  	(tm) =	ssettm $0x7FFFFFFF  }
0xc5: {  	_ =	shalt  }
tec
execute0_lowered:
.L_overlay_start_1:
0x0: {  	(tag) =	ssettag $0x1  }
0x1: {  	s2 =	rddreg [dreg:$0x0]  }
0x2: {  	s5 =	rddreg [dreg:$0x1]  }
0x3: {  	s4 =	rddreg [dreg:$0x2]  }
0x4: {  	s0 =	rddreg [dreg:$0x3];
	s1 =	stileid.u32  }
0x5: {  	s6 =	srdreg.scid;
	s7 =	smul.u32 $0x2800, s1  }
0x6: {  	s3 =	simm.s32 $0x0;
	s6 =	sand.u32 $0x1, s6;
	s10 =	smul.u32 $0x50, s1  }
0x7: {  	[smem:$0x7FF] =	sst s3;
	s9 =	smul.u32 $0x1400, s6  }
0x8: {  	s8 =	ssub.s32 $0x2, s6;
	_ =	strace $0x80000047;
	s29 =	smul.u32 $0x28, s6  }
0x9: {  	s4 =	sadd.s32 s7, s4;
	s28 =	sshrl.u32 s8, $0x1;
	s31 =	sadd.s32 s10, s5  }
0xa: {  	s7 =	ssub.s32 s8, s28;
	s30 =	sadd.s32 s9, s4;
	s4 =	sshll.u32 s1, $0x1  }
0xb: {  	s5 =	smax.u32 s7, $0x1;
	s6 =	sadd.s32 $0x5C00, s30;
	s7 =	sadd.s32 s29, s31  }
.LBB2_1:
0xc: {  	s8 =	sadd.s32 $0x0, s4  }
0xd: {  	p0 =	sgt.u32 s8, $0x1F3  }
0xe: {  	s8 =	simm.s32 @!p0 $0x0;
	s9 =	simm.s32 @!p0 $0x3  }
0xf: {  	[tilespmem:s8], [sflag:$0x3] =	stream.linear.gather @!p0 [hbm4b:s7+s8], $0x140, $0x38;
	[tilespmem:$0xA180] =	vst v63  }
0x10: {  	_ =	swait.ge @!p0 [sflag:s9], $0x140  }
0x11: {  	s10 =	simm.s32 @!p0 $0x1;
	[sflag:s9] =	ssyncset.done @!p0 $0x0  }
0x12: {  	s12 =	simm.s32 @!p0 $0x180;
	[sflag:s9] =	ssyncadd.s32 @!p0 $0xFFFFFEC0;
	s9 =	simm.s32 @!p0 $0x140  }
0x13: {  	[tilespmem:s12], [sflag:$0x1] =	stream.indirect.gather @!p0 [hbm4b:s2+s9], $0x80, s8, s9, $0xb8;
	[tilespmem:$0xA180] =	vst v63  }
0x14: {  	p1 =	por p0, p0;
	_ =	swait.ge @!p0 [sflag:s10], $0xA000  }
0x15: {  	[sflag:s10] =	ssyncset.done @!p1 $0x0  }
0x16: {  	s31 =	sadd.s32 $0x20, s4;
	s11 =	simm.s32 @!p1 $0x2;
	[sflag:s10] =	ssyncadd.s32 @!p1 $0xFFFF6000  }
0x17: {  	[hbm4b:s6+s8] =	stream.linear.scatter @!p1 [tilespmem:s12], [sflag:$0x2], $0xA000, $0x38;
	[tilespmem:$0xA180] =	vst v63  }
0x18: {  	s9 =	simm.s32 $0x40;
	p0 =	sgt.u32 s31, $0x1F3;
	_ =	swait.ge @!p1 [sflag:s11], $0xA000  }
0x19: {  	s10 =	sadd.s32 $0x500, s7;
	s8 =	sadd.s32 $0x28000, s6;
	[sflag:s11] =	ssyncset.done @!p1 $0x0  }
.LBB2_2:
0x1a: {  	s12 =	simm.s32 @!p0 $0x0;
	s13 =	simm.s32 @!p0 $0x3;
	[sflag:s11] =	ssyncadd.s32 @!p1 $0xFFFF6000  }
0x1b: {  	[tilespmem:s12], [sflag:$0x3] =	stream.linear.gather @!p0 [hbm4b:s10+s12], $0x140, $0x38;
	[tilespmem:$0xA180] =	vst v63  }
0x1c: {  	s14 =	smov.u32 s9;
	s9 =	sadd.s32 $0x20, s9;
	_ =	swait.ge @!p0 [sflag:s13], $0x140  }
0x1d: {  	s11 =	simm.s32 @!p0 $0x1;
	p2 =	sne.s32 s9, $0x200;
	[sflag:s13] =	ssyncset.done @!p0 $0x0  }
0x1e: {  	s15 =	simm.s32 @!p0 $0x180;
	[sflag:s13] =	ssyncadd.s32 @!p0 $0xFFFFFEC0;
	s13 =	simm.s32 @!p0 $0x140  }
0x1f: {  	[tilespmem:s15], [sflag:$0x1] =	stream.indirect.gather @!p0 [hbm4b:s2+s13], $0x80, s12, s13, $0xb8;
	[tilespmem:$0xA180] =	vst v63  }
0x20: {  	p1 =	por p0, p0;
	_ =	swait.ge @!p0 [sflag:s11], $0xA000  }
.Ltmp0:
0x21: {  	[sflag:s11] =	ssyncset.done @!p1 $0x0;
	(pc) =	sbr.rel @p2 .LBB2_2-.Ltmp0, $4  }
0x22: {  	[sflag:s11] =	ssyncadd.s32 @!p1 $0xFFFF6000;
	s11 =	simm.s32 @!p1 $0x2  }
0x23: {  	[hbm4b:s8+s12] =	stream.linear.scatter @!p1 [tilespmem:s15], [sflag:$0x2], $0xA000, $0x38;
	[tilespmem:$0xA180] =	vst v63  }
0x24: {  	s10 =	sadd.s32 $0x500, s10;
	s12 =	sadd.s32 s14, s4;
	_ =	swait.ge @!p1 [sflag:s11], $0xA000  }
0x25: {  	s8 =	sadd.s32 $0x28000, s8;
	p0 =	sgt.u32 s12, $0x1F3;
	[sflag:s11] =	ssyncset.done @!p1 $0x0  }
0x26: {  	s9 =	simm.s32 @!p0 $0x0;
	s12 =	simm.s32 @!p0 $0x3;
	[sflag:s11] =	ssyncadd.s32 @!p1 $0xFFFF6000  }
0x27: {  	[tilespmem:s9], [sflag:$0x3] =	stream.linear.gather @!p0 [hbm4b:s10+s9], $0x140, $0x38;
	[tilespmem:$0xA180] =	vst v63  }
0x28: {  	_ =	swait.ge @!p0 [sflag:s12], $0x140  }
0x29: {  	s11 =	simm.s32 @!p0 $0x140;
	[sflag:s12] =	ssyncset.done @!p0 $0x0  }
0x2a: {  	s10 =	simm.s32 @!p0 $0x1;
	[sflag:s12] =	ssyncadd.s32 @!p0 $0xFFFFFEC0;
	s12 =	simm.s32 @!p0 $0x180  }
0x2b: {  	[tilespmem:s12], [sflag:$0x1] =	stream.indirect.gather @!p0 [hbm4b:s2+s11], $0x80, s9, s11, $0xb8;
	[tilespmem:$0xA180] =	vst v63  }
0x2c: {  	s3 =	sadd.s32 $0x1, s3;
	_ =	swait.ge @!p0 [sflag:s10], $0xA000;
	p0 =	por p0, p0  }
0x2d: {  	p1 =	sne.s32 s3, s5;
	[sflag:s10] =	ssyncset.done @!p0 $0x0  }
.Ltmp1:
0x2e: {  	[sflag:s10] =	ssyncadd.s32 @!p0 $0xFFFF6000;
	s10 =	simm.s32 @!p0 $0x2;
	(pc) =	sbr.rel @p1 .LBB2_1-.Ltmp1, $4  }
0x2f: {  	[hbm4b:s8+s9] =	stream.linear.scatter @!p0 [tilespmem:s12], [sflag:$0x2], $0xA000, $0x38;
	[tilespmem:$0xA180] =	vst v63  }
0x30: {  	_ =	swait.ge @!p0 [sflag:s10], $0xA000  }
0x31: {  	[sflag:s10] =	ssyncset.done @!p0 $0x0  }
0x32: {  	[sflag:s10] =	ssyncadd.s32 @!p0 $0xFFFF6000  }
0x33: {  	_ =	sfence.sel $0x180000  }
0x34: {  	[bflag:$0x0] =	sbarrier.arrive $0xFFFF  }
0x35: {  	p0 =	sne.s32 s1, $0x0;
	_ =	strace $0x90000047  }
0x36: {  	s0 =	sadd.s32 @!p0 $0x100000, s0;
	[bflag:$0x2] =	sbarrier.arrive $0xFFFF  }
0x37: {  	[sflag:s0] =	ssyncadd.tile.s32 @!p0 $0x1;
	_ =	shalt  }
.Lfunc_end2:
_tile_overlayer_lowered:
.L_overlay_start_2:
0x38: {  	(tag) =	ssettag $0x2  }
0x39: {  	s0 =	rddreg [dreg:$0x0];
	s2 =	stileid.u32  }
0x3a: {  	s1 =	rddreg [dreg:$0x1];
	p0 =	sne.s32 s2, $0x0  }
0x3b: {  	s3 =	rddreg [dreg:$0x2];
	[bflag:$0x3] =	sbarrier.arrive $0xFFFF;
	s2 =	simm.s32 @!p0 $0x1C02  }
0x3c: {  	[timem:s3], [sflag:s2] =	dma.local @!p0 [hbm:s0], s1  }
0x3d: {  	s0 =	simm.s32 @!p0 $0x2  }
0x3e: {  	_ =	swait.ge @!p0 [sflag:s0], s1  }
0x3f: {  	s1 =	ssub.s32 @!p0 $0x0, s1;
	[sflag:s0] =	ssyncset.done @!p0 $0x0  }
0x40: {  	[sflag:s0] =	ssyncadd.s32 @!p0 s1  }
0x41: {  	[bflag:$0x3] =	sbarrier.arrive $0xFFFF  }
0x42: {  	_ =	shalt  }

// kernel: kernel.24.cloned.1.call-start
scs
__scs_entry_jumppad:
0x0: {  	(pc) =	sbr.rel $0x88, $3  }
0x1: {  	(tag) =	ssettag $0x0;
	lr =	simm.s32 $0x1  }
0x2: {  	[smem:$0x3F94] =	sst lr;
	_ =	strace $0xD0000000  }
0x3: {  	_ = 	snop  }
0x4: {  	_ = 	snop  }
0x5: {  	_ = 	snop  }
0x6: {  	_ = 	snop  }
0x7: {  	_ = 	snop  }
__scs_overlays_trampoline_lowered:
0x8: {  	[smem:$0x3FA3] =	sst s0  }
0x9: {  	[smem:$0x3FA4] =	sst s1  }
0xa: {  	[smem:$0x3FA5] =	sst s2  }
0xb: {  	[smem:$0x3FA6] =	sst s3  }
0xc: {  	[smem:$0x3FA7] =	sst s4  }
0xd: {  	[smem:$0x3FA8] =	sst s5  }
0xe: {  	[smem:$0x3FA9] =	sst s6  }
0xf: {  	[smem:$0x3FAA] =	sst s7  }
0x10: {  	[smem:$0x3FAB] =	sst s8  }
0x11: {  	[smem:$0x3FAC] =	sst s9;
	s0 =	simm.s32 @!p0 $0x0  }
0x12: {  	s1 =	sld [smem:$0x3F92];
	s0 =	simm.s32 @p0 $0x1  }
0x13: {  	[smem:$0x3FAD] =	sst s0;
	s0 =	simm.s32 @!p1 $0x0  }
0x14: {  	s2 =	sld [smem:$0x3F91];
	s0 =	simm.s32 @p1 $0x1  }
0x15: {  	[smem:$0x3FAE] =	sst s0;
	s0 =	simm.s32 @!p2 $0x0  }
0x16: {  	s3 =	sld [smem:$0x3FDB];
	s0 =	simm.s32 @p2 $0x1  }
0x17: {  	s4 =	simm.s32 $0x1BF5;
	[smem:$0x3FB0] =	sst s0  }
0x18: {  	s0 =	sld [smem:$0x3F93];
	_ =	swait.ge [sflag:s4], $0x0  }
0x19: {  	s7 =	sld [smem:$0x3F94]  }
0x1a: {  	s8 =	sadd.s32 $0xFFFFE003, lr  }
0x1b: {  	s9 =	sadd.s32 $0xFFFFFEF7, lr;
	s5 =	simm.s32 $0xFFFFFFFF;
	p2 =	slt.u32 s8, $0xFFFFF086  }
0x1c: {  	p1 =	slt.u32 s9, $0xF7A;
	s5 =	simm.s32 @!p2 $0x0  }
0x1d: {  	s5 =	simm.s32 @p1 $0x1;
	p0 =	seq.s32 s7, s2  }
0x1e: {  	s7 =	smul.u32 @!p0 $0xF7A, s2;
	p2 =	seq.s32 @!p0 s5, $0x0  }
0x1f: {  	s9 =	smul.u32 $0xF7A, s1;
	s8 =	simm.s32 @!p0 $0x1BF5;
	p2 =	por !p2, p0  }
0x20: {  	[sflag:s8] =	ssyncset.s32 @!p0 $0xFFFFF086;
	s6 =	sadd.s32 @!p0 s3, s7;
	s7 =	simm.s32 @!p0 $0x108  }
0x21: {  	s3 =	sadd.s32 s3, s9;
	s6 =	sadd.s32 @!p0 $0x88, s6;
	s7 =	simm.s32 @p2 $0x1082  }
0x22: {  	[simem:s7], [sflag:s8] =	dma.local @!p0 [hbm:s6], $0xF7A  }
0x23: {  	s9 =	sor.u32 $0xD0000000, s2;
	s6 =	simm.s32 $0x108;
	_ =	swait.ge @!p0 [sflag:s8], $0x0  }
0x24: {  	s3 =	sadd.s32 $0x88, s3;
	s6 =	simm.s32 @!p1 $0x1082;
	[sflag:s4] =	ssyncset.s32 $0xFFFFF086  }
0x25: {  	[simem:s6], [sflag:s4] =	dma.local [hbm:s3], $0xF7A  }
0x26: {  	[smem:$0x3F94] =	sst s1;
	(tag) =	ssettag s2;
	_ =	strace s9  }
0x27: {  	s1 =	sld [smem:$0x3FA4]  }
0x28: {  	s2 =	sld [smem:$0x3FA5]  }
0x29: {  	s4 =	sld [smem:$0x3FA7]  }
0x2a: {  	p0 =	seq.s32 s5, $0x0;
	s5 =	sld [smem:$0x3FA8]  }
0x2b: {  	s6 =	sld [smem:$0x3FA9]  }
0x2c: {  	s7 =	sld [smem:$0x3FAA]  }
0x2d: {  	s3 =	simm.s32 $0x108;
	s8 =	sld [smem:$0x3FAB]  }
0x2e: {  	s3 =	simm.s32 @!p0 $0x1082;
	s9 =	sld [smem:$0x3FAC]  }
0x2f: {  	lr =	sadd.s32 s0, s3;
	s0 =	sld [smem:$0x3FA3]  }
0x30: {  	s3 =	sld [smem:$0x3FA6]  }
0x31: {  	[smem:$0x3FAF] =	sst s10  }
0x32: {  	s10 =	sld [smem:$0x3FAD];
	_ =	sdelay $0x3  }
0x33: {  	p0 =	seq.s32 s10, $0x1;
	s10 =	sld [smem:$0x3FAF];
	_ =	sdelay $0x3  }
0x34: {  	[smem:$0x3FAF] =	sst s10  }
0x35: {  	s10 =	sld [smem:$0x3FAE];
	_ =	sdelay $0x3  }
0x36: {  	p1 =	seq.s32 s10, $0x1;
	s10 =	sld [smem:$0x3FAF];
	_ =	sdelay $0x3  }
0x37: {  	[smem:$0x3FAF] =	sst s10  }
0x38: {  	s10 =	sld [smem:$0x3FB0]  }
0x39: {  	_ = 	snop;
	(pc) =	sbr.ind lr, $3  }
0x3a: {  	_ = 	snop  }
0x3b: {  	_ = 	snop  }
0x3c: {  	p2 =	seq.s32 s10, $0x1;
	s10 =	sld [smem:$0x3FAF]  }
0x3d: {  	_ =	shalt  }
0x3e: {  	_ =	shalt  }
0x3f: {  	_ =	shalt  }
0x40: {  	_ =	shalt  }
0x41: {  	_ =	shalt  }
0x42: {  	_ =	shalt  }
0x43: {  	_ =	shalt  }
0x44: {  	_ =	shalt  }
0x45: {  	_ =	shalt  }
0x46: {  	_ =	shalt  }
0x47: {  	_ =	shalt  }
0x48: {  	_ =	shalt  }
0x49: {  	_ =	shalt  }
0x4a: {  	_ =	shalt  }
0x4b: {  	_ =	shalt  }
0x4c: {  	_ =	shalt  }
0x4d: {  	_ =	shalt  }
0x4e: {  	_ =	shalt  }
0x4f: {  	_ =	shalt  }
0x50: {  	_ =	shalt  }
0x51: {  	_ =	shalt  }
0x52: {  	_ =	shalt  }
0x53: {  	_ =	shalt  }
0x54: {  	_ =	shalt  }
0x55: {  	_ =	shalt  }
0x56: {  	_ =	shalt  }
0x57: {  	_ =	shalt  }
0x58: {  	_ =	shalt  }
0x59: {  	_ =	shalt  }
0x5a: {  	_ =	shalt  }
0x5b: {  	_ =	shalt  }
0x5c: {  	_ =	shalt  }
0x5d: {  	_ =	shalt  }
0x5e: {  	_ =	shalt  }
0x5f: {  	_ =	shalt  }
0x60: {  	_ =	shalt  }
0x61: {  	_ =	shalt  }
0x62: {  	_ =	shalt  }
0x63: {  	_ =	shalt  }
0x64: {  	_ =	shalt  }
0x65: {  	_ =	shalt  }
0x66: {  	_ =	shalt  }
0x67: {  	_ =	shalt  }
0x68: {  	_ =	shalt  }
0x69: {  	_ =	shalt  }
0x6a: {  	_ =	shalt  }
0x6b: {  	_ =	shalt  }
0x6c: {  	_ =	shalt  }
0x6d: {  	_ =	shalt  }
0x6e: {  	_ =	shalt  }
0x6f: {  	_ =	shalt  }
0x70: {  	_ =	shalt  }
0x71: {  	_ =	shalt  }
0x72: {  	_ =	shalt  }
0x73: {  	_ =	shalt  }
0x74: {  	_ =	shalt  }
0x75: {  	_ =	shalt  }
0x76: {  	_ =	shalt  }
0x77: {  	_ =	shalt  }
0x78: {  	_ =	shalt  }
0x79: {  	_ =	shalt  }
0x7a: {  	_ =	shalt  }
0x7b: {  	_ =	shalt  }
0x7c: {  	_ =	shalt  }
0x7d: {  	_ =	shalt  }
0x7e: {  	_ =	shalt  }
0x7f: {  	_ =	shalt  }
0x80: {  	_ =	shalt  }
0x81: {  	_ =	shalt  }
0x82: {  	_ =	shalt  }
0x83: {  	_ =	shalt  }
0x84: {  	_ =	shalt  }
0x85: {  	_ =	shalt  }
0x86: {  	_ =	shalt  }
0x87: {  	_ =	shalt  }
.Lfunc_end0:
.L_simem_size_0:
called_computation.1_lowered:
.L_overlay_start_0:
0x88: {  	s2 =	sld [smem:$0x3FD9]  }
0x89: {  	s3 =	sld [smem:$0x3FFE];
	_ =	sdelay $0x1  }
0x8a: {  	s1 =	srdreg.scid  }
0x8b: {  	s0 =	sand.u32 $0x1, s1  }
0x8c: {  	s17 =	sshll.u32 s0, $0xA;
	s2 =	sadd.s32 s3, s2  }
0x8d: {  	s2 =	sadd.s32 s2, s17  }
0x8e: {  	[smem:$0x3FBB] =	sst s2  }
0x8f: {  	_ = 	snop  }
0x90: {  	(tm) =	ssettm $0x1  }
0x91: {  	s18 =	sld [smem:$0x3FFB];
	_ =	sdelay $0x3  }
0x92: {  	_ =	strace s18  }
0x93: {  	s2 =	sld [smem:$0x3FFC];
	_ =	sdelay $0x3  }
0x94: {  	_ =	strace s2  }
0x95: {  	s2 =	sld [smem:$0x3FFD];
	_ =	sdelay $0x3  }
0x96: {  	_ =	strace s2  }
0x97: {  	_ =	strace $0x8FFFFFFF  }
0x98: {  	s19 =	sld [smem:$0x3FDB];
	_ =	sdelay $0x1  }
0x99: {  	s20 =	simm.s32 $_scs_section_size  }
0x9a: {  	s4 =	simm.s32 $_size__tile_overlayer_lowered;
	s5 =	simm.s32 $_tile_overlayer_lowered  }
0x9b: {  	s6 =	simm.s32 $0x1BFF;
	s21 =	sshll.u32 s5, $0x1;
	s3 =	sadd.s32 s20, s19  }
0x9c: {  	s22 =	simm.s32 $0x0;
	s4 =	sshll.u32 s4, $0x1;
	s5 =	sadd.s32 s21, s3  }
0x9d: {  	[timem:s22], [sflag:s6] =	dma.local [hbm:s5], s4  }
0x9e: {  	_ =	swait.ge [sflag:s6], s4  }
0x9f: {  	s4 =	ssub.s32 $0x0, s4;
	[sflag:s6] =	ssyncset.done $0x0  }
0xa0: {  	[sflag:s6] =	ssyncadd.s32 s4;
	_ =	sdelay $0x1  }
0xa1: {  	s23 =	simm.s32 $0x1B8B  }
0xa2: {  	_ =	swait.ge [sflag:s23], $0x1  }
0xa3: {  	[sflag:s23] =	ssyncset.done $0x0  }
0xa4: {  	[sflag:s23] =	ssyncadd.s32 $0xFFFFFFFF  }
0xa5: {  	s4 =	sld [smem:$0x0]  }
0xa6: {  	s5 =	sand.u32 $0xFFFFFFFE, s1  }
0xa7: {  	p0 =	sne.s32 s1, s5  }
0xa8: {  	s5 =	sshll.u32 @p0 s5, $0xE  }
0xa9: {  	s5 =	sadd.s32 @p0 $0x11B8D, s5;
	s6 =	sshll.u32 @p0 s4, $0x11  }
0xaa: {  	s5 =	sor.u32 @p0 s6, s5  }
0xab: {  	[sflag:s5] =	ssyncadd.remote.s32 @p0 $0x1;
	_ =	sdelay $0x1  }
0xac: {  	s5 =	simm.s32 @p0 $0x1B8D  }
0xad: {  	_ =	swait.eq @p0 [sflag:s5], $0x1  }
0xae: {  	[sflag:s5] =	ssyncadd.s32 @p0 $0xFFFFFFFF  }
0xaf: {  	s6 =	sshll.u32 @!p0 s1, $0xE  }
0xb0: {  	s6 =	sor.u32 @!p0 $0x4000, s6;
	s5 =	simm.s32 @!p0 $0x1B8D  }
0xb1: {  	s4 =	sshll.u32 @!p0 s4, $0x11;
	s6 =	sadd.s32 @!p0 $0x11B8D, s6;
	_ =	swait.eq @!p0 [sflag:s5], $0x1  }
0xb2: {  	s4 =	sor.u32 @!p0 s4, s6;
	[sflag:s5] =	ssyncadd.s32 @!p0 $0xFFFFFFFF  }
0xb3: {  	s25 =	simm.s32 $0x1B8E;
	s24 =	sld [smem:$0x3FFE];
	[sflag:s4] =	ssyncadd.remote.s32 @!p0 $0x1  }
0xb4: {  	s26 =	simm.s32 $execute0_lowered;
	[smem:$0x3FD2] =	sst s25  }
0xb5: {  	s5 =	sshll.u32 s26, $0x1;
	_ =	strace $0x80000052;
	[dreg:$0x1] =	wrdreg $0xFFFFFFFF  }
0xb6: {  	s28 =	simm.s32 $_size_execute0_lowered;
	s3 =	sadd.s32 s3, s5;
	[dreg:$0x0] =	wrdreg $0x0  }
0xb7: {  	s5 =	sshll.u32 s28, $0x1;
	[dreg:$0x2] =	wrdreg s3  }
0xb8: {  	[dreg:$0x3] =	wrdreg s5  }
0xb9: {  	[dreg:$0x4] =	wrdreg $0xC0  }
0xba: {  	_ =	task [dreg:s22], $0x5FFFF  }
0xbb: {  	[dreg:$0x1] =	wrdreg $0xFFFFFFFF  }
0xbc: {  	[dreg:$0x0] =	wrdreg $0x60  }
0xbd: {  	[dreg:$0x2] =	wrdreg s24  }
0xbe: {  	[dreg:$0x3] =	wrdreg $0xA1800  }
0xbf: {  	[dreg:$0x4] =	wrdreg $0x9  }
0xc0: {  	_ =	task.clear_ibuf [dreg:s22], $0x5FFFF;
	_ =	strace $0x90000052  }
0xc1: {  	s29 =	simm.s32 $0x9;
	_ =	strace $0x80000054  }
0xc2: {  	_ =	swait.ge [sflag:s29], $0x1  }
0xc3: {  	[sflag:s29] =	ssyncadd.s32 $0xFFFFFFFF  }
0xc4: {  	_ =	strace $0x90000054  }
0xc5: {  	_ =	sfence  }
0xc6: {  	s30 =	sld [smem:$0x0];
	_ =	sdelay $0x2  }
0xc7: {  	s31 =	sshll.u32 s1, $0xD;
	s1 =	sshrl.u32 s1, $0x2  }
0xc8: {  	s4 =	sand.u32 $0x4000, s31;
	s1 =	sadd.s32 s1, s30  }
0xc9: {  	s0 =	sor.u32 s4, s0;
	s1 =	sshll.u32 s1, $0x11  }
0xca: {  	s0 =	sor.u32 s1, s0  }
0xcb: {  	s0 =	sadd.s32 $0x8F2B, s0  }
0xcc: {  	[sflag:s0] =	ssyncadd.remote.s32 $0x1  }
0xcd: {  	_ =	sfence.sel $0xFFFF  }
0xce: {  	[dreg:$0x0] =	wrdreg $0xFFFFFFFF;
	(pc) =	sbr.abs _section_cstart, $3  }
0xcf: {  	[dreg:$0x1] =	wrdreg $0xFFFFFFFF  }
0xd0: {  	_ =	task.clear_ibuf [dreg:s22], $0x2FFFF;
	_ =	strace $0x9FFFFFFF  }
0xd1: {  	(tm) =	ssettm $0x7FFFFFFF  }
tec
execute0_lowered:
.L_overlay_start_1:
0x0: {  	(tag) =	ssettag $0x1  }
0x1: {  	s1 =	srdreg.scid  }
0x2: {  	s1 =	sand.u32 $0x1, s1  }
0x3: {  	p0 =	seq.s32 s1, $0x1  }
.Ltmp0:
0x4: {  	_ = 	snop;
	(pc) =	sbr.rel @p0 .LBB2_4-.Ltmp0, $4  }
0x5: {  	s5 =	rddreg [dreg:$0x0]  }
0x6: {  	s2 =	rddreg [dreg:$0x1];
	s3 =	simm.s32 $0x0  }
0x7: {  	[smem:$0x7FF] =	sst s3  }
0x8: {  	s0 =	rddreg [dreg:$0x2];
	_ =	strace $0x80000053;
	s1 =	stileid.u32  }
0x9: {  	s3 =	smul.u32 $0x4F000, s1;
	_ =	sdelay $0x1  }
0xa: {  	s6 =	smul.u32 $0x2780, s1;
	s4 =	sadd.s32 $0x5C00, s5;
	s3 =	sshrl.u32 s3, $0x2  }
0xb: {  	s24 =	sshll.u32 s1, $0x6;
	s25 =	simm.s32 $0x1;
	s7 =	sadd.s32 s3, s2  }
0xc: {  	s8 =	sadd.s32 s4, s6;
	s3 =	sor.u32 $0x1C01, s24;
	s4 =	sshrl.u32 s7, $0x3  }
0xd: {  	[spmem:s4], [sflag:s3] =	dma.local [hbm:s8], $0x2780  }
0xe: {  	s28 =	sadd.s32 $0x0, s1;
	_ =	swait.ge [sflag:s25], $0x2780  }
0xf: {  	s26 =	smul.u32 $0x28, s1;
	p0 =	sgt.u32 s28, $0x1F3;
	[sflag:s25] =	ssyncset.done $0x0  }
0x10: {  	s9 =	sadd.s32 $0x276C00, s5;
	s10 =	simm.s32 @!p0 $0x0;
	[sflag:s25] =	ssyncadd.s32 $0xFFFFD880  }
0x11: {  	s8 =	sadd.s32 s26, s9;
	s9 =	simm.s32 @!p0 $0x2;
	[bflag:$0x0] =	sbarrier.arrive $0xFFFF  }
0x12: {  	[tilespmem:s10], [sflag:$0x2] =	stream.linear.gather @!p0 [hbm4b:s8+s10], $0x140, $0x38;
	[tilespmem:$0x1DD80] =	vst v63  }
0x13: {  	s29 =	smul.u32 $0x1400, s1;
	_ =	swait.ge @!p0 [sflag:s9], $0x140  }
0x14: {  	s11 =	sadd.s32 $0x280C00, s5;
	[sflag:s9] =	ssyncset.done @!p0 $0x0;
	p0 =	por p0, p0  }
0x15: {  	s11 =	sadd.s32 s29, s11;
	[sflag:s9] =	ssyncadd.s32 @!p0 $0xFFFFFEC0;
	s12 =	simm.s32 @!p0 $0x180  }
0x16: {  	[tilespmem:s12], [sflag:$0x2] =	stream.linear.gather @!p0 [hbm4b:s11+s10], $0xA000, $0x38;
	[tilespmem:$0x1DD80] =	vst v63  }
0x17: {  	s31 =	sadd.s32 $0x10, s1;
	_ =	swait.ge @!p0 [sflag:s9], $0xA000  }
0x18: {  	p1 =	sgt.u32 s31, $0x1F3;
	s30 =	sadd.s32 s6, s5;
	[sflag:s9] =	ssyncset.done @!p0 $0x0  }
0x19: {  	s6 =	simm.s32 @!p0 $0x140;
	[sflag:s9] =	ssyncadd.s32 @!p0 $0xFFFF6000;
	s9 =	simm.s32 @!p0 $0x1  }
0x1a: {  	[spmem:s2] =	stream.indirect.scatter.add.f32 @!p0 [tilespmem:s12], [sflag:$0x1], $0x80, s10, s6, $0xb8;
	[tilespmem:$0x1DD80] =	vst v63  }
0x1b: {  	s5 =	sadd.s32 $0xA3C00, s30;
	s7 =	simm.s32 $0x20;
	_ =	swait.ge @!p0 [sflag:s9], $0xA000  }
0x1c: {  	s8 =	sadd.s32 $0x280, s8;
	s6 =	sadd.s32 $0x14000, s11;
	[sflag:s9] =	ssyncset.done @!p0 $0x0  }
.LBB2_2:
0x1d: {  	s10 =	simm.s32 @!p1 $0x0;
	s11 =	simm.s32 @!p1 $0x2;
	[sflag:s9] =	ssyncadd.s32 @!p0 $0xFFFF6000  }
0x1e: {  	[tilespmem:s10], [sflag:$0x2] =	stream.linear.gather @!p1 [hbm4b:s8+s10], $0x140, $0x38;
	[tilespmem:$0x1DD80] =	vst v63  }
0x1f: {  	s12 =	smov.u32 s7;
	s7 =	sadd.s32 $0x10, s7;
	_ =	swait.ge @!p1 [sflag:s11], $0x140  }
0x20: {  	p0 =	por p1, p1;
	p2 =	sne.s32 s7, $0x200;
	[sflag:s11] =	ssyncset.done @!p1 $0x0  }
0x21: {  	s13 =	simm.s32 @!p0 $0x180;
	[sflag:s11] =	ssyncadd.s32 @!p0 $0xFFFFFEC0  }
0x22: {  	[tilespmem:s13], [sflag:$0x2] =	stream.linear.gather @!p0 [hbm4b:s6+s10], $0xA000, $0x38;
	[tilespmem:$0x1DD80] =	vst v63  }
0x23: {  	_ =	swait.ge @!p0 [sflag:s11], $0xA000  }
.Ltmp1:
0x24: {  	[sflag:s11] =	ssyncset.done @!p0 $0x0;
	(pc) =	sbr.rel @p2 .LBB2_2-.Ltmp1, $4  }
0x25: {  	s9 =	simm.s32 @!p0 $0x1;
	[sflag:s11] =	ssyncadd.s32 @!p0 $0xFFFF6000;
	s11 =	simm.s32 @!p0 $0x140  }
0x26: {  	[spmem:s2] =	stream.indirect.scatter.add.f32 @!p0 [tilespmem:s13], [sflag:$0x1], $0x80, s10, s11, $0xb8;
	[tilespmem:$0x1DD80] =	vst v63  }
0x27: {  	s6 =	sadd.s32 $0x14000, s6;
	s10 =	sadd.s32 s12, s1;
	_ =	swait.ge @!p0 [sflag:s9], $0xA000  }
0x28: {  	s8 =	sadd.s32 $0x280, s8;
	p1 =	sgt.u32 s10, $0x1F3;
	[sflag:s9] =	ssyncset.done @!p0 $0x0  }
0x29: {  	s7 =	simm.s32 @!p1 $0x0;
	s10 =	simm.s32 @!p1 $0x2;
	[sflag:s9] =	ssyncadd.s32 @!p0 $0xFFFF6000  }
0x2a: {  	[tilespmem:s7], [sflag:$0x2] =	stream.linear.gather @!p1 [hbm4b:s8+s7], $0x140, $0x38;
	[tilespmem:$0x1DD80] =	vst v63  }
0x2b: {  	_ =	swait.ge @!p1 [sflag:s10], $0x140  }
0x2c: {  	p0 =	por p1, p1;
	[sflag:s10] =	ssyncset.done @!p1 $0x0  }
0x2d: {  	s8 =	simm.s32 @!p0 $0x180;
	[sflag:s10] =	ssyncadd.s32 @!p0 $0xFFFFFEC0  }
0x2e: {  	[tilespmem:s8], [sflag:$0x2] =	stream.linear.gather @!p0 [hbm4b:s6+s7], $0xA000, $0x38;
	[tilespmem:$0x1DD80] =	vst v63  }
0x2f: {  	_ =	swait.ge @!p0 [sflag:s10], $0xA000  }
0x30: {  	[sflag:s10] =	ssyncset.done @!p0 $0x0  }
0x31: {  	s9 =	simm.s32 @!p0 $0x1;
	s6 =	simm.s32 @!p0 $0x140;
	[sflag:s10] =	ssyncadd.s32 @!p0 $0xFFFF6000  }
0x32: {  	[spmem:s2] =	stream.indirect.scatter.add.f32 @!p0 [tilespmem:s8], [sflag:$0x1], $0x80, s7, s6, $0xb8;
	[tilespmem:$0x1DD80] =	vst v63  }
0x33: {  	_ =	swait.ge @!p0 [sflag:s9], $0xA000  }
0x34: {  	[sflag:s9] =	ssyncset.done @!p0 $0x0  }
0x35: {  	[sflag:s9] =	ssyncadd.s32 @!p0 $0xFFFF6000  }
0x36: {  	s31 =	simm.s32 $0x1;
	[bflag:$0x0] =	sbarrier.arrive $0xFFFF  }
0x37: {  	[hbm:s5], [sflag:s3] =	dma.local [spmem:s4], $0x2780  }
0x38: {  	_ =	swait.ge [sflag:s31], $0x2780  }
0x39: {  	[sflag:s31] =	ssyncset.done $0x0  }
0x3a: {  	[sflag:s31] =	ssyncadd.s32 $0xFFFFD880  }
.LBB2_4:
0x3b: {  	_ =	sfence.sel $0x180000  }
0x3c: {  	[bflag:$0x0] =	sbarrier.arrive $0xFFFF  }
0x3d: {  	p0 =	sne.s32 s1, $0x0;
	_ =	strace $0x90000053  }
0x3e: {  	s0 =	sadd.s32 @!p0 $0x100000, s0;
	[bflag:$0x2] =	sbarrier.arrive $0xFFFF  }
0x3f: {  	[sflag:s0] =	ssyncadd.tile.s32 @!p0 $0x1;
	_ =	shalt  }
.Lfunc_end2:
_tile_overlayer_lowered:
.L_overlay_start_2:
0x40: {  	(tag) =	ssettag $0x2  }
0x41: {  	s0 =	rddreg [dreg:$0x0];
	s2 =	stileid.u32  }
0x42: {  	s1 =	rddreg [dreg:$0x1];
	p0 =	sne.s32 s2, $0x0  }
0x43: {  	s3 =	rddreg [dreg:$0x2];
	[bflag:$0x3] =	sbarrier.arrive $0xFFFF;
	s2 =	simm.s32 @!p0 $0x1C01  }
0x44: {  	[timem:s3], [sflag:s2] =	dma.local @!p0 [hbm:s0], s1  }
0x45: {  	s0 =	simm.s32 @!p0 $0x1  }
0x46: {  	_ =	swait.ge @!p0 [sflag:s0], s1  }
0x47: {  	s1 =	ssub.s32 @!p0 $0x0, s1;
	[sflag:s0] =	ssyncset.done @!p0 $0x0  }
0x48: {  	[sflag:s0] =	ssyncadd.s32 @!p0 s1  }
0x49: {  	[bflag:$0x3] =	sbarrier.arrive $0xFFFF  }
0x4a: {  	_ =	shalt  }

// kernel: kernel.27.cloned.1.call-start
scs
__scs_entry_jumppad:
0x0: {  	(pc) =	sbr.rel $0x88, $3  }
0x1: {  	(tag) =	ssettag $0x0;
	lr =	simm.s32 $0x1  }
0x2: {  	[smem:$0x3F94] =	sst lr;
	_ =	strace $0xD0000000  }
0x3: {  	_ = 	snop  }
0x4: {  	_ = 	snop  }
0x5: {  	_ = 	snop  }
0x6: {  	_ = 	snop  }
0x7: {  	_ = 	snop  }
__scs_overlays_trampoline_lowered:
0x8: {  	[smem:$0x3FA3] =	sst s0  }
0x9: {  	[smem:$0x3FA4] =	sst s1  }
0xa: {  	[smem:$0x3FA5] =	sst s2  }
0xb: {  	[smem:$0x3FA6] =	sst s3  }
0xc: {  	[smem:$0x3FA7] =	sst s4  }
0xd: {  	[smem:$0x3FA8] =	sst s5  }
0xe: {  	[smem:$0x3FA9] =	sst s6  }
0xf: {  	[smem:$0x3FAA] =	sst s7  }
0x10: {  	[smem:$0x3FAB] =	sst s8  }
0x11: {  	[smem:$0x3FAC] =	sst s9;
	s0 =	simm.s32 @!p0 $0x0  }
0x12: {  	s1 =	sld [smem:$0x3F92];
	s0 =	simm.s32 @p0 $0x1  }
0x13: {  	[smem:$0x3FAD] =	sst s0;
	s0 =	simm.s32 @!p1 $0x0  }
0x14: {  	s2 =	sld [smem:$0x3F91];
	s0 =	simm.s32 @p1 $0x1  }
0x15: {  	[smem:$0x3FAE] =	sst s0;
	s0 =	simm.s32 @!p2 $0x0  }
0x16: {  	s3 =	sld [smem:$0x3FDB];
	s0 =	simm.s32 @p2 $0x1  }
0x17: {  	s4 =	simm.s32 $0x1BF5;
	[smem:$0x3FB0] =	sst s0  }
0x18: {  	s0 =	sld [smem:$0x3F93];
	_ =	swait.ge [sflag:s4], $0x0  }
0x19: {  	s7 =	sld [smem:$0x3F94]  }
0x1a: {  	s8 =	sadd.s32 $0xFFFFE003, lr  }
0x1b: {  	s9 =	sadd.s32 $0xFFFFFEF7, lr;
	s5 =	simm.s32 $0xFFFFFFFF;
	p2 =	slt.u32 s8, $0xFFFFF086  }
0x1c: {  	p1 =	slt.u32 s9, $0xF7A;
	s5 =	simm.s32 @!p2 $0x0  }
0x1d: {  	s5 =	simm.s32 @p1 $0x1;
	p0 =	seq.s32 s7, s2  }
0x1e: {  	s7 =	smul.u32 @!p0 $0xF7A, s2;
	p2 =	seq.s32 @!p0 s5, $0x0  }
0x1f: {  	s9 =	smul.u32 $0xF7A, s1;
	s8 =	simm.s32 @!p0 $0x1BF5;
	p2 =	por !p2, p0  }
0x20: {  	[sflag:s8] =	ssyncset.s32 @!p0 $0xFFFFF086;
	s6 =	sadd.s32 @!p0 s3, s7;
	s7 =	simm.s32 @!p0 $0x108  }
0x21: {  	s3 =	sadd.s32 s3, s9;
	s6 =	sadd.s32 @!p0 $0x88, s6;
	s7 =	simm.s32 @p2 $0x1082  }
0x22: {  	[simem:s7], [sflag:s8] =	dma.local @!p0 [hbm:s6], $0xF7A  }
0x23: {  	s9 =	sor.u32 $0xD0000000, s2;
	s6 =	simm.s32 $0x108;
	_ =	swait.ge @!p0 [sflag:s8], $0x0  }
0x24: {  	s3 =	sadd.s32 $0x88, s3;
	s6 =	simm.s32 @!p1 $0x1082;
	[sflag:s4] =	ssyncset.s32 $0xFFFFF086  }
0x25: {  	[simem:s6], [sflag:s4] =	dma.local [hbm:s3], $0xF7A  }
0x26: {  	[smem:$0x3F94] =	sst s1;
	(tag) =	ssettag s2;
	_ =	strace s9  }
0x27: {  	s1 =	sld [smem:$0x3FA4]  }
0x28: {  	s2 =	sld [smem:$0x3FA5]  }
0x29: {  	s4 =	sld [smem:$0x3FA7]  }
0x2a: {  	p0 =	seq.s32 s5, $0x0;
	s5 =	sld [smem:$0x3FA8]  }
0x2b: {  	s6 =	sld [smem:$0x3FA9]  }
0x2c: {  	s7 =	sld [smem:$0x3FAA]  }
0x2d: {  	s3 =	simm.s32 $0x108;
	s8 =	sld [smem:$0x3FAB]  }
0x2e: {  	s3 =	simm.s32 @!p0 $0x1082;
	s9 =	sld [smem:$0x3FAC]  }
0x2f: {  	lr =	sadd.s32 s0, s3;
	s0 =	sld [smem:$0x3FA3]  }
0x30: {  	s3 =	sld [smem:$0x3FA6]  }
0x31: {  	[smem:$0x3FAF] =	sst s10  }
0x32: {  	s10 =	sld [smem:$0x3FAD];
	_ =	sdelay $0x3  }
0x33: {  	p0 =	seq.s32 s10, $0x1;
	s10 =	sld [smem:$0x3FAF];
	_ =	sdelay $0x3  }
0x34: {  	[smem:$0x3FAF] =	sst s10  }
0x35: {  	s10 =	sld [smem:$0x3FAE];
	_ =	sdelay $0x3  }
0x36: {  	p1 =	seq.s32 s10, $0x1;
	s10 =	sld [smem:$0x3FAF];
	_ =	sdelay $0x3  }
0x37: {  	[smem:$0x3FAF] =	sst s10  }
0x38: {  	s10 =	sld [smem:$0x3FB0]  }
0x39: {  	_ = 	snop;
	(pc) =	sbr.ind lr, $3  }
0x3a: {  	_ = 	snop  }
0x3b: {  	_ = 	snop  }
0x3c: {  	p2 =	seq.s32 s10, $0x1;
	s10 =	sld [smem:$0x3FAF]  }
0x3d: {  	_ =	shalt  }
0x3e: {  	_ =	shalt  }
0x3f: {  	_ =	shalt  }
0x40: {  	_ =	shalt  }
0x41: {  	_ =	shalt  }
0x42: {  	_ =	shalt  }
0x43: {  	_ =	shalt  }
0x44: {  	_ =	shalt  }
0x45: {  	_ =	shalt  }
0x46: {  	_ =	shalt  }
0x47: {  	_ =	shalt  }
0x48: {  	_ =	shalt  }
0x49: {  	_ =	shalt  }
0x4a: {  	_ =	shalt  }
0x4b: {  	_ =	shalt  }
0x4c: {  	_ =	shalt  }
0x4d: {  	_ =	shalt  }
0x4e: {  	_ =	shalt  }
0x4f: {  	_ =	shalt  }
0x50: {  	_ =	shalt  }
0x51: {  	_ =	shalt  }
0x52: {  	_ =	shalt  }
0x53: {  	_ =	shalt  }
0x54: {  	_ =	shalt  }
0x55: {  	_ =	shalt  }
0x56: {  	_ =	shalt  }
0x57: {  	_ =	shalt  }
0x58: {  	_ =	shalt  }
0x59: {  	_ =	shalt  }
0x5a: {  	_ =	shalt  }
0x5b: {  	_ =	shalt  }
0x5c: {  	_ =	shalt  }
0x5d: {  	_ =	shalt  }
0x5e: {  	_ =	shalt  }
0x5f: {  	_ =	shalt  }
0x60: {  	_ =	shalt  }
0x61: {  	_ =	shalt  }
0x62: {  	_ =	shalt  }
0x63: {  	_ =	shalt  }
0x64: {  	_ =	shalt  }
0x65: {  	_ =	shalt  }
0x66: {  	_ =	shalt  }
0x67: {  	_ =	shalt  }
0x68: {  	_ =	shalt  }
0x69: {  	_ =	shalt  }
0x6a: {  	_ =	shalt  }
0x6b: {  	_ =	shalt  }
0x6c: {  	_ =	shalt  }
0x6d: {  	_ =	shalt  }
0x6e: {  	_ =	shalt  }
0x6f: {  	_ =	shalt  }
0x70: {  	_ =	shalt  }
0x71: {  	_ =	shalt  }
0x72: {  	_ =	shalt  }
0x73: {  	_ =	shalt  }
0x74: {  	_ =	shalt  }
0x75: {  	_ =	shalt  }
0x76: {  	_ =	shalt  }
0x77: {  	_ =	shalt  }
0x78: {  	_ =	shalt  }
0x79: {  	_ =	shalt  }
0x7a: {  	_ =	shalt  }
0x7b: {  	_ =	shalt  }
0x7c: {  	_ =	shalt  }
0x7d: {  	_ =	shalt  }
0x7e: {  	_ =	shalt  }
0x7f: {  	_ =	shalt  }
0x80: {  	_ =	shalt  }
0x81: {  	_ =	shalt  }
0x82: {  	_ =	shalt  }
0x83: {  	_ =	shalt  }
0x84: {  	_ =	shalt  }
0x85: {  	_ =	shalt  }
0x86: {  	_ =	shalt  }
0x87: {  	_ =	shalt  }
.Lfunc_end0:
.L_simem_size_0:
called_computation.2_lowered:
.L_overlay_start_0:
0x88: {  	s2 =	sld [smem:$0x3FD9]  }
0x89: {  	s3 =	sld [smem:$0x3FFE];
	_ =	sdelay $0x1  }
0x8a: {  	s1 =	srdreg.scid  }
0x8b: {  	s0 =	sand.u32 $0x1, s1  }
0x8c: {  	s17 =	sshll.u32 s0, $0xA;
	s2 =	sadd.s32 s3, s2  }
0x8d: {  	s2 =	sadd.s32 s2, s17  }
0x8e: {  	[smem:$0x3FBB] =	sst s2  }
0x8f: {  	_ = 	snop  }
0x90: {  	(tm) =	ssettm $0x1  }
0x91: {  	s18 =	sld [smem:$0x3FFB];
	_ =	sdelay $0x3  }
0x92: {  	_ =	strace s18  }
0x93: {  	s2 =	sld [smem:$0x3FFC];
	_ =	sdelay $0x3  }
0x94: {  	_ =	strace s2  }
0x95: {  	s2 =	sld [smem:$0x3FFD];
	_ =	sdelay $0x3  }
0x96: {  	_ =	strace s2  }
0x97: {  	_ =	strace $0x8FFFFFFF  }
0x98: {  	s19 =	sld [smem:$0x3FDB];
	_ =	sdelay $0x1  }
0x99: {  	s20 =	simm.s32 $_scs_section_size  }
0x9a: {  	s4 =	simm.s32 $_size__tile_overlayer_lowered;
	s5 =	simm.s32 $_tile_overlayer_lowered  }
0x9b: {  	s6 =	simm.s32 $0x1BFF;
	s21 =	sshll.u32 s5, $0x1;
	s3 =	sadd.s32 s20, s19  }
0x9c: {  	s22 =	simm.s32 $0x0;
	s4 =	sshll.u32 s4, $0x1;
	s5 =	sadd.s32 s21, s3  }
0x9d: {  	[timem:s22], [sflag:s6] =	dma.local [hbm:s5], s4  }
0x9e: {  	_ =	swait.ge [sflag:s6], s4  }
0x9f: {  	s4 =	ssub.s32 $0x0, s4;
	[sflag:s6] =	ssyncset.done $0x0  }
0xa0: {  	[sflag:s6] =	ssyncadd.s32 s4;
	_ =	sdelay $0x1  }
0xa1: {  	s23 =	simm.s32 $0x1B8B  }
0xa2: {  	_ =	swait.ge [sflag:s23], $0x1  }
0xa3: {  	[sflag:s23] =	ssyncset.done $0x0  }
0xa4: {  	[sflag:s23] =	ssyncadd.s32 $0xFFFFFFFF  }
0xa5: {  	s4 =	sld [smem:$0x0]  }
0xa6: {  	s5 =	sand.u32 $0xFFFFFFFE, s1  }
0xa7: {  	p0 =	sne.s32 s1, s5  }
0xa8: {  	s5 =	sshll.u32 @p0 s5, $0xE  }
0xa9: {  	s5 =	sadd.s32 @p0 $0x11B8D, s5;
	s6 =	sshll.u32 @p0 s4, $0x11  }
0xaa: {  	s5 =	sor.u32 @p0 s6, s5  }
0xab: {  	[sflag:s5] =	ssyncadd.remote.s32 @p0 $0x1;
	_ =	sdelay $0x1  }
0xac: {  	s5 =	simm.s32 @p0 $0x1B8D  }
0xad: {  	_ =	swait.eq @p0 [sflag:s5], $0x1  }
0xae: {  	[sflag:s5] =	ssyncadd.s32 @p0 $0xFFFFFFFF  }
0xaf: {  	s6 =	sshll.u32 @!p0 s1, $0xE  }
0xb0: {  	s6 =	sor.u32 @!p0 $0x4000, s6;
	s5 =	simm.s32 @!p0 $0x1B8D  }
0xb1: {  	s4 =	sshll.u32 @!p0 s4, $0x11;
	s6 =	sadd.s32 @!p0 $0x11B8D, s6;
	_ =	swait.eq @!p0 [sflag:s5], $0x1  }
0xb2: {  	s4 =	sor.u32 @!p0 s4, s6;
	[sflag:s5] =	ssyncadd.s32 @!p0 $0xFFFFFFFF  }
0xb3: {  	s25 =	simm.s32 $0x1B8E;
	s24 =	sld [smem:$0x3FFE];
	[sflag:s4] =	ssyncadd.remote.s32 @!p0 $0x1  }
0xb4: {  	s26 =	simm.s32 $execute0_lowered;
	[smem:$0x3FD2] =	sst s25  }
0xb5: {  	s5 =	sshll.u32 s26, $0x1;
	_ =	strace $0x8000004F;
	[dreg:$0x1] =	wrdreg $0xFFFFFFFF  }
0xb6: {  	s28 =	simm.s32 $_size_execute0_lowered;
	s3 =	sadd.s32 s3, s5;
	[dreg:$0x0] =	wrdreg $0x0  }
0xb7: {  	s5 =	sshll.u32 s28, $0x1;
	[dreg:$0x2] =	wrdreg s3  }
0xb8: {  	[dreg:$0x3] =	wrdreg s5  }
0xb9: {  	[dreg:$0x4] =	wrdreg $0xC0  }
0xba: {  	_ =	task [dreg:s22], $0x5FFFF  }
0xbb: {  	[dreg:$0x1] =	wrdreg $0xFFFFFFFF  }
0xbc: {  	[dreg:$0x0] =	wrdreg $0x60  }
0xbd: {  	[dreg:$0x2] =	wrdreg s24  }
0xbe: {  	[dreg:$0x3] =	wrdreg $0xA1800  }
0xbf: {  	[dreg:$0x4] =	wrdreg $0xA  }
0xc0: {  	_ =	task.clear_ibuf [dreg:s22], $0x5FFFF;
	_ =	strace $0x9000004F  }
0xc1: {  	s29 =	simm.s32 $0xA;
	_ =	strace $0x80000051  }
0xc2: {  	_ =	swait.ge [sflag:s29], $0x1  }
0xc3: {  	[sflag:s29] =	ssyncadd.s32 $0xFFFFFFFF  }
0xc4: {  	_ =	strace $0x90000051  }
0xc5: {  	_ =	sfence  }
0xc6: {  	s30 =	sld [smem:$0x0];
	_ =	sdelay $0x2  }
0xc7: {  	s31 =	sshll.u32 s1, $0xD;
	s1 =	sshrl.u32 s1, $0x2  }
0xc8: {  	s4 =	sand.u32 $0x4000, s31;
	s1 =	sadd.s32 s1, s30  }
0xc9: {  	s0 =	sor.u32 s4, s0;
	s1 =	sshll.u32 s1, $0x11  }
0xca: {  	s0 =	sor.u32 s1, s0  }
0xcb: {  	s0 =	sadd.s32 $0x8F2B, s0  }
0xcc: {  	[sflag:s0] =	ssyncadd.remote.s32 $0x1  }
0xcd: {  	_ =	sfence.sel $0xFFFF  }
0xce: {  	[dreg:$0x0] =	wrdreg $0xFFFFFFFF;
	(pc) =	sbr.abs _section_cstart, $3  }
0xcf: {  	[dreg:$0x1] =	wrdreg $0xFFFFFFFF  }
0xd0: {  	_ =	task.clear_ibuf [dreg:s22], $0x2FFFF;
	_ =	strace $0x9FFFFFFF  }
0xd1: {  	(tm) =	ssettm $0x7FFFFFFF  }
tec
execute0_lowered:
.L_overlay_start_1:
0x0: {  	(tag) =	ssettag $0x1  }
0x1: {  	s1 =	srdreg.scid  }
0x2: {  	s1 =	sand.u32 $0x1, s1  }
0x3: {  	p0 =	seq.s32 s1, $0x1  }
.Ltmp0:
0x4: {  	_ = 	snop;
	(pc) =	sbr.rel @p0 .LBB2_4-.Ltmp0, $4  }
0x5: {  	s5 =	rddreg [dreg:$0x0]  }
0x6: {  	s2 =	rddreg [dreg:$0x1];
	s3 =	simm.s32 $0x0  }
0x7: {  	[smem:$0x7FF] =	sst s3  }
0x8: {  	s0 =	rddreg [dreg:$0x2];
	_ =	strace $0x80000050;
	s1 =	stileid.u32  }
0x9: {  	s3 =	smul.u32 $0x4F000, s1;
	_ =	sdelay $0x1  }
0xa: {  	s6 =	smul.u32 $0x2780, s1;
	s4 =	sadd.s32 $0x5C00, s5;
	s3 =	sshrl.u32 s3, $0x2  }
0xb: {  	s24 =	sshll.u32 s1, $0x6;
	s25 =	simm.s32 $0x1;
	s7 =	sadd.s32 s3, s2  }
0xc: {  	s8 =	sadd.s32 s4, s6;
	s3 =	sor.u32 $0x1C01, s24;
	s4 =	sshrl.u32 s7, $0x3  }
0xd: {  	[spmem:s4], [sflag:s3] =	dma.local [hbm:s8], $0x2780  }
0xe: {  	s28 =	sadd.s32 $0x0, s1;
	_ =	swait.ge [sflag:s25], $0x2780  }
0xf: {  	s26 =	smul.u32 $0x28, s1;
	p0 =	sgt.u32 s28, $0x1F3;
	[sflag:s25] =	ssyncset.done $0x0  }
0x10: {  	s9 =	sadd.s32 $0x27BC00, s5;
	s10 =	simm.s32 @!p0 $0x0;
	[sflag:s25] =	ssyncadd.s32 $0xFFFFD880  }
0x11: {  	s8 =	sadd.s32 s26, s9;
	s9 =	simm.s32 @!p0 $0x2;
	[bflag:$0x0] =	sbarrier.arrive $0xFFFF  }
0x12: {  	[tilespmem:s10], [sflag:$0x2] =	stream.linear.gather @!p0 [hbm4b:s8+s10], $0x140, $0x38;
	[tilespmem:$0x1DD80] =	vst v63  }
0x13: {  	s29 =	smul.u32 $0x1400, s1;
	_ =	swait.ge @!p0 [sflag:s9], $0x140  }
0x14: {  	s11 =	sadd.s32 $0x280C00, s5;
	[sflag:s9] =	ssyncset.done @!p0 $0x0;
	p0 =	por p0, p0  }
0x15: {  	s11 =	sadd.s32 s29, s11;
	[sflag:s9] =	ssyncadd.s32 @!p0 $0xFFFFFEC0;
	s12 =	simm.s32 @!p0 $0x180  }
0x16: {  	[tilespmem:s12], [sflag:$0x2] =	stream.linear.gather @!p0 [hbm4b:s11+s10], $0xA000, $0x38;
	[tilespmem:$0x1DD80] =	vst v63  }
0x17: {  	s31 =	sadd.s32 $0x10, s1;
	_ =	swait.ge @!p0 [sflag:s9], $0xA000  }
0x18: {  	p1 =	sgt.u32 s31, $0x1F3;
	s30 =	sadd.s32 s6, s5;
	[sflag:s9] =	ssyncset.done @!p0 $0x0  }
0x19: {  	s6 =	simm.s32 @!p0 $0x140;
	[sflag:s9] =	ssyncadd.s32 @!p0 $0xFFFF6000;
	s9 =	simm.s32 @!p0 $0x1  }
0x1a: {  	[spmem:s2] =	stream.indirect.scatter.add.f32 @!p0 [tilespmem:s12], [sflag:$0x1], $0x80, s10, s6, $0xb8;
	[tilespmem:$0x1DD80] =	vst v63  }
0x1b: {  	s5 =	sadd.s32 $0x7C400, s30;
	s7 =	simm.s32 $0x20;
	_ =	swait.ge @!p0 [sflag:s9], $0xA000  }
0x1c: {  	s8 =	sadd.s32 $0x280, s8;
	s6 =	sadd.s32 $0x14000, s11;
	[sflag:s9] =	ssyncset.done @!p0 $0x0  }
.LBB2_2:
0x1d: {  	s10 =	simm.s32 @!p1 $0x0;
	s11 =	simm.s32 @!p1 $0x2;
	[sflag:s9] =	ssyncadd.s32 @!p0 $0xFFFF6000  }
0x1e: {  	[tilespmem:s10], [sflag:$0x2] =	stream.linear.gather @!p1 [hbm4b:s8+s10], $0x140, $0x38;
	[tilespmem:$0x1DD80] =	vst v63  }
0x1f: {  	s12 =	smov.u32 s7;
	s7 =	sadd.s32 $0x10, s7;
	_ =	swait.ge @!p1 [sflag:s11], $0x140  }
0x20: {  	p0 =	por p1, p1;
	p2 =	sne.s32 s7, $0x200;
	[sflag:s11] =	ssyncset.done @!p1 $0x0  }
0x21: {  	s13 =	simm.s32 @!p0 $0x180;
	[sflag:s11] =	ssyncadd.s32 @!p0 $0xFFFFFEC0  }
0x22: {  	[tilespmem:s13], [sflag:$0x2] =	stream.linear.gather @!p0 [hbm4b:s6+s10], $0xA000, $0x38;
	[tilespmem:$0x1DD80] =	vst v63  }
0x23: {  	_ =	swait.ge @!p0 [sflag:s11], $0xA000  }
.Ltmp1:
0x24: {  	[sflag:s11] =	ssyncset.done @!p0 $0x0;
	(pc) =	sbr.rel @p2 .LBB2_2-.Ltmp1, $4  }
0x25: {  	s9 =	simm.s32 @!p0 $0x1;
	[sflag:s11] =	ssyncadd.s32 @!p0 $0xFFFF6000;
	s11 =	simm.s32 @!p0 $0x140  }
0x26: {  	[spmem:s2] =	stream.indirect.scatter.add.f32 @!p0 [tilespmem:s13], [sflag:$0x1], $0x80, s10, s11, $0xb8;
	[tilespmem:$0x1DD80] =	vst v63  }
0x27: {  	s6 =	sadd.s32 $0x14000, s6;
	s10 =	sadd.s32 s12, s1;
	_ =	swait.ge @!p0 [sflag:s9], $0xA000  }
0x28: {  	s8 =	sadd.s32 $0x280, s8;
	p1 =	sgt.u32 s10, $0x1F3;
	[sflag:s9] =	ssyncset.done @!p0 $0x0  }
0x29: {  	s7 =	simm.s32 @!p1 $0x0;
	s10 =	simm.s32 @!p1 $0x2;
	[sflag:s9] =	ssyncadd.s32 @!p0 $0xFFFF6000  }
0x2a: {  	[tilespmem:s7], [sflag:$0x2] =	stream.linear.gather @!p1 [hbm4b:s8+s7], $0x140, $0x38;
	[tilespmem:$0x1DD80] =	vst v63  }
0x2b: {  	_ =	swait.ge @!p1 [sflag:s10], $0x140  }
0x2c: {  	p0 =	por p1, p1;
	[sflag:s10] =	ssyncset.done @!p1 $0x0  }
0x2d: {  	s8 =	simm.s32 @!p0 $0x180;
	[sflag:s10] =	ssyncadd.s32 @!p0 $0xFFFFFEC0  }
0x2e: {  	[tilespmem:s8], [sflag:$0x2] =	stream.linear.gather @!p0 [hbm4b:s6+s7], $0xA000, $0x38;
	[tilespmem:$0x1DD80] =	vst v63  }
0x2f: {  	_ =	swait.ge @!p0 [sflag:s10], $0xA000  }
0x30: {  	[sflag:s10] =	ssyncset.done @!p0 $0x0  }
0x31: {  	s9 =	simm.s32 @!p0 $0x1;
	s6 =	simm.s32 @!p0 $0x140;
	[sflag:s10] =	ssyncadd.s32 @!p0 $0xFFFF6000  }
0x32: {  	[spmem:s2] =	stream.indirect.scatter.add.f32 @!p0 [tilespmem:s8], [sflag:$0x1], $0x80, s7, s6, $0xb8;
	[tilespmem:$0x1DD80] =	vst v63  }
0x33: {  	_ =	swait.ge @!p0 [sflag:s9], $0xA000  }
0x34: {  	[sflag:s9] =	ssyncset.done @!p0 $0x0  }
0x35: {  	[sflag:s9] =	ssyncadd.s32 @!p0 $0xFFFF6000  }
0x36: {  	s31 =	simm.s32 $0x1;
	[bflag:$0x0] =	sbarrier.arrive $0xFFFF  }
0x37: {  	[hbm:s5], [sflag:s3] =	dma.local [spmem:s4], $0x2780  }
0x38: {  	_ =	swait.ge [sflag:s31], $0x2780  }
0x39: {  	[sflag:s31] =	ssyncset.done $0x0  }
0x3a: {  	[sflag:s31] =	ssyncadd.s32 $0xFFFFD880  }
.LBB2_4:
0x3b: {  	_ =	sfence.sel $0x180000  }
0x3c: {  	[bflag:$0x0] =	sbarrier.arrive $0xFFFF  }
0x3d: {  	p0 =	sne.s32 s1, $0x0;
	_ =	strace $0x90000050  }
0x3e: {  	s0 =	sadd.s32 @!p0 $0x100000, s0;
	[bflag:$0x2] =	sbarrier.arrive $0xFFFF  }
0x3f: {  	[sflag:s0] =	ssyncadd.tile.s32 @!p0 $0x1;
	_ =	shalt  }
.Lfunc_end2:
_tile_overlayer_lowered:
.L_overlay_start_2:
0x40: {  	(tag) =	ssettag $0x2  }
0x41: {  	s0 =	rddreg [dreg:$0x0];
	s2 =	stileid.u32  }
0x42: {  	s1 =	rddreg [dreg:$0x1];
	p0 =	sne.s32 s2, $0x0  }
0x43: {  	s3 =	rddreg [dreg:$0x2];
	[bflag:$0x3] =	sbarrier.arrive $0xFFFF;
	s2 =	simm.s32 @!p0 $0x1C01  }
0x44: {  	[timem:s3], [sflag:s2] =	dma.local @!p0 [hbm:s0], s1  }
0x45: {  	s0 =	simm.s32 @!p0 $0x1  }
0x46: {  	_ =	swait.ge @!p0 [sflag:s0], s1  }
0x47: {  	s1 =	ssub.s32 @!p0 $0x0, s1;
	[sflag:s0] =	ssyncset.done @!p0 $0x0  }
0x48: {  	[sflag:s0] =	ssyncadd.s32 @!p0 s1  }
0x49: {  	[bflag:$0x3] =	sbarrier.arrive $0xFFFF  }
0x4a: {  	_ =	shalt  }

// kernel: kernel.30.cloned.1.call-start
scs
__scs_entry_jumppad:
0x0: {  	(pc) =	sbr.rel $0x88, $3  }
0x1: {  	(tag) =	ssettag $0x0;
	lr =	simm.s32 $0x1  }
0x2: {  	[smem:$0x3F94] =	sst lr;
	_ =	strace $0xD0000000  }
0x3: {  	_ = 	snop  }
0x4: {  	_ = 	snop  }
0x5: {  	_ = 	snop  }
0x6: {  	_ = 	snop  }
0x7: {  	_ = 	snop  }
__scs_overlays_trampoline_lowered:
0x8: {  	[smem:$0x3FA3] =	sst s0  }
0x9: {  	[smem:$0x3FA4] =	sst s1  }
0xa: {  	[smem:$0x3FA5] =	sst s2  }
0xb: {  	[smem:$0x3FA6] =	sst s3  }
0xc: {  	[smem:$0x3FA7] =	sst s4  }
0xd: {  	[smem:$0x3FA8] =	sst s5  }
0xe: {  	[smem:$0x3FA9] =	sst s6  }
0xf: {  	[smem:$0x3FAA] =	sst s7  }
0x10: {  	[smem:$0x3FAB] =	sst s8  }
0x11: {  	[smem:$0x3FAC] =	sst s9;
	s0 =	simm.s32 @!p0 $0x0  }
0x12: {  	s1 =	sld [smem:$0x3F92];
	s0 =	simm.s32 @p0 $0x1  }
0x13: {  	[smem:$0x3FAD] =	sst s0;
	s0 =	simm.s32 @!p1 $0x0  }
0x14: {  	s2 =	sld [smem:$0x3F91];
	s0 =	simm.s32 @p1 $0x1  }
0x15: {  	[smem:$0x3FAE] =	sst s0;
	s0 =	simm.s32 @!p2 $0x0  }
0x16: {  	s3 =	sld [smem:$0x3FDB];
	s0 =	simm.s32 @p2 $0x1  }
0x17: {  	s4 =	simm.s32 $0x1BF5;
	[smem:$0x3FB0] =	sst s0  }
0x18: {  	s0 =	sld [smem:$0x3F93];
	_ =	swait.ge [sflag:s4], $0x0  }
0x19: {  	s7 =	sld [smem:$0x3F94]  }
0x1a: {  	s8 =	sadd.s32 $0xFFFFE003, lr  }
0x1b: {  	s9 =	sadd.s32 $0xFFFFFEF7, lr;
	s5 =	simm.s32 $0xFFFFFFFF;
	p2 =	slt.u32 s8, $0xFFFFF086  }
0x1c: {  	p1 =	slt.u32 s9, $0xF7A;
	s5 =	simm.s32 @!p2 $0x0  }
0x1d: {  	s5 =	simm.s32 @p1 $0x1;
	p0 =	seq.s32 s7, s2  }
0x1e: {  	s7 =	smul.u32 @!p0 $0xF7A, s2;
	p2 =	seq.s32 @!p0 s5, $0x0  }
0x1f: {  	s9 =	smul.u32 $0xF7A, s1;
	s8 =	simm.s32 @!p0 $0x1BF5;
	p2 =	por !p2, p0  }
0x20: {  	[sflag:s8] =	ssyncset.s32 @!p0 $0xFFFFF086;
	s6 =	sadd.s32 @!p0 s3, s7;
	s7 =	simm.s32 @!p0 $0x108  }
0x21: {  	s3 =	sadd.s32 s3, s9;
	s6 =	sadd.s32 @!p0 $0x88, s6;
	s7 =	simm.s32 @p2 $0x1082  }
0x22: {  	[simem:s7], [sflag:s8] =	dma.local @!p0 [hbm:s6], $0xF7A  }
0x23: {  	s9 =	sor.u32 $0xD0000000, s2;
	s6 =	simm.s32 $0x108;
	_ =	swait.ge @!p0 [sflag:s8], $0x0  }
0x24: {  	s3 =	sadd.s32 $0x88, s3;
	s6 =	simm.s32 @!p1 $0x1082;
	[sflag:s4] =	ssyncset.s32 $0xFFFFF086  }
0x25: {  	[simem:s6], [sflag:s4] =	dma.local [hbm:s3], $0xF7A  }
0x26: {  	[smem:$0x3F94] =	sst s1;
	(tag) =	ssettag s2;
	_ =	strace s9  }
0x27: {  	s1 =	sld [smem:$0x3FA4]  }
0x28: {  	s2 =	sld [smem:$0x3FA5]  }
0x29: {  	s4 =	sld [smem:$0x3FA7]  }
0x2a: {  	p0 =	seq.s32 s5, $0x0;
	s5 =	sld [smem:$0x3FA8]  }
0x2b: {  	s6 =	sld [smem:$0x3FA9]  }
0x2c: {  	s7 =	sld [smem:$0x3FAA]  }
0x2d: {  	s3 =	simm.s32 $0x108;
	s8 =	sld [smem:$0x3FAB]  }
0x2e: {  	s3 =	simm.s32 @!p0 $0x1082;
	s9 =	sld [smem:$0x3FAC]  }
0x2f: {  	lr =	sadd.s32 s0, s3;
	s0 =	sld [smem:$0x3FA3]  }
0x30: {  	s3 =	sld [smem:$0x3FA6]  }
0x31: {  	[smem:$0x3FAF] =	sst s10  }
0x32: {  	s10 =	sld [smem:$0x3FAD];
	_ =	sdelay $0x3  }
0x33: {  	p0 =	seq.s32 s10, $0x1;
	s10 =	sld [smem:$0x3FAF];
	_ =	sdelay $0x3  }
0x34: {  	[smem:$0x3FAF] =	sst s10  }
0x35: {  	s10 =	sld [smem:$0x3FAE];
	_ =	sdelay $0x3  }
0x36: {  	p1 =	seq.s32 s10, $0x1;
	s10 =	sld [smem:$0x3FAF];
	_ =	sdelay $0x3  }
0x37: {  	[smem:$0x3FAF] =	sst s10  }
0x38: {  	s10 =	sld [smem:$0x3FB0]  }
0x39: {  	_ = 	snop;
	(pc) =	sbr.ind lr, $3  }
0x3a: {  	_ = 	snop  }
0x3b: {  	_ = 	snop  }
0x3c: {  	p2 =	seq.s32 s10, $0x1;
	s10 =	sld [smem:$0x3FAF]  }
0x3d: {  	_ =	shalt  }
0x3e: {  	_ =	shalt  }
0x3f: {  	_ =	shalt  }
0x40: {  	_ =	shalt  }
0x41: {  	_ =	shalt  }
0x42: {  	_ =	shalt  }
0x43: {  	_ =	shalt  }
0x44: {  	_ =	shalt  }
0x45: {  	_ =	shalt  }
0x46: {  	_ =	shalt  }
0x47: {  	_ =	shalt  }
0x48: {  	_ =	shalt  }
0x49: {  	_ =	shalt  }
0x4a: {  	_ =	shalt  }
0x4b: {  	_ =	shalt  }
0x4c: {  	_ =	shalt  }
0x4d: {  	_ =	shalt  }
0x4e: {  	_ =	shalt  }
0x4f: {  	_ =	shalt  }
0x50: {  	_ =	shalt  }
0x51: {  	_ =	shalt  }
0x52: {  	_ =	shalt  }
0x53: {  	_ =	shalt  }
0x54: {  	_ =	shalt  }
0x55: {  	_ =	shalt  }
0x56: {  	_ =	shalt  }
0x57: {  	_ =	shalt  }
0x58: {  	_ =	shalt  }
0x59: {  	_ =	shalt  }
0x5a: {  	_ =	shalt  }
0x5b: {  	_ =	shalt  }
0x5c: {  	_ =	shalt  }
0x5d: {  	_ =	shalt  }
0x5e: {  	_ =	shalt  }
0x5f: {  	_ =	shalt  }
0x60: {  	_ =	shalt  }
0x61: {  	_ =	shalt  }
0x62: {  	_ =	shalt  }
0x63: {  	_ =	shalt  }
0x64: {  	_ =	shalt  }
0x65: {  	_ =	shalt  }
0x66: {  	_ =	shalt  }
0x67: {  	_ =	shalt  }
0x68: {  	_ =	shalt  }
0x69: {  	_ =	shalt  }
0x6a: {  	_ =	shalt  }
0x6b: {  	_ =	shalt  }
0x6c: {  	_ =	shalt  }
0x6d: {  	_ =	shalt  }
0x6e: {  	_ =	shalt  }
0x6f: {  	_ =	shalt  }
0x70: {  	_ =	shalt  }
0x71: {  	_ =	shalt  }
0x72: {  	_ =	shalt  }
0x73: {  	_ =	shalt  }
0x74: {  	_ =	shalt  }
0x75: {  	_ =	shalt  }
0x76: {  	_ =	shalt  }
0x77: {  	_ =	shalt  }
0x78: {  	_ =	shalt  }
0x79: {  	_ =	shalt  }
0x7a: {  	_ =	shalt  }
0x7b: {  	_ =	shalt  }
0x7c: {  	_ =	shalt  }
0x7d: {  	_ =	shalt  }
0x7e: {  	_ =	shalt  }
0x7f: {  	_ =	shalt  }
0x80: {  	_ =	shalt  }
0x81: {  	_ =	shalt  }
0x82: {  	_ =	shalt  }
0x83: {  	_ =	shalt  }
0x84: {  	_ =	shalt  }
0x85: {  	_ =	shalt  }
0x86: {  	_ =	shalt  }
0x87: {  	_ =	shalt  }
.Lfunc_end0:
.L_simem_size_0:
called_computation.3_lowered:
.L_overlay_start_0:
0x88: {  	s2 =	sld [smem:$0x3FD9]  }
0x89: {  	s3 =	sld [smem:$0x3FFE];
	_ =	sdelay $0x1  }
0x8a: {  	s1 =	srdreg.scid  }
0x8b: {  	s0 =	sand.u32 $0x1, s1  }
0x8c: {  	s17 =	sshll.u32 s0, $0xA;
	s2 =	sadd.s32 s3, s2  }
0x8d: {  	s2 =	sadd.s32 s2, s17  }
0x8e: {  	[smem:$0x3FBB] =	sst s2  }
0x8f: {  	_ = 	snop  }
0x90: {  	(tm) =	ssettm $0x1  }
0x91: {  	s18 =	sld [smem:$0x3FFB];
	_ =	sdelay $0x3  }
0x92: {  	_ =	strace s18  }
0x93: {  	s2 =	sld [smem:$0x3FFC];
	_ =	sdelay $0x3  }
0x94: {  	_ =	strace s2  }
0x95: {  	s2 =	sld [smem:$0x3FFD];
	_ =	sdelay $0x3  }
0x96: {  	_ =	strace s2  }
0x97: {  	_ =	strace $0x8FFFFFFF  }
0x98: {  	s19 =	sld [smem:$0x3FDB];
	_ =	sdelay $0x1  }
0x99: {  	s20 =	simm.s32 $_scs_section_size  }
0x9a: {  	s4 =	simm.s32 $_size__tile_overlayer_lowered;
	s5 =	simm.s32 $_tile_overlayer_lowered  }
0x9b: {  	s6 =	simm.s32 $0x1BFF;
	s21 =	sshll.u32 s5, $0x1;
	s3 =	sadd.s32 s20, s19  }
0x9c: {  	s22 =	simm.s32 $0x0;
	s4 =	sshll.u32 s4, $0x1;
	s5 =	sadd.s32 s21, s3  }
0x9d: {  	[timem:s22], [sflag:s6] =	dma.local [hbm:s5], s4  }
0x9e: {  	_ =	swait.ge [sflag:s6], s4  }
0x9f: {  	s4 =	ssub.s32 $0x0, s4;
	[sflag:s6] =	ssyncset.done $0x0  }
0xa0: {  	[sflag:s6] =	ssyncadd.s32 s4;
	_ =	sdelay $0x1  }
0xa1: {  	s23 =	simm.s32 $0x1B8B  }
0xa2: {  	_ =	swait.ge [sflag:s23], $0x1  }
0xa3: {  	[sflag:s23] =	ssyncset.done $0x0  }
0xa4: {  	[sflag:s23] =	ssyncadd.s32 $0xFFFFFFFF  }
0xa5: {  	s4 =	sld [smem:$0x0]  }
0xa6: {  	s5 =	sand.u32 $0xFFFFFFFE, s1  }
0xa7: {  	p0 =	sne.s32 s1, s5  }
0xa8: {  	s5 =	sshll.u32 @p0 s5, $0xE  }
0xa9: {  	s5 =	sadd.s32 @p0 $0x11B8D, s5;
	s6 =	sshll.u32 @p0 s4, $0x11  }
0xaa: {  	s5 =	sor.u32 @p0 s6, s5  }
0xab: {  	[sflag:s5] =	ssyncadd.remote.s32 @p0 $0x1;
	_ =	sdelay $0x1  }
0xac: {  	s5 =	simm.s32 @p0 $0x1B8D  }
0xad: {  	_ =	swait.eq @p0 [sflag:s5], $0x1  }
0xae: {  	[sflag:s5] =	ssyncadd.s32 @p0 $0xFFFFFFFF  }
0xaf: {  	s6 =	sshll.u32 @!p0 s1, $0xE  }
0xb0: {  	s6 =	sor.u32 @!p0 $0x4000, s6;
	s5 =	simm.s32 @!p0 $0x1B8D  }
0xb1: {  	s4 =	sshll.u32 @!p0 s4, $0x11;
	s6 =	sadd.s32 @!p0 $0x11B8D, s6;
	_ =	swait.eq @!p0 [sflag:s5], $0x1  }
0xb2: {  	s4 =	sor.u32 @!p0 s4, s6;
	[sflag:s5] =	ssyncadd.s32 @!p0 $0xFFFFFFFF  }
0xb3: {  	s25 =	simm.s32 $0x1B8E;
	s24 =	sld [smem:$0x3FFE];
	[sflag:s4] =	ssyncadd.remote.s32 @!p0 $0x1  }
0xb4: {  	s26 =	simm.s32 $execute0_lowered;
	[smem:$0x3FD2] =	sst s25  }
0xb5: {  	s5 =	sshll.u32 s26, $0x1;
	_ =	strace $0x8000004C;
	[dreg:$0x1] =	wrdreg $0xFFFFFFFF  }
0xb6: {  	s28 =	simm.s32 $_size_execute0_lowered;
	s3 =	sadd.s32 s3, s5;
	[dreg:$0x0] =	wrdreg $0x0  }
0xb7: {  	s5 =	sshll.u32 s28, $0x1;
	[dreg:$0x2] =	wrdreg s3  }
0xb8: {  	[dreg:$0x3] =	wrdreg s5  }
0xb9: {  	[dreg:$0x4] =	wrdreg $0xC0  }
0xba: {  	_ =	task [dreg:s22], $0x5FFFF  }
0xbb: {  	[dreg:$0x1] =	wrdreg $0xFFFFFFFF  }
0xbc: {  	[dreg:$0x0] =	wrdreg $0x60  }
0xbd: {  	[dreg:$0x2] =	wrdreg s24  }
0xbe: {  	[dreg:$0x3] =	wrdreg $0xA1800  }
0xbf: {  	[dreg:$0x4] =	wrdreg $0xB  }
0xc0: {  	_ =	task.clear_ibuf [dreg:s22], $0x5FFFF;
	_ =	strace $0x9000004C  }
0xc1: {  	s29 =	simm.s32 $0xB;
	_ =	strace $0x8000004E  }
0xc2: {  	_ =	swait.ge [sflag:s29], $0x1  }
0xc3: {  	[sflag:s29] =	ssyncadd.s32 $0xFFFFFFFF  }
0xc4: {  	_ =	strace $0x9000004E  }
0xc5: {  	_ =	sfence  }
0xc6: {  	s30 =	sld [smem:$0x0];
	_ =	sdelay $0x2  }
0xc7: {  	s31 =	sshll.u32 s1, $0xD;
	s1 =	sshrl.u32 s1, $0x2  }
0xc8: {  	s4 =	sand.u32 $0x4000, s31;
	s1 =	sadd.s32 s1, s30  }
0xc9: {  	s0 =	sor.u32 s4, s0;
	s1 =	sshll.u32 s1, $0x11  }
0xca: {  	s0 =	sor.u32 s1, s0  }
0xcb: {  	s0 =	sadd.s32 $0x8F2B, s0  }
0xcc: {  	[sflag:s0] =	ssyncadd.remote.s32 $0x1  }
0xcd: {  	_ =	sfence.sel $0xFFFF  }
0xce: {  	[dreg:$0x0] =	wrdreg $0xFFFFFFFF;
	(pc) =	sbr.abs _section_cstart, $3  }
0xcf: {  	[dreg:$0x1] =	wrdreg $0xFFFFFFFF  }
0xd0: {  	_ =	task.clear_ibuf [dreg:s22], $0x2FFFF;
	_ =	strace $0x9FFFFFFF  }
0xd1: {  	(tm) =	ssettm $0x7FFFFFFF  }
tec
execute0_lowered:
.L_overlay_start_1:
0x0: {  	(tag) =	ssettag $0x1  }
0x1: {  	s1 =	srdreg.scid  }
0x2: {  	s1 =	sand.u32 $0x1, s1  }
0x3: {  	p0 =	seq.s32 s1, $0x1  }
.Ltmp0:
0x4: {  	_ = 	snop;
	(pc) =	sbr.rel @p0 .LBB2_4-.Ltmp0, $4  }
0x5: {  	s5 =	rddreg [dreg:$0x0]  }
0x6: {  	s2 =	rddreg [dreg:$0x1];
	s3 =	simm.s32 $0x0  }
0x7: {  	[smem:$0x7FF] =	sst s3  }
0x8: {  	s0 =	rddreg [dreg:$0x2];
	_ =	strace $0x8000004D;
	s1 =	stileid.u32  }
0x9: {  	s3 =	smul.u32 $0x4F000, s1;
	_ =	sdelay $0x1  }
0xa: {  	s6 =	smul.u32 $0x2780, s1;
	s4 =	sadd.s32 $0x5C00, s5;
	s3 =	sshrl.u32 s3, $0x2  }
0xb: {  	s24 =	sshll.u32 s1, $0x6;
	s25 =	simm.s32 $0x1;
	s7 =	sadd.s32 s3, s2  }
0xc: {  	s8 =	sadd.s32 s4, s6;
	s3 =	sor.u32 $0x1C01, s24;
	s4 =	sshrl.u32 s7, $0x3  }
0xd: {  	[spmem:s4], [sflag:s3] =	dma.local [hbm:s8], $0x2780  }
0xe: {  	s28 =	sadd.s32 $0x0, s1;
	_ =	swait.ge [sflag:s25], $0x2780  }
0xf: {  	s26 =	smul.u32 $0x28, s1;
	p0 =	sgt.u32 s28, $0x1F3;
	[sflag:s25] =	ssyncset.done $0x0  }
0x10: {  	s9 =	sadd.s32 $0x276C00, s5;
	s10 =	simm.s32 @!p0 $0x0;
	[sflag:s25] =	ssyncadd.s32 $0xFFFFD880  }
0x11: {  	s8 =	sadd.s32 s26, s9;
	s9 =	simm.s32 @!p0 $0x2;
	[bflag:$0x0] =	sbarrier.arrive $0xFFFF  }
0x12: {  	[tilespmem:s10], [sflag:$0x2] =	stream.linear.gather @!p0 [hbm4b:s8+s10], $0x140, $0x38;
	[tilespmem:$0x1DD80] =	vst v63  }
0x13: {  	s29 =	smul.u32 $0x1400, s1;
	_ =	swait.ge @!p0 [sflag:s9], $0x140  }
0x14: {  	s11 =	sadd.s32 $0x4F1C00, s5;
	[sflag:s9] =	ssyncset.done @!p0 $0x0;
	p0 =	por p0, p0  }
0x15: {  	s11 =	sadd.s32 s29, s11;
	[sflag:s9] =	ssyncadd.s32 @!p0 $0xFFFFFEC0;
	s12 =	simm.s32 @!p0 $0x180  }
0x16: {  	[tilespmem:s12], [sflag:$0x2] =	stream.linear.gather @!p0 [hbm4b:s11+s10], $0xA000, $0x38;
	[tilespmem:$0x1DD80] =	vst v63  }
0x17: {  	s31 =	sadd.s32 $0x10, s1;
	_ =	swait.ge @!p0 [sflag:s9], $0xA000  }
0x18: {  	p1 =	sgt.u32 s31, $0x1F3;
	s30 =	sadd.s32 s6, s5;
	[sflag:s9] =	ssyncset.done @!p0 $0x0  }
0x19: {  	s6 =	simm.s32 @!p0 $0x140;
	[sflag:s9] =	ssyncadd.s32 @!p0 $0xFFFF6000;
	s9 =	simm.s32 @!p0 $0x1  }
0x1a: {  	[spmem:s2] =	stream.indirect.scatter.add.f32 @!p0 [tilespmem:s12], [sflag:$0x1], $0x80, s10, s6, $0xb8;
	[tilespmem:$0x1DD80] =	vst v63  }
0x1b: {  	s5 =	sadd.s32 $0x54C00, s30;
	s7 =	simm.s32 $0x20;
	_ =	swait.ge @!p0 [sflag:s9], $0xA000  }
0x1c: {  	s8 =	sadd.s32 $0x280, s8;
	s6 =	sadd.s32 $0x14000, s11;
	[sflag:s9] =	ssyncset.done @!p0 $0x0  }
.LBB2_2:
0x1d: {  	s10 =	simm.s32 @!p1 $0x0;
	s11 =	simm.s32 @!p1 $0x2;
	[sflag:s9] =	ssyncadd.s32 @!p0 $0xFFFF6000  }
0x1e: {  	[tilespmem:s10], [sflag:$0x2] =	stream.linear.gather @!p1 [hbm4b:s8+s10], $0x140, $0x38;
	[tilespmem:$0x1DD80] =	vst v63  }
0x1f: {  	s12 =	smov.u32 s7;
	s7 =	sadd.s32 $0x10, s7;
	_ =	swait.ge @!p1 [sflag:s11], $0x140  }
0x20: {  	p0 =	por p1, p1;
	p2 =	sne.s32 s7, $0x200;
	[sflag:s11] =	ssyncset.done @!p1 $0x0  }
0x21: {  	s13 =	simm.s32 @!p0 $0x180;
	[sflag:s11] =	ssyncadd.s32 @!p0 $0xFFFFFEC0  }
0x22: {  	[tilespmem:s13], [sflag:$0x2] =	stream.linear.gather @!p0 [hbm4b:s6+s10], $0xA000, $0x38;
	[tilespmem:$0x1DD80] =	vst v63  }
0x23: {  	_ =	swait.ge @!p0 [sflag:s11], $0xA000  }
.Ltmp1:
0x24: {  	[sflag:s11] =	ssyncset.done @!p0 $0x0;
	(pc) =	sbr.rel @p2 .LBB2_2-.Ltmp1, $4  }
0x25: {  	s9 =	simm.s32 @!p0 $0x1;
	[sflag:s11] =	ssyncadd.s32 @!p0 $0xFFFF6000;
	s11 =	simm.s32 @!p0 $0x140  }
0x26: {  	[spmem:s2] =	stream.indirect.scatter.add.f32 @!p0 [tilespmem:s13], [sflag:$0x1], $0x80, s10, s11, $0xb8;
	[tilespmem:$0x1DD80] =	vst v63  }
0x27: {  	s6 =	sadd.s32 $0x14000, s6;
	s10 =	sadd.s32 s12, s1;
	_ =	swait.ge @!p0 [sflag:s9], $0xA000  }
0x28: {  	s8 =	sadd.s32 $0x280, s8;
	p1 =	sgt.u32 s10, $0x1F3;
	[sflag:s9] =	ssyncset.done @!p0 $0x0  }
0x29: {  	s7 =	simm.s32 @!p1 $0x0;
	s10 =	simm.s32 @!p1 $0x2;
	[sflag:s9] =	ssyncadd.s32 @!p0 $0xFFFF6000  }
0x2a: {  	[tilespmem:s7], [sflag:$0x2] =	stream.linear.gather @!p1 [hbm4b:s8+s7], $0x140, $0x38;
	[tilespmem:$0x1DD80] =	vst v63  }
0x2b: {  	_ =	swait.ge @!p1 [sflag:s10], $0x140  }
0x2c: {  	p0 =	por p1, p1;
	[sflag:s10] =	ssyncset.done @!p1 $0x0  }
0x2d: {  	s8 =	simm.s32 @!p0 $0x180;
	[sflag:s10] =	ssyncadd.s32 @!p0 $0xFFFFFEC0  }
0x2e: {  	[tilespmem:s8], [sflag:$0x2] =	stream.linear.gather @!p0 [hbm4b:s6+s7], $0xA000, $0x38;
	[tilespmem:$0x1DD80] =	vst v63  }
0x2f: {  	_ =	swait.ge @!p0 [sflag:s10], $0xA000  }
0x30: {  	[sflag:s10] =	ssyncset.done @!p0 $0x0  }
0x31: {  	s9 =	simm.s32 @!p0 $0x1;
	s6 =	simm.s32 @!p0 $0x140;
	[sflag:s10] =	ssyncadd.s32 @!p0 $0xFFFF6000  }
0x32: {  	[spmem:s2] =	stream.indirect.scatter.add.f32 @!p0 [tilespmem:s8], [sflag:$0x1], $0x80, s7, s6, $0xb8;
	[tilespmem:$0x1DD80] =	vst v63  }
0x33: {  	_ =	swait.ge @!p0 [sflag:s9], $0xA000  }
0x34: {  	[sflag:s9] =	ssyncset.done @!p0 $0x0  }
0x35: {  	[sflag:s9] =	ssyncadd.s32 @!p0 $0xFFFF6000  }
0x36: {  	s31 =	simm.s32 $0x1;
	[bflag:$0x0] =	sbarrier.arrive $0xFFFF  }
0x37: {  	[hbm:s5], [sflag:s3] =	dma.local [spmem:s4], $0x2780  }
0x38: {  	_ =	swait.ge [sflag:s31], $0x2780  }
0x39: {  	[sflag:s31] =	ssyncset.done $0x0  }
0x3a: {  	[sflag:s31] =	ssyncadd.s32 $0xFFFFD880  }
.LBB2_4:
0x3b: {  	_ =	sfence.sel $0x180000  }
0x3c: {  	[bflag:$0x0] =	sbarrier.arrive $0xFFFF  }
0x3d: {  	p0 =	sne.s32 s1, $0x0;
	_ =	strace $0x9000004D  }
0x3e: {  	s0 =	sadd.s32 @!p0 $0x100000, s0;
	[bflag:$0x2] =	sbarrier.arrive $0xFFFF  }
0x3f: {  	[sflag:s0] =	ssyncadd.tile.s32 @!p0 $0x1;
	_ =	shalt  }
.Lfunc_end2:
_tile_overlayer_lowered:
.L_overlay_start_2:
0x40: {  	(tag) =	ssettag $0x2  }
0x41: {  	s0 =	rddreg [dreg:$0x0];
	s2 =	stileid.u32  }
0x42: {  	s1 =	rddreg [dreg:$0x1];
	p0 =	sne.s32 s2, $0x0  }
0x43: {  	s3 =	rddreg [dreg:$0x2];
	[bflag:$0x3] =	sbarrier.arrive $0xFFFF;
	s2 =	simm.s32 @!p0 $0x1C01  }
0x44: {  	[timem:s3], [sflag:s2] =	dma.local @!p0 [hbm:s0], s1  }
0x45: {  	s0 =	simm.s32 @!p0 $0x1  }
0x46: {  	_ =	swait.ge @!p0 [sflag:s0], s1  }
0x47: {  	s1 =	ssub.s32 @!p0 $0x0, s1;
	[sflag:s0] =	ssyncset.done @!p0 $0x0  }
0x48: {  	[sflag:s0] =	ssyncadd.s32 @!p0 s1  }
0x49: {  	[bflag:$0x3] =	sbarrier.arrive $0xFFFF  }
0x4a: {  	_ =	shalt  }

// kernel: kernel.33.cloned.1.call-start
scs
__scs_entry_jumppad:
0x0: {  	(pc) =	sbr.rel $0x88, $3  }
0x1: {  	(tag) =	ssettag $0x0;
	lr =	simm.s32 $0x1  }
0x2: {  	[smem:$0x3F94] =	sst lr;
	_ =	strace $0xD0000000  }
0x3: {  	_ = 	snop  }
0x4: {  	_ = 	snop  }
0x5: {  	_ = 	snop  }
0x6: {  	_ = 	snop  }
0x7: {  	_ = 	snop  }
__scs_overlays_trampoline_lowered:
0x8: {  	[smem:$0x3FA3] =	sst s0  }
0x9: {  	[smem:$0x3FA4] =	sst s1  }
0xa: {  	[smem:$0x3FA5] =	sst s2  }
0xb: {  	[smem:$0x3FA6] =	sst s3  }
0xc: {  	[smem:$0x3FA7] =	sst s4  }
0xd: {  	[smem:$0x3FA8] =	sst s5  }
0xe: {  	[smem:$0x3FA9] =	sst s6  }
0xf: {  	[smem:$0x3FAA] =	sst s7  }
0x10: {  	[smem:$0x3FAB] =	sst s8  }
0x11: {  	[smem:$0x3FAC] =	sst s9;
	s0 =	simm.s32 @!p0 $0x0  }
0x12: {  	s1 =	sld [smem:$0x3F92];
	s0 =	simm.s32 @p0 $0x1  }
0x13: {  	[smem:$0x3FAD] =	sst s0;
	s0 =	simm.s32 @!p1 $0x0  }
0x14: {  	s2 =	sld [smem:$0x3F91];
	s0 =	simm.s32 @p1 $0x1  }
0x15: {  	[smem:$0x3FAE] =	sst s0;
	s0 =	simm.s32 @!p2 $0x0  }
0x16: {  	s3 =	sld [smem:$0x3FDB];
	s0 =	simm.s32 @p2 $0x1  }
0x17: {  	s4 =	simm.s32 $0x1BF5;
	[smem:$0x3FB0] =	sst s0  }
0x18: {  	s0 =	sld [smem:$0x3F93];
	_ =	swait.ge [sflag:s4], $0x0  }
0x19: {  	s7 =	sld [smem:$0x3F94]  }
0x1a: {  	s8 =	sadd.s32 $0xFFFFE003, lr  }
0x1b: {  	s9 =	sadd.s32 $0xFFFFFEF7, lr;
	s5 =	simm.s32 $0xFFFFFFFF;
	p2 =	slt.u32 s8, $0xFFFFF086  }
0x1c: {  	p1 =	slt.u32 s9, $0xF7A;
	s5 =	simm.s32 @!p2 $0x0  }
0x1d: {  	s5 =	simm.s32 @p1 $0x1;
	p0 =	seq.s32 s7, s2  }
0x1e: {  	s7 =	smul.u32 @!p0 $0xF7A, s2;
	p2 =	seq.s32 @!p0 s5, $0x0  }
0x1f: {  	s9 =	smul.u32 $0xF7A, s1;
	s8 =	simm.s32 @!p0 $0x1BF5;
	p2 =	por !p2, p0  }
0x20: {  	[sflag:s8] =	ssyncset.s32 @!p0 $0xFFFFF086;
	s6 =	sadd.s32 @!p0 s3, s7;
	s7 =	simm.s32 @!p0 $0x108  }
0x21: {  	s3 =	sadd.s32 s3, s9;
	s6 =	sadd.s32 @!p0 $0x88, s6;
	s7 =	simm.s32 @p2 $0x1082  }
0x22: {  	[simem:s7], [sflag:s8] =	dma.local @!p0 [hbm:s6], $0xF7A  }
0x23: {  	s9 =	sor.u32 $0xD0000000, s2;
	s6 =	simm.s32 $0x108;
	_ =	swait.ge @!p0 [sflag:s8], $0x0  }
0x24: {  	s3 =	sadd.s32 $0x88, s3;
	s6 =	simm.s32 @!p1 $0x1082;
	[sflag:s4] =	ssyncset.s32 $0xFFFFF086  }
0x25: {  	[simem:s6], [sflag:s4] =	dma.local [hbm:s3], $0xF7A  }
0x26: {  	[smem:$0x3F94] =	sst s1;
	(tag) =	ssettag s2;
	_ =	strace s9  }
0x27: {  	s1 =	sld [smem:$0x3FA4]  }
0x28: {  	s2 =	sld [smem:$0x3FA5]  }
0x29: {  	s4 =	sld [smem:$0x3FA7]  }
0x2a: {  	p0 =	seq.s32 s5, $0x0;
	s5 =	sld [smem:$0x3FA8]  }
0x2b: {  	s6 =	sld [smem:$0x3FA9]  }
0x2c: {  	s7 =	sld [smem:$0x3FAA]  }
0x2d: {  	s3 =	simm.s32 $0x108;
	s8 =	sld [smem:$0x3FAB]  }
0x2e: {  	s3 =	simm.s32 @!p0 $0x1082;
	s9 =	sld [smem:$0x3FAC]  }
0x2f: {  	lr =	sadd.s32 s0, s3;
	s0 =	sld [smem:$0x3FA3]  }
0x30: {  	s3 =	sld [smem:$0x3FA6]  }
0x31: {  	[smem:$0x3FAF] =	sst s10  }
0x32: {  	s10 =	sld [smem:$0x3FAD];
	_ =	sdelay $0x3  }
0x33: {  	p0 =	seq.s32 s10, $0x1;
	s10 =	sld [smem:$0x3FAF];
	_ =	sdelay $0x3  }
0x34: {  	[smem:$0x3FAF] =	sst s10  }
0x35: {  	s10 =	sld [smem:$0x3FAE];
	_ =	sdelay $0x3  }
0x36: {  	p1 =	seq.s32 s10, $0x1;
	s10 =	sld [smem:$0x3FAF];
	_ =	sdelay $0x3  }
0x37: {  	[smem:$0x3FAF] =	sst s10  }
0x38: {  	s10 =	sld [smem:$0x3FB0]  }
0x39: {  	_ = 	snop;
	(pc) =	sbr.ind lr, $3  }
0x3a: {  	_ = 	snop  }
0x3b: {  	_ = 	snop  }
0x3c: {  	p2 =	seq.s32 s10, $0x1;
	s10 =	sld [smem:$0x3FAF]  }
0x3d: {  	_ =	shalt  }
0x3e: {  	_ =	shalt  }
0x3f: {  	_ =	shalt  }
0x40: {  	_ =	shalt  }
0x41: {  	_ =	shalt  }
0x42: {  	_ =	shalt  }
0x43: {  	_ =	shalt  }
0x44: {  	_ =	shalt  }
0x45: {  	_ =	shalt  }
0x46: {  	_ =	shalt  }
0x47: {  	_ =	shalt  }
0x48: {  	_ =	shalt  }
0x49: {  	_ =	shalt  }
0x4a: {  	_ =	shalt  }
0x4b: {  	_ =	shalt  }
0x4c: {  	_ =	shalt  }
0x4d: {  	_ =	shalt  }
0x4e: {  	_ =	shalt  }
0x4f: {  	_ =	shalt  }
0x50: {  	_ =	shalt  }
0x51: {  	_ =	shalt  }
0x52: {  	_ =	shalt  }
0x53: {  	_ =	shalt  }
0x54: {  	_ =	shalt  }
0x55: {  	_ =	shalt  }
0x56: {  	_ =	shalt  }
0x57: {  	_ =	shalt  }
0x58: {  	_ =	shalt  }
0x59: {  	_ =	shalt  }
0x5a: {  	_ =	shalt  }
0x5b: {  	_ =	shalt  }
0x5c: {  	_ =	shalt  }
0x5d: {  	_ =	shalt  }
0x5e: {  	_ =	shalt  }
0x5f: {  	_ =	shalt  }
0x60: {  	_ =	shalt  }
0x61: {  	_ =	shalt  }
0x62: {  	_ =	shalt  }
0x63: {  	_ =	shalt  }
0x64: {  	_ =	shalt  }
0x65: {  	_ =	shalt  }
0x66: {  	_ =	shalt  }
0x67: {  	_ =	shalt  }
0x68: {  	_ =	shalt  }
0x69: {  	_ =	shalt  }
0x6a: {  	_ =	shalt  }
0x6b: {  	_ =	shalt  }
0x6c: {  	_ =	shalt  }
0x6d: {  	_ =	shalt  }
0x6e: {  	_ =	shalt  }
0x6f: {  	_ =	shalt  }
0x70: {  	_ =	shalt  }
0x71: {  	_ =	shalt  }
0x72: {  	_ =	shalt  }
0x73: {  	_ =	shalt  }
0x74: {  	_ =	shalt  }
0x75: {  	_ =	shalt  }
0x76: {  	_ =	shalt  }
0x77: {  	_ =	shalt  }
0x78: {  	_ =	shalt  }
0x79: {  	_ =	shalt  }
0x7a: {  	_ =	shalt  }
0x7b: {  	_ =	shalt  }
0x7c: {  	_ =	shalt  }
0x7d: {  	_ =	shalt  }
0x7e: {  	_ =	shalt  }
0x7f: {  	_ =	shalt  }
0x80: {  	_ =	shalt  }
0x81: {  	_ =	shalt  }
0x82: {  	_ =	shalt  }
0x83: {  	_ =	shalt  }
0x84: {  	_ =	shalt  }
0x85: {  	_ =	shalt  }
0x86: {  	_ =	shalt  }
0x87: {  	_ =	shalt  }
.Lfunc_end0:
.L_simem_size_0:
called_computation.4_lowered:
.L_overlay_start_0:
0x88: {  	s2 =	sld [smem:$0x3FD9]  }
0x89: {  	s3 =	sld [smem:$0x3FFE];
	_ =	sdelay $0x1  }
0x8a: {  	s1 =	srdreg.scid  }
0x8b: {  	s0 =	sand.u32 $0x1, s1  }
0x8c: {  	s16 =	sshll.u32 s0, $0xA;
	s2 =	sadd.s32 s3, s2  }
0x8d: {  	s2 =	sadd.s32 s2, s16  }
0x8e: {  	[smem:$0x3FBB] =	sst s2  }
0x8f: {  	_ = 	snop  }
0x90: {  	(tm) =	ssettm $0x1  }
0x91: {  	s17 =	sld [smem:$0x3FFB];
	_ =	sdelay $0x3  }
0x92: {  	_ =	strace s17  }
0x93: {  	s2 =	sld [smem:$0x3FFC];
	_ =	sdelay $0x3  }
0x94: {  	_ =	strace s2  }
0x95: {  	s2 =	sld [smem:$0x3FFD];
	_ =	sdelay $0x3  }
0x96: {  	_ =	strace s2  }
0x97: {  	_ =	strace $0x8FFFFFFF  }
0x98: {  	s18 =	sld [smem:$0x3FDB];
	_ =	sdelay $0x1  }
0x99: {  	s19 =	simm.s32 $_scs_section_size  }
0x9a: {  	s4 =	simm.s32 $_size__tile_overlayer_lowered;
	s5 =	simm.s32 $_tile_overlayer_lowered  }
0x9b: {  	s22 =	simm.s32 $0x1BFF;
	s21 =	sshll.u32 s5, $0x1;
	s2 =	sadd.s32 s19, s18  }
0x9c: {  	s6 =	simm.s32 $0x0;
	s20 =	sshll.u32 s4, $0x1;
	s4 =	sadd.s32 s21, s2  }
0x9d: {  	[timem:s6], [sflag:s22] =	dma.local [hbm:s4], s20  }
0x9e: {  	_ =	swait.ge [sflag:s22], s20  }
0x9f: {  	s3 =	ssub.s32 $0x0, s20;
	[sflag:s22] =	ssyncset.done $0x0  }
0xa0: {  	[sflag:s22] =	ssyncadd.s32 s3;
	_ =	sdelay $0x1  }
0xa1: {  	s23 =	simm.s32 $0x1B8B  }
0xa2: {  	_ =	swait.ge [sflag:s23], $0x1  }
0xa3: {  	[sflag:s23] =	ssyncset.done $0x0  }
0xa4: {  	s25 =	simm.s32 $0x1B8E;
	s24 =	sld [smem:$0x3FFE];
	[sflag:s23] =	ssyncadd.s32 $0xFFFFFFFF  }
0xa5: {  	s26 =	simm.s32 $execute0_lowered;
	[smem:$0x3FD2] =	sst s25  }
0xa6: {  	s4 =	sshll.u32 s26, $0x1;
	_ =	strace $0x80000049;
	[dreg:$0x1] =	wrdreg $0xFFFFFFFF  }
0xa7: {  	s28 =	simm.s32 $_size_execute0_lowered;
	s2 =	sadd.s32 s2, s4;
	[dreg:$0x0] =	wrdreg $0x0  }
0xa8: {  	s4 =	sshll.u32 s28, $0x1;
	[dreg:$0x2] =	wrdreg s2  }
0xa9: {  	[dreg:$0x3] =	wrdreg s4  }
0xaa: {  	[dreg:$0x4] =	wrdreg $0xC0  }
0xab: {  	_ =	task [dreg:s6], $0x5FFFF  }
0xac: {  	[dreg:$0x1] =	wrdreg $0xFFFFFFFF  }
0xad: {  	[dreg:$0x0] =	wrdreg $0x60  }
0xae: {  	[dreg:$0x2] =	wrdreg s24  }
0xaf: {  	[dreg:$0x3] =	wrdreg $0xA1800  }
0xb0: {  	[dreg:$0x4] =	wrdreg $0xC  }
0xb1: {  	_ =	task.clear_ibuf [dreg:s6], $0x5FFFF;
	_ =	strace $0x90000049  }
0xb2: {  	s29 =	simm.s32 $0xC;
	_ =	strace $0x8000004B  }
0xb3: {  	_ =	swait.ge [sflag:s29], $0x1  }
0xb4: {  	[sflag:s29] =	ssyncadd.s32 $0xFFFFFFFF  }
0xb5: {  	_ =	strace $0x9000004B  }
0xb6: {  	_ =	sfence  }
0xb7: {  	s30 =	sld [smem:$0x0];
	_ =	sdelay $0x2  }
0xb8: {  	s31 =	sshll.u32 s1, $0xD;
	s1 =	sshrl.u32 s1, $0x2  }
0xb9: {  	s3 =	sand.u32 $0x4000, s31;
	s1 =	sadd.s32 s1, s30  }
0xba: {  	s0 =	sor.u32 s3, s0;
	s1 =	sshll.u32 s1, $0x11  }
0xbb: {  	s0 =	sor.u32 s1, s0  }
0xbc: {  	s0 =	sadd.s32 $0x8F2B, s0  }
0xbd: {  	[sflag:s0] =	ssyncadd.remote.s32 $0x1  }
0xbe: {  	_ =	sfence.sel $0xFFFF  }
0xbf: {  	[dreg:$0x0] =	wrdreg $0xFFFFFFFF;
	(pc) =	sbr.abs _section_cstart, $3  }
0xc0: {  	[dreg:$0x1] =	wrdreg $0xFFFFFFFF  }
0xc1: {  	_ =	task.clear_ibuf [dreg:s6], $0x2FFFF;
	_ =	strace $0x9FFFFFFF  }
0xc2: {  	(tm) =	ssettm $0x7FFFFFFF  }
0xc3: {  	_ =	shalt  }
tec
execute0_lowered:
.L_overlay_start_1:
0x0: {  	(tag) =	ssettag $0x1  }
0x1: {  	s1 =	srdreg.scid  }
0x2: {  	s1 =	sand.u32 $0x1, s1  }
0x3: {  	p0 =	seq.s32 s1, $0x1  }
.Ltmp0:
0x4: {  	_ = 	snop;
	(pc) =	sbr.rel @p0 .LBB2_4-.Ltmp0, $4  }
0x5: {  	s5 =	rddreg [dreg:$0x0]  }
0x6: {  	s2 =	rddreg [dreg:$0x1];
	s3 =	simm.s32 $0x0  }
0x7: {  	[smem:$0x7FF] =	sst s3  }
0x8: {  	s0 =	rddreg [dreg:$0x2];
	_ =	strace $0x8000004A;
	s1 =	stileid.u32  }
0x9: {  	s3 =	smul.u32 $0x4F000, s1;
	_ =	sdelay $0x1  }
0xa: {  	s6 =	smul.u32 $0x2780, s1;
	s4 =	sadd.s32 $0x5C00, s5;
	s3 =	sshrl.u32 s3, $0x2  }
0xb: {  	s24 =	sshll.u32 s1, $0x6;
	s25 =	simm.s32 $0x1;
	s7 =	sadd.s32 s3, s2  }
0xc: {  	s8 =	sadd.s32 s4, s6;
	s3 =	sor.u32 $0x1C01, s24;
	s4 =	sshrl.u32 s7, $0x3  }
0xd: {  	[spmem:s4], [sflag:s3] =	dma.local [hbm:s8], $0x2780  }
0xe: {  	s28 =	sadd.s32 $0x0, s1;
	_ =	swait.ge [sflag:s25], $0x2780  }
0xf: {  	s26 =	smul.u32 $0x28, s1;
	p0 =	sgt.u32 s28, $0x1F3;
	[sflag:s25] =	ssyncset.done $0x0  }
0x10: {  	s9 =	sadd.s32 $0x27BC00, s5;
	s10 =	simm.s32 @!p0 $0x0;
	[sflag:s25] =	ssyncadd.s32 $0xFFFFD880  }
0x11: {  	s8 =	sadd.s32 s26, s9;
	s9 =	simm.s32 @!p0 $0x2;
	[bflag:$0x0] =	sbarrier.arrive $0xFFFF  }
0x12: {  	[tilespmem:s10], [sflag:$0x2] =	stream.linear.gather @!p0 [hbm4b:s8+s10], $0x140, $0x38;
	[tilespmem:$0x1DD80] =	vst v63  }
0x13: {  	s29 =	smul.u32 $0x1400, s1;
	_ =	swait.ge @!p0 [sflag:s9], $0x140  }
0x14: {  	s11 =	sadd.s32 $0x4F1C00, s5;
	[sflag:s9] =	ssyncset.done @!p0 $0x0;
	p0 =	por p0, p0  }
0x15: {  	s11 =	sadd.s32 s29, s11;
	[sflag:s9] =	ssyncadd.s32 @!p0 $0xFFFFFEC0;
	s12 =	simm.s32 @!p0 $0x180  }
0x16: {  	[tilespmem:s12], [sflag:$0x2] =	stream.linear.gather @!p0 [hbm4b:s11+s10], $0xA000, $0x38;
	[tilespmem:$0x1DD80] =	vst v63  }
0x17: {  	s31 =	sadd.s32 $0x10, s1;
	_ =	swait.ge @!p0 [sflag:s9], $0xA000  }
0x18: {  	p1 =	sgt.u32 s31, $0x1F3;
	s30 =	sadd.s32 s6, s5;
	[sflag:s9] =	ssyncset.done @!p0 $0x0  }
0x19: {  	s6 =	simm.s32 @!p0 $0x140;
	[sflag:s9] =	ssyncadd.s32 @!p0 $0xFFFF6000;
	s9 =	simm.s32 @!p0 $0x1  }
0x1a: {  	[spmem:s2] =	stream.indirect.scatter.add.f32 @!p0 [tilespmem:s12], [sflag:$0x1], $0x80, s10, s6, $0xb8;
	[tilespmem:$0x1DD80] =	vst v63  }
0x1b: {  	s5 =	sadd.s32 $0x2D400, s30;
	s7 =	simm.s32 $0x20;
	_ =	swait.ge @!p0 [sflag:s9], $0xA000  }
0x1c: {  	s8 =	sadd.s32 $0x280, s8;
	s6 =	sadd.s32 $0x14000, s11;
	[sflag:s9] =	ssyncset.done @!p0 $0x0  }
.LBB2_2:
0x1d: {  	s10 =	simm.s32 @!p1 $0x0;
	s11 =	simm.s32 @!p1 $0x2;
	[sflag:s9] =	ssyncadd.s32 @!p0 $0xFFFF6000  }
0x1e: {  	[tilespmem:s10], [sflag:$0x2] =	stream.linear.gather @!p1 [hbm4b:s8+s10], $0x140, $0x38;
	[tilespmem:$0x1DD80] =	vst v63  }
0x1f: {  	s12 =	smov.u32 s7;
	s7 =	sadd.s32 $0x10, s7;
	_ =	swait.ge @!p1 [sflag:s11], $0x140  }
0x20: {  	p0 =	por p1, p1;
	p2 =	sne.s32 s7, $0x200;
	[sflag:s11] =	ssyncset.done @!p1 $0x0  }
0x21: {  	s13 =	simm.s32 @!p0 $0x180;
	[sflag:s11] =	ssyncadd.s32 @!p0 $0xFFFFFEC0  }
0x22: {  	[tilespmem:s13], [sflag:$0x2] =	stream.linear.gather @!p0 [hbm4b:s6+s10], $0xA000, $0x38;
	[tilespmem:$0x1DD80] =	vst v63  }
0x23: {  	_ =	swait.ge @!p0 [sflag:s11], $0xA000  }
.Ltmp1:
0x24: {  	[sflag:s11] =	ssyncset.done @!p0 $0x0;
	(pc) =	sbr.rel @p2 .LBB2_2-.Ltmp1, $4  }
0x25: {  	s9 =	simm.s32 @!p0 $0x1;
	[sflag:s11] =	ssyncadd.s32 @!p0 $0xFFFF6000;
	s11 =	simm.s32 @!p0 $0x140  }
0x26: {  	[spmem:s2] =	stream.indirect.scatter.add.f32 @!p0 [tilespmem:s13], [sflag:$0x1], $0x80, s10, s11, $0xb8;
	[tilespmem:$0x1DD80] =	vst v63  }
0x27: {  	s6 =	sadd.s32 $0x14000, s6;
	s10 =	sadd.s32 s12, s1;
	_ =	swait.ge @!p0 [sflag:s9], $0xA000  }
0x28: {  	s8 =	sadd.s32 $0x280, s8;
	p1 =	sgt.u32 s10, $0x1F3;
	[sflag:s9] =	ssyncset.done @!p0 $0x0  }
0x29: {  	s7 =	simm.s32 @!p1 $0x0;
	s10 =	simm.s32 @!p1 $0x2;
	[sflag:s9] =	ssyncadd.s32 @!p0 $0xFFFF6000  }
0x2a: {  	[tilespmem:s7], [sflag:$0x2] =	stream.linear.gather @!p1 [hbm4b:s8+s7], $0x140, $0x38;
	[tilespmem:$0x1DD80] =	vst v63  }
0x2b: {  	_ =	swait.ge @!p1 [sflag:s10], $0x140  }
0x2c: {  	p0 =	por p1, p1;
	[sflag:s10] =	ssyncset.done @!p1 $0x0  }
0x2d: {  	s8 =	simm.s32 @!p0 $0x180;
	[sflag:s10] =	ssyncadd.s32 @!p0 $0xFFFFFEC0  }
0x2e: {  	[tilespmem:s8], [sflag:$0x2] =	stream.linear.gather @!p0 [hbm4b:s6+s7], $0xA000, $0x38;
	[tilespmem:$0x1DD80] =	vst v63  }
0x2f: {  	_ =	swait.ge @!p0 [sflag:s10], $0xA000  }
0x30: {  	[sflag:s10] =	ssyncset.done @!p0 $0x0  }
0x31: {  	s9 =	simm.s32 @!p0 $0x1;
	s6 =	simm.s32 @!p0 $0x140;
	[sflag:s10] =	ssyncadd.s32 @!p0 $0xFFFF6000  }
0x32: {  	[spmem:s2] =	stream.indirect.scatter.add.f32 @!p0 [tilespmem:s8], [sflag:$0x1], $0x80, s7, s6, $0xb8;
	[tilespmem:$0x1DD80] =	vst v63  }
0x33: {  	_ =	swait.ge @!p0 [sflag:s9], $0xA000  }
0x34: {  	[sflag:s9] =	ssyncset.done @!p0 $0x0  }
0x35: {  	[sflag:s9] =	ssyncadd.s32 @!p0 $0xFFFF6000  }
0x36: {  	s31 =	simm.s32 $0x1;
	[bflag:$0x0] =	sbarrier.arrive $0xFFFF  }
0x37: {  	[hbm:s5], [sflag:s3] =	dma.local [spmem:s4], $0x2780  }
0x38: {  	_ =	swait.ge [sflag:s31], $0x2780  }
0x39: {  	[sflag:s31] =	ssyncset.done $0x0  }
0x3a: {  	[sflag:s31] =	ssyncadd.s32 $0xFFFFD880  }
.LBB2_4:
0x3b: {  	_ =	sfence.sel $0x180000  }
0x3c: {  	[bflag:$0x0] =	sbarrier.arrive $0xFFFF  }
0x3d: {  	p0 =	sne.s32 s1, $0x0;
	_ =	strace $0x9000004A  }
0x3e: {  	s0 =	sadd.s32 @!p0 $0x100000, s0;
	[bflag:$0x2] =	sbarrier.arrive $0xFFFF  }
0x3f: {  	[sflag:s0] =	ssyncadd.tile.s32 @!p0 $0x1;
	_ =	shalt  }
.Lfunc_end2:
_tile_overlayer_lowered:
.L_overlay_start_2:
0x40: {  	(tag) =	ssettag $0x2  }
0x41: {  	s0 =	rddreg [dreg:$0x0];
	s2 =	stileid.u32  }
0x42: {  	s1 =	rddreg [dreg:$0x1];
	p0 =	sne.s32 s2, $0x0  }
0x43: {  	s3 =	rddreg [dreg:$0x2];
	[bflag:$0x3] =	sbarrier.arrive $0xFFFF;
	s2 =	simm.s32 @!p0 $0x1C01  }
0x44: {  	[timem:s3], [sflag:s2] =	dma.local @!p0 [hbm:s0], s1  }
0x45: {  	s0 =	simm.s32 @!p0 $0x1  }
0x46: {  	_ =	swait.ge @!p0 [sflag:s0], s1  }
0x47: {  	s1 =	ssub.s32 @!p0 $0x0, s1;
	[sflag:s0] =	ssyncset.done @!p0 $0x0  }
0x48: {  	[sflag:s0] =	ssyncadd.s32 @!p0 s1  }
0x49: {  	[bflag:$0x3] =	sbarrier.arrive $0xFFFF  }
0x4a: {  	_ =	shalt  }

// kernel: kernel.36.cloned.1.call-start
scs
__scs_entry_jumppad:
0x0: {  	(pc) =	sbr.rel $0x88, $3  }
0x1: {  	(tag) =	ssettag $0x0;
	lr =	simm.s32 $0x1  }
0x2: {  	[smem:$0x3F94] =	sst lr;
	_ =	strace $0xD0000000  }
0x3: {  	_ = 	snop  }
0x4: {  	_ = 	snop  }
0x5: {  	_ = 	snop  }
0x6: {  	_ = 	snop  }
0x7: {  	_ = 	snop  }
__scs_overlays_trampoline_lowered:
0x8: {  	[smem:$0x3FA3] =	sst s0  }
0x9: {  	[smem:$0x3FA4] =	sst s1  }
0xa: {  	[smem:$0x3FA5] =	sst s2  }
0xb: {  	[smem:$0x3FA6] =	sst s3  }
0xc: {  	[smem:$0x3FA7] =	sst s4  }
0xd: {  	[smem:$0x3FA8] =	sst s5  }
0xe: {  	[smem:$0x3FA9] =	sst s6  }
0xf: {  	[smem:$0x3FAA] =	sst s7  }
0x10: {  	[smem:$0x3FAB] =	sst s8  }
0x11: {  	[smem:$0x3FAC] =	sst s9;
	s0 =	simm.s32 @!p0 $0x0  }
0x12: {  	s1 =	sld [smem:$0x3F92];
	s0 =	simm.s32 @p0 $0x1  }
0x13: {  	[smem:$0x3FAD] =	sst s0;
	s0 =	simm.s32 @!p1 $0x0  }
0x14: {  	s2 =	sld [smem:$0x3F91];
	s0 =	simm.s32 @p1 $0x1  }
0x15: {  	[smem:$0x3FAE] =	sst s0;
	s0 =	simm.s32 @!p2 $0x0  }
0x16: {  	s3 =	sld [smem:$0x3FDB];
	s0 =	simm.s32 @p2 $0x1  }
0x17: {  	s4 =	simm.s32 $0x1BF5;
	[smem:$0x3FB0] =	sst s0  }
0x18: {  	s0 =	sld [smem:$0x3F93];
	_ =	swait.ge [sflag:s4], $0x0  }
0x19: {  	s7 =	sld [smem:$0x3F94]  }
0x1a: {  	s8 =	sadd.s32 $0xFFFFE003, lr  }
0x1b: {  	s9 =	sadd.s32 $0xFFFFFEF7, lr;
	s5 =	simm.s32 $0xFFFFFFFF;
	p2 =	slt.u32 s8, $0xFFFFF086  }
0x1c: {  	p1 =	slt.u32 s9, $0xF7A;
	s5 =	simm.s32 @!p2 $0x0  }
0x1d: {  	s5 =	simm.s32 @p1 $0x1;
	p0 =	seq.s32 s7, s2  }
0x1e: {  	s7 =	smul.u32 @!p0 $0xF7A, s2;
	p2 =	seq.s32 @!p0 s5, $0x0  }
0x1f: {  	s9 =	smul.u32 $0xF7A, s1;
	s8 =	simm.s32 @!p0 $0x1BF5;
	p2 =	por !p2, p0  }
0x20: {  	[sflag:s8] =	ssyncset.s32 @!p0 $0xFFFFF086;
	s6 =	sadd.s32 @!p0 s3, s7;
	s7 =	simm.s32 @!p0 $0x108  }
0x21: {  	s3 =	sadd.s32 s3, s9;
	s6 =	sadd.s32 @!p0 $0x88, s6;
	s7 =	simm.s32 @p2 $0x1082  }
0x22: {  	[simem:s7], [sflag:s8] =	dma.local @!p0 [hbm:s6], $0xF7A  }
0x23: {  	s9 =	sor.u32 $0xD0000000, s2;
	s6 =	simm.s32 $0x108;
	_ =	swait.ge @!p0 [sflag:s8], $0x0  }
0x24: {  	s3 =	sadd.s32 $0x88, s3;
	s6 =	simm.s32 @!p1 $0x1082;
	[sflag:s4] =	ssyncset.s32 $0xFFFFF086  }
0x25: {  	[simem:s6], [sflag:s4] =	dma.local [hbm:s3], $0xF7A  }
0x26: {  	[smem:$0x3F94] =	sst s1;
	(tag) =	ssettag s2;
	_ =	strace s9  }
0x27: {  	s1 =	sld [smem:$0x3FA4]  }
0x28: {  	s2 =	sld [smem:$0x3FA5]  }
0x29: {  	s4 =	sld [smem:$0x3FA7]  }
0x2a: {  	p0 =	seq.s32 s5, $0x0;
	s5 =	sld [smem:$0x3FA8]  }
0x2b: {  	s6 =	sld [smem:$0x3FA9]  }
0x2c: {  	s7 =	sld [smem:$0x3FAA]  }
0x2d: {  	s3 =	simm.s32 $0x108;
	s8 =	sld [smem:$0x3FAB]  }
0x2e: {  	s3 =	simm.s32 @!p0 $0x1082;
	s9 =	sld [smem:$0x3FAC]  }
0x2f: {  	lr =	sadd.s32 s0, s3;
	s0 =	sld [smem:$0x3FA3]  }
0x30: {  	s3 =	sld [smem:$0x3FA6]  }
0x31: {  	[smem:$0x3FAF] =	sst s10  }
0x32: {  	s10 =	sld [smem:$0x3FAD];
	_ =	sdelay $0x3  }
0x33: {  	p0 =	seq.s32 s10, $0x1;
	s10 =	sld [smem:$0x3FAF];
	_ =	sdelay $0x3  }
0x34: {  	[smem:$0x3FAF] =	sst s10  }
0x35: {  	s10 =	sld [smem:$0x3FAE];
	_ =	sdelay $0x3  }
0x36: {  	p1 =	seq.s32 s10, $0x1;
	s10 =	sld [smem:$0x3FAF];
	_ =	sdelay $0x3  }
0x37: {  	[smem:$0x3FAF] =	sst s10  }
0x38: {  	s10 =	sld [smem:$0x3FB0]  }
0x39: {  	_ = 	snop;
	(pc) =	sbr.ind lr, $3  }
0x3a: {  	_ = 	snop  }
0x3b: {  	_ = 	snop  }
0x3c: {  	p2 =	seq.s32 s10, $0x1;
	s10 =	sld [smem:$0x3FAF]  }
0x3d: {  	_ =	shalt  }
0x3e: {  	_ =	shalt  }
0x3f: {  	_ =	shalt  }
0x40: {  	_ =	shalt  }
0x41: {  	_ =	shalt  }
0x42: {  	_ =	shalt  }
0x43: {  	_ =	shalt  }
0x44: {  	_ =	shalt  }
0x45: {  	_ =	shalt  }
0x46: {  	_ =	shalt  }
0x47: {  	_ =	shalt  }
0x48: {  	_ =	shalt  }
0x49: {  	_ =	shalt  }
0x4a: {  	_ =	shalt  }
0x4b: {  	_ =	shalt  }
0x4c: {  	_ =	shalt  }
0x4d: {  	_ =	shalt  }
0x4e: {  	_ =	shalt  }
0x4f: {  	_ =	shalt  }
0x50: {  	_ =	shalt  }
0x51: {  	_ =	shalt  }
0x52: {  	_ =	shalt  }
0x53: {  	_ =	shalt  }
0x54: {  	_ =	shalt  }
0x55: {  	_ =	shalt  }
0x56: {  	_ =	shalt  }
0x57: {  	_ =	shalt  }
0x58: {  	_ =	shalt  }
0x59: {  	_ =	shalt  }
0x5a: {  	_ =	shalt  }
0x5b: {  	_ =	shalt  }
0x5c: {  	_ =	shalt  }
0x5d: {  	_ =	shalt  }
0x5e: {  	_ =	shalt  }
0x5f: {  	_ =	shalt  }
0x60: {  	_ =	shalt  }
0x61: {  	_ =	shalt  }
0x62: {  	_ =	shalt  }
0x63: {  	_ =	shalt  }
0x64: {  	_ =	shalt  }
0x65: {  	_ =	shalt  }
0x66: {  	_ =	shalt  }
0x67: {  	_ =	shalt  }
0x68: {  	_ =	shalt  }
0x69: {  	_ =	shalt  }
0x6a: {  	_ =	shalt  }
0x6b: {  	_ =	shalt  }
0x6c: {  	_ =	shalt  }
0x6d: {  	_ =	shalt  }
0x6e: {  	_ =	shalt  }
0x6f: {  	_ =	shalt  }
0x70: {  	_ =	shalt  }
0x71: {  	_ =	shalt  }
0x72: {  	_ =	shalt  }
0x73: {  	_ =	shalt  }
0x74: {  	_ =	shalt  }
0x75: {  	_ =	shalt  }
0x76: {  	_ =	shalt  }
0x77: {  	_ =	shalt  }
0x78: {  	_ =	shalt  }
0x79: {  	_ =	shalt  }
0x7a: {  	_ =	shalt  }
0x7b: {  	_ =	shalt  }
0x7c: {  	_ =	shalt  }
0x7d: {  	_ =	shalt  }
0x7e: {  	_ =	shalt  }
0x7f: {  	_ =	shalt  }
0x80: {  	_ =	shalt  }
0x81: {  	_ =	shalt  }
0x82: {  	_ =	shalt  }
0x83: {  	_ =	shalt  }
0x84: {  	_ =	shalt  }
0x85: {  	_ =	shalt  }
0x86: {  	_ =	shalt  }
0x87: {  	_ =	shalt  }
.Lfunc_end0:
.L_simem_size_0:
called_computation.5_lowered:
.L_overlay_start_0:
0x88: {  	s2 =	sld [smem:$0x3FD9]  }
0x89: {  	s3 =	sld [smem:$0x3FFE];
	_ =	sdelay $0x1  }
0x8a: {  	s1 =	srdreg.scid  }
0x8b: {  	s0 =	sand.u32 $0x1, s1  }
0x8c: {  	s17 =	sshll.u32 s0, $0xA;
	s2 =	sadd.s32 s3, s2  }
0x8d: {  	s2 =	sadd.s32 s2, s17  }
0x8e: {  	[smem:$0x3FBB] =	sst s2  }
0x8f: {  	_ = 	snop  }
0x90: {  	s2 =	sld [smem:$0x3FC7];
	(tm) =	ssettm $0x1  }
0x91: {  	s18 =	sld [smem:$0x3FFB];
	_ =	sdelay $0x3  }
0x92: {  	_ =	strace s18  }
0x93: {  	s3 =	sld [smem:$0x3FFC];
	_ =	sdelay $0x3  }
0x94: {  	_ =	strace s3  }
0x95: {  	s3 =	sld [smem:$0x3FFD];
	_ =	sdelay $0x3  }
0x96: {  	_ =	strace s3  }
0x97: {  	_ =	strace $0x8FFFFFFF  }
0x98: {  	s19 =	sld [smem:$0x3FDB];
	_ =	sdelay $0x1  }
0x99: {  	s4 =	simm.s32 $_scs_section_size  }
0x9a: {  	s5 =	simm.s32 $_size__tile_overlayer_lowered;
	s6 =	simm.s32 $_tile_overlayer_lowered  }
0x9b: {  	s22 =	simm.s32 $0x1BFF;
	s21 =	sshll.u32 s6, $0x1;
	s3 =	sadd.s32 s4, s19  }
0x9c: {  	s7 =	simm.s32 $0x0;
	s20 =	sshll.u32 s5, $0x1;
	s5 =	sadd.s32 s21, s3  }
0x9d: {  	[timem:s7], [sflag:s22] =	dma.local [hbm:s5], s20  }
0x9e: {  	_ =	swait.ge [sflag:s22], s20  }
0x9f: {  	s4 =	ssub.s32 $0x0, s20;
	[sflag:s22] =	ssyncset.done $0x0  }
0xa0: {  	[sflag:s22] =	ssyncadd.s32 s4;
	_ =	sdelay $0x1  }
0xa1: {  	s23 =	simm.s32 $0x1B8B  }
0xa2: {  	_ =	swait.ge [sflag:s23], $0x1  }
0xa3: {  	[sflag:s23] =	ssyncset.done $0x0  }
0xa4: {  	s25 =	simm.s32 $0x1B8E;
	s24 =	sld [smem:$0x3FFE];
	[sflag:s23] =	ssyncadd.s32 $0xFFFFFFFF  }
0xa5: {  	s26 =	simm.s32 $execute0_lowered;
	[smem:$0x3FD2] =	sst s25  }
0xa6: {  	s5 =	sshll.u32 s26, $0x1;
	_ =	strace $0x80000055;
	[dreg:$0x1] =	wrdreg $0xFFFFFFFF  }
0xa7: {  	s28 =	simm.s32 $_size_execute0_lowered;
	s3 =	sadd.s32 s3, s5;
	[dreg:$0x0] =	wrdreg $0x0  }
0xa8: {  	s5 =	sshll.u32 s28, $0x1;
	[dreg:$0x2] =	wrdreg s3  }
0xa9: {  	[dreg:$0x3] =	wrdreg s5  }
0xaa: {  	[dreg:$0x4] =	wrdreg $0xC0  }
0xab: {  	_ =	task [dreg:s7], $0x5FFFF  }
0xac: {  	[dreg:$0x1] =	wrdreg $0xFFFFFFFF  }
0xad: {  	[dreg:$0x0] =	wrdreg $0x60  }
0xae: {  	[dreg:$0x2] =	wrdreg s24  }
0xaf: {  	[dreg:$0x3] =	wrdreg s2  }
0xb0: {  	[dreg:$0x4] =	wrdreg $0x9  }
0xb1: {  	_ =	task.clear_ibuf [dreg:s7], $0x5FFFF;
	_ =	strace $0x90000055  }
0xb2: {  	s29 =	simm.s32 $0x9;
	_ =	strace $0x80000057  }
0xb3: {  	_ =	swait.ge [sflag:s29], $0x1  }
0xb4: {  	[sflag:s29] =	ssyncadd.s32 $0xFFFFFFFF  }
0xb5: {  	_ =	strace $0x90000057  }
0xb6: {  	_ =	sfence  }
0xb7: {  	s30 =	sld [smem:$0x0];
	_ =	sdelay $0x2  }
0xb8: {  	s31 =	sshll.u32 s1, $0xD;
	s1 =	sshrl.u32 s1, $0x2  }
0xb9: {  	s3 =	sand.u32 $0x4000, s31;
	s1 =	sadd.s32 s1, s30  }
0xba: {  	s0 =	sor.u32 s3, s0;
	s1 =	sshll.u32 s1, $0x11  }
0xbb: {  	s0 =	sor.u32 s1, s0  }
0xbc: {  	s0 =	sadd.s32 $0x8F2B, s0  }
0xbd: {  	[sflag:s0] =	ssyncadd.remote.s32 $0x1  }
0xbe: {  	_ =	sfence.sel $0xFFFF  }
0xbf: {  	[dreg:$0x0] =	wrdreg $0xFFFFFFFF;
	(pc) =	sbr.abs _section_cstart, $3  }
0xc0: {  	[dreg:$0x1] =	wrdreg $0xFFFFFFFF  }
0xc1: {  	_ =	task.clear_ibuf [dreg:s7], $0x2FFFF;
	_ =	strace $0x9FFFFFFF  }
0xc2: {  	(tm) =	ssettm $0x7FFFFFFF  }
0xc3: {  	_ =	shalt  }
tec
execute0_lowered:
.L_overlay_start_1:
0x0: {  	(tag) =	ssettag $0x1  }
0x1: {  	s3 =	rddreg [dreg:$0x0]  }
0x2: {  	s5 =	rddreg [dreg:$0x1]  }
0x3: {  	s2 =	srdreg.scid;
	s1 =	stileid.u32  }
0x4: {  	s0 =	rddreg [dreg:$0x2];
	s6 =	smul.u32 $0x2800, s1  }
0x5: {  	s4 =	sand.u32 $0x1, s2;
	s2 =	simm.s32 $0x0;
	s31 =	smul.u32 $0x50, s1  }
0x6: {  	s7 =	ssub.s32 $0x2, s4;
	[smem:$0x7FF] =	sst s2;
	s9 =	smul.u32 $0x1400, s4  }
0x7: {  	s10 =	smul.u32 $0x28, s4;
	s4 =	sshll.u32 s1, $0x1;
	s8 =	sshrl.u32 s7, $0x1  }
0x8: {  	_ =	strace $0x80000056;
	s6 =	sadd.s32 s6, s3;
	s3 =	sadd.s32 $0x2D400, s3  }
0x9: {  	s7 =	ssub.s32 s7, s8;
	s6 =	sadd.s32 s9, s6;
	s8 =	sadd.s32 s31, s5  }
0xa: {  	s5 =	smax.u32 s7, $0x1;
	s6 =	sadd.s32 $0x7B600, s6;
	s7 =	sadd.s32 s10, s8  }
.LBB2_1:
0xb: {  	s8 =	sadd.s32 $0x0, s4  }
0xc: {  	p0 =	sgt.u32 s8, $0x1F3  }
0xd: {  	s8 =	simm.s32 @!p0 $0x0;
	s9 =	simm.s32 @!p0 $0x3  }
0xe: {  	[tilespmem:s8], [sflag:$0x3] =	stream.linear.gather @!p0 [hbm4b:s7+s8], $0x140, $0x38;
	[tilespmem:$0xA180] =	vst v63  }
0xf: {  	_ =	swait.ge @!p0 [sflag:s9], $0x140  }
0x10: {  	s10 =	simm.s32 @!p0 $0x1;
	[sflag:s9] =	ssyncset.done @!p0 $0x0  }
0x11: {  	s12 =	simm.s32 @!p0 $0x180;
	[sflag:s9] =	ssyncadd.s32 @!p0 $0xFFFFFEC0;
	s9 =	simm.s32 @!p0 $0x140  }
0x12: {  	[tilespmem:s12], [sflag:$0x1] =	stream.indirect.gather @!p0 [hbm4b:s3+s9], $0x80, s8, s9, $0xb8;
	[tilespmem:$0xA180] =	vst v63  }
0x13: {  	p1 =	por p0, p0;
	_ =	swait.ge @!p0 [sflag:s10], $0xA000  }
0x14: {  	[sflag:s10] =	ssyncset.done @!p1 $0x0  }
0x15: {  	s31 =	sadd.s32 $0x20, s4;
	s11 =	simm.s32 @!p1 $0x2;
	[sflag:s10] =	ssyncadd.s32 @!p1 $0xFFFF6000  }
0x16: {  	[hbm4b:s6+s8] =	stream.linear.scatter @!p1 [tilespmem:s12], [sflag:$0x2], $0xA000, $0x38;
	[tilespmem:$0xA180] =	vst v63  }
0x17: {  	s9 =	simm.s32 $0x40;
	p0 =	sgt.u32 s31, $0x1F3;
	_ =	swait.ge @!p1 [sflag:s11], $0xA000  }
0x18: {  	s10 =	sadd.s32 $0x500, s7;
	s8 =	sadd.s32 $0x28000, s6;
	[sflag:s11] =	ssyncset.done @!p1 $0x0  }
.LBB2_2:
0x19: {  	s12 =	simm.s32 @!p0 $0x0;
	s13 =	simm.s32 @!p0 $0x3;
	[sflag:s11] =	ssyncadd.s32 @!p1 $0xFFFF6000  }
0x1a: {  	[tilespmem:s12], [sflag:$0x3] =	stream.linear.gather @!p0 [hbm4b:s10+s12], $0x140, $0x38;
	[tilespmem:$0xA180] =	vst v63  }
0x1b: {  	s14 =	smov.u32 s9;
	s9 =	sadd.s32 $0x20, s9;
	_ =	swait.ge @!p0 [sflag:s13], $0x140  }
0x1c: {  	s11 =	simm.s32 @!p0 $0x1;
	p2 =	sne.s32 s9, $0x200;
	[sflag:s13] =	ssyncset.done @!p0 $0x0  }
0x1d: {  	s15 =	simm.s32 @!p0 $0x180;
	[sflag:s13] =	ssyncadd.s32 @!p0 $0xFFFFFEC0;
	s13 =	simm.s32 @!p0 $0x140  }
0x1e: {  	[tilespmem:s15], [sflag:$0x1] =	stream.indirect.gather @!p0 [hbm4b:s3+s13], $0x80, s12, s13, $0xb8;
	[tilespmem:$0xA180] =	vst v63  }
0x1f: {  	p1 =	por p0, p0;
	_ =	swait.ge @!p0 [sflag:s11], $0xA000  }
.Ltmp0:
0x20: {  	[sflag:s11] =	ssyncset.done @!p1 $0x0;
	(pc) =	sbr.rel @p2 .LBB2_2-.Ltmp0, $4  }
0x21: {  	[sflag:s11] =	ssyncadd.s32 @!p1 $0xFFFF6000;
	s11 =	simm.s32 @!p1 $0x2  }
0x22: {  	[hbm4b:s8+s12] =	stream.linear.scatter @!p1 [tilespmem:s15], [sflag:$0x2], $0xA000, $0x38;
	[tilespmem:$0xA180] =	vst v63  }
0x23: {  	s10 =	sadd.s32 $0x500, s10;
	s12 =	sadd.s32 s14, s4;
	_ =	swait.ge @!p1 [sflag:s11], $0xA000  }
0x24: {  	s8 =	sadd.s32 $0x28000, s8;
	p0 =	sgt.u32 s12, $0x1F3;
	[sflag:s11] =	ssyncset.done @!p1 $0x0  }
0x25: {  	s9 =	simm.s32 @!p0 $0x0;
	s12 =	simm.s32 @!p0 $0x3;
	[sflag:s11] =	ssyncadd.s32 @!p1 $0xFFFF6000  }
0x26: {  	[tilespmem:s9], [sflag:$0x3] =	stream.linear.gather @!p0 [hbm4b:s10+s9], $0x140, $0x38;
	[tilespmem:$0xA180] =	vst v63  }
0x27: {  	_ =	swait.ge @!p0 [sflag:s12], $0x140  }
0x28: {  	s11 =	simm.s32 @!p0 $0x140;
	[sflag:s12] =	ssyncset.done @!p0 $0x0  }
0x29: {  	s10 =	simm.s32 @!p0 $0x1;
	[sflag:s12] =	ssyncadd.s32 @!p0 $0xFFFFFEC0;
	s12 =	simm.s32 @!p0 $0x180  }
0x2a: {  	[tilespmem:s12], [sflag:$0x1] =	stream.indirect.gather @!p0 [hbm4b:s3+s11], $0x80, s9, s11, $0xb8;
	[tilespmem:$0xA180] =	vst v63  }
0x2b: {  	s2 =	sadd.s32 $0x1, s2;
	_ =	swait.ge @!p0 [sflag:s10], $0xA000;
	p0 =	por p0, p0  }
0x2c: {  	p1 =	sne.s32 s2, s5;
	[sflag:s10] =	ssyncset.done @!p0 $0x0  }
.Ltmp1:
0x2d: {  	[sflag:s10] =	ssyncadd.s32 @!p0 $0xFFFF6000;
	s10 =	simm.s32 @!p0 $0x2;
	(pc) =	sbr.rel @p1 .LBB2_1-.Ltmp1, $4  }
0x2e: {  	[hbm4b:s8+s9] =	stream.linear.scatter @!p0 [tilespmem:s12], [sflag:$0x2], $0xA000, $0x38;
	[tilespmem:$0xA180] =	vst v63  }
0x2f: {  	_ =	swait.ge @!p0 [sflag:s10], $0xA000  }
0x30: {  	[sflag:s10] =	ssyncset.done @!p0 $0x0  }
0x31: {  	[sflag:s10] =	ssyncadd.s32 @!p0 $0xFFFF6000  }
0x32: {  	_ =	sfence.sel $0x180000  }
0x33: {  	[bflag:$0x0] =	sbarrier.arrive $0xFFFF  }
0x34: {  	p0 =	sne.s32 s1, $0x0;
	_ =	strace $0x90000056  }
0x35: {  	s0 =	sadd.s32 @!p0 $0x100000, s0;
	[bflag:$0x2] =	sbarrier.arrive $0xFFFF  }
0x36: {  	[sflag:s0] =	ssyncadd.tile.s32 @!p0 $0x1;
	_ =	shalt  }
.Lfunc_end2:
_tile_overlayer_lowered:
.L_overlay_start_2:
0x37: {  	(tag) =	ssettag $0x2  }
0x38: {  	s0 =	rddreg [dreg:$0x0];
	s2 =	stileid.u32  }
0x39: {  	s1 =	rddreg [dreg:$0x1];
	p0 =	sne.s32 s2, $0x0  }
0x3a: {  	s3 =	rddreg [dreg:$0x2];
	[bflag:$0x3] =	sbarrier.arrive $0xFFFF;
	s2 =	simm.s32 @!p0 $0x1C02  }
0x3b: {  	[timem:s3], [sflag:s2] =	dma.local @!p0 [hbm:s0], s1  }
0x3c: {  	s0 =	simm.s32 @!p0 $0x2  }
0x3d: {  	_ =	swait.ge @!p0 [sflag:s0], s1  }
0x3e: {  	s1 =	ssub.s32 @!p0 $0x0, s1;
	[sflag:s0] =	ssyncset.done @!p0 $0x0  }
0x3f: {  	[sflag:s0] =	ssyncadd.s32 @!p0 s1  }
0x40: {  	[bflag:$0x3] =	sbarrier.arrive $0xFFFF  }
0x41: {  	_ =	shalt  }

// kernel: kernel.39.cloned.1.call-start
scs
__scs_entry_jumppad:
0x0: {  	(pc) =	sbr.rel $0x88, $3  }
0x1: {  	(tag) =	ssettag $0x0;
	lr =	simm.s32 $0x1  }
0x2: {  	[smem:$0x3F94] =	sst lr;
	_ =	strace $0xD0000000  }
0x3: {  	_ = 	snop  }
0x4: {  	_ = 	snop  }
0x5: {  	_ = 	snop  }
0x6: {  	_ = 	snop  }
0x7: {  	_ = 	snop  }
__scs_overlays_trampoline_lowered:
0x8: {  	[smem:$0x3FA3] =	sst s0  }
0x9: {  	[smem:$0x3FA4] =	sst s1  }
0xa: {  	[smem:$0x3FA5] =	sst s2  }
0xb: {  	[smem:$0x3FA6] =	sst s3  }
0xc: {  	[smem:$0x3FA7] =	sst s4  }
0xd: {  	[smem:$0x3FA8] =	sst s5  }
0xe: {  	[smem:$0x3FA9] =	sst s6  }
0xf: {  	[smem:$0x3FAA] =	sst s7  }
0x10: {  	[smem:$0x3FAB] =	sst s8  }
0x11: {  	[smem:$0x3FAC] =	sst s9;
	s0 =	simm.s32 @!p0 $0x0  }
0x12: {  	s1 =	sld [smem:$0x3F92];
	s0 =	simm.s32 @p0 $0x1  }
0x13: {  	[smem:$0x3FAD] =	sst s0;
	s0 =	simm.s32 @!p1 $0x0  }
0x14: {  	s2 =	sld [smem:$0x3F91];
	s0 =	simm.s32 @p1 $0x1  }
0x15: {  	[smem:$0x3FAE] =	sst s0;
	s0 =	simm.s32 @!p2 $0x0  }
0x16: {  	s3 =	sld [smem:$0x3FDB];
	s0 =	simm.s32 @p2 $0x1  }
0x17: {  	s4 =	simm.s32 $0x1BF5;
	[smem:$0x3FB0] =	sst s0  }
0x18: {  	s0 =	sld [smem:$0x3F93];
	_ =	swait.ge [sflag:s4], $0x0  }
0x19: {  	s7 =	sld [smem:$0x3F94]  }
0x1a: {  	s8 =	sadd.s32 $0xFFFFE003, lr  }
0x1b: {  	s9 =	sadd.s32 $0xFFFFFEF7, lr;
	s5 =	simm.s32 $0xFFFFFFFF;
	p2 =	slt.u32 s8, $0xFFFFF086  }
0x1c: {  	p1 =	slt.u32 s9, $0xF7A;
	s5 =	simm.s32 @!p2 $0x0  }
0x1d: {  	s5 =	simm.s32 @p1 $0x1;
	p0 =	seq.s32 s7, s2  }
0x1e: {  	s7 =	smul.u32 @!p0 $0xF7A, s2;
	p2 =	seq.s32 @!p0 s5, $0x0  }
0x1f: {  	s9 =	smul.u32 $0xF7A, s1;
	s8 =	simm.s32 @!p0 $0x1BF5;
	p2 =	por !p2, p0  }
0x20: {  	[sflag:s8] =	ssyncset.s32 @!p0 $0xFFFFF086;
	s6 =	sadd.s32 @!p0 s3, s7;
	s7 =	simm.s32 @!p0 $0x108  }
0x21: {  	s3 =	sadd.s32 s3, s9;
	s6 =	sadd.s32 @!p0 $0x88, s6;
	s7 =	simm.s32 @p2 $0x1082  }
0x22: {  	[simem:s7], [sflag:s8] =	dma.local @!p0 [hbm:s6], $0xF7A  }
0x23: {  	s9 =	sor.u32 $0xD0000000, s2;
	s6 =	simm.s32 $0x108;
	_ =	swait.ge @!p0 [sflag:s8], $0x0  }
0x24: {  	s3 =	sadd.s32 $0x88, s3;
	s6 =	simm.s32 @!p1 $0x1082;
	[sflag:s4] =	ssyncset.s32 $0xFFFFF086  }
0x25: {  	[simem:s6], [sflag:s4] =	dma.local [hbm:s3], $0xF7A  }
0x26: {  	[smem:$0x3F94] =	sst s1;
	(tag) =	ssettag s2;
	_ =	strace s9  }
0x27: {  	s1 =	sld [smem:$0x3FA4]  }
0x28: {  	s2 =	sld [smem:$0x3FA5]  }
0x29: {  	s4 =	sld [smem:$0x3FA7]  }
0x2a: {  	p0 =	seq.s32 s5, $0x0;
	s5 =	sld [smem:$0x3FA8]  }
0x2b: {  	s6 =	sld [smem:$0x3FA9]  }
0x2c: {  	s7 =	sld [smem:$0x3FAA]  }
0x2d: {  	s3 =	simm.s32 $0x108;
	s8 =	sld [smem:$0x3FAB]  }
0x2e: {  	s3 =	simm.s32 @!p0 $0x1082;
	s9 =	sld [smem:$0x3FAC]  }
0x2f: {  	lr =	sadd.s32 s0, s3;
	s0 =	sld [smem:$0x3FA3]  }
0x30: {  	s3 =	sld [smem:$0x3FA6]  }
0x31: {  	[smem:$0x3FAF] =	sst s10  }
0x32: {  	s10 =	sld [smem:$0x3FAD];
	_ =	sdelay $0x3  }
0x33: {  	p0 =	seq.s32 s10, $0x1;
	s10 =	sld [smem:$0x3FAF];
	_ =	sdelay $0x3  }
0x34: {  	[smem:$0x3FAF] =	sst s10  }
0x35: {  	s10 =	sld [smem:$0x3FAE];
	_ =	sdelay $0x3  }
0x36: {  	p1 =	seq.s32 s10, $0x1;
	s10 =	sld [smem:$0x3FAF];
	_ =	sdelay $0x3  }
0x37: {  	[smem:$0x3FAF] =	sst s10  }
0x38: {  	s10 =	sld [smem:$0x3FB0]  }
0x39: {  	_ = 	snop;
	(pc) =	sbr.ind lr, $3  }
0x3a: {  	_ = 	snop  }
0x3b: {  	_ = 	snop  }
0x3c: {  	p2 =	seq.s32 s10, $0x1;
	s10 =	sld [smem:$0x3FAF]  }
0x3d: {  	_ =	shalt  }
0x3e: {  	_ =	shalt  }
0x3f: {  	_ =	shalt  }
0x40: {  	_ =	shalt  }
0x41: {  	_ =	shalt  }
0x42: {  	_ =	shalt  }
0x43: {  	_ =	shalt  }
0x44: {  	_ =	shalt  }
0x45: {  	_ =	shalt  }
0x46: {  	_ =	shalt  }
0x47: {  	_ =	shalt  }
0x48: {  	_ =	shalt  }
0x49: {  	_ =	shalt  }
0x4a: {  	_ =	shalt  }
0x4b: {  	_ =	shalt  }
0x4c: {  	_ =	shalt  }
0x4d: {  	_ =	shalt  }
0x4e: {  	_ =	shalt  }
0x4f: {  	_ =	shalt  }
0x50: {  	_ =	shalt  }
0x51: {  	_ =	shalt  }
0x52: {  	_ =	shalt  }
0x53: {  	_ =	shalt  }
0x54: {  	_ =	shalt  }
0x55: {  	_ =	shalt  }
0x56: {  	_ =	shalt  }
0x57: {  	_ =	shalt  }
0x58: {  	_ =	shalt  }
0x59: {  	_ =	shalt  }
0x5a: {  	_ =	shalt  }
0x5b: {  	_ =	shalt  }
0x5c: {  	_ =	shalt  }
0x5d: {  	_ =	shalt  }
0x5e: {  	_ =	shalt  }
0x5f: {  	_ =	shalt  }
0x60: {  	_ =	shalt  }
0x61: {  	_ =	shalt  }
0x62: {  	_ =	shalt  }
0x63: {  	_ =	shalt  }
0x64: {  	_ =	shalt  }
0x65: {  	_ =	shalt  }
0x66: {  	_ =	shalt  }
0x67: {  	_ =	shalt  }
0x68: {  	_ =	shalt  }
0x69: {  	_ =	shalt  }
0x6a: {  	_ =	shalt  }
0x6b: {  	_ =	shalt  }
0x6c: {  	_ =	shalt  }
0x6d: {  	_ =	shalt  }
0x6e: {  	_ =	shalt  }
0x6f: {  	_ =	shalt  }
0x70: {  	_ =	shalt  }
0x71: {  	_ =	shalt  }
0x72: {  	_ =	shalt  }
0x73: {  	_ =	shalt  }
0x74: {  	_ =	shalt  }
0x75: {  	_ =	shalt  }
0x76: {  	_ =	shalt  }
0x77: {  	_ =	shalt  }
0x78: {  	_ =	shalt  }
0x79: {  	_ =	shalt  }
0x7a: {  	_ =	shalt  }
0x7b: {  	_ =	shalt  }
0x7c: {  	_ =	shalt  }
0x7d: {  	_ =	shalt  }
0x7e: {  	_ =	shalt  }
0x7f: {  	_ =	shalt  }
0x80: {  	_ =	shalt  }
0x81: {  	_ =	shalt  }
0x82: {  	_ =	shalt  }
0x83: {  	_ =	shalt  }
0x84: {  	_ =	shalt  }
0x85: {  	_ =	shalt  }
0x86: {  	_ =	shalt  }
0x87: {  	_ =	shalt  }
.Lfunc_end0:
.L_simem_size_0:
called_computation.6_lowered:
.L_overlay_start_0:
0x88: {  	s2 =	sld [smem:$0x3FD9]  }
0x89: {  	s3 =	sld [smem:$0x3FFE];
	_ =	sdelay $0x1  }
0x8a: {  	s1 =	srdreg.scid  }
0x8b: {  	s0 =	sand.u32 $0x1, s1  }
0x8c: {  	s16 =	sshll.u32 s0, $0xA;
	s2 =	sadd.s32 s3, s2  }
0x8d: {  	s2 =	sadd.s32 s2, s16  }
0x8e: {  	[smem:$0x3FBB] =	sst s2  }
0x8f: {  	_ = 	snop  }
0x90: {  	(tm) =	ssettm $0x1  }
0x91: {  	s17 =	sld [smem:$0x3FFB];
	_ =	sdelay $0x3  }
0x92: {  	_ =	strace s17  }
0x93: {  	s2 =	sld [smem:$0x3FFC];
	_ =	sdelay $0x3  }
0x94: {  	_ =	strace s2  }
0x95: {  	s2 =	sld [smem:$0x3FFD];
	_ =	sdelay $0x3  }
0x96: {  	_ =	strace s2  }
0x97: {  	_ =	strace $0x8FFFFFFF  }
0x98: {  	s18 =	sld [smem:$0x3FDB];
	_ =	sdelay $0x1  }
0x99: {  	s19 =	simm.s32 $_scs_section_size  }
0x9a: {  	s4 =	simm.s32 $_size__tile_overlayer_lowered;
	s5 =	simm.s32 $_tile_overlayer_lowered  }
0x9b: {  	s22 =	simm.s32 $0x1BFF;
	s21 =	sshll.u32 s5, $0x1;
	s2 =	sadd.s32 s19, s18  }
0x9c: {  	s6 =	simm.s32 $0x0;
	s20 =	sshll.u32 s4, $0x1;
	s4 =	sadd.s32 s21, s2  }
0x9d: {  	[timem:s6], [sflag:s22] =	dma.local [hbm:s4], s20  }
0x9e: {  	_ =	swait.ge [sflag:s22], s20  }
0x9f: {  	s3 =	ssub.s32 $0x0, s20;
	[sflag:s22] =	ssyncset.done $0x0  }
0xa0: {  	[sflag:s22] =	ssyncadd.s32 s3;
	_ =	sdelay $0x1  }
0xa1: {  	s23 =	simm.s32 $0x1B8B  }
0xa2: {  	_ =	swait.ge [sflag:s23], $0x1  }
0xa3: {  	[sflag:s23] =	ssyncset.done $0x0  }
0xa4: {  	s25 =	simm.s32 $0x1B8E;
	s24 =	sld [smem:$0x3FFE];
	[sflag:s23] =	ssyncadd.s32 $0xFFFFFFFF  }
0xa5: {  	s26 =	simm.s32 $execute0_lowered;
	[smem:$0x3FD2] =	sst s25  }
0xa6: {  	s4 =	sshll.u32 s26, $0x1;
	_ =	strace $0x80000058;
	[dreg:$0x1] =	wrdreg $0xFFFFFFFF  }
0xa7: {  	s28 =	simm.s32 $_size_execute0_lowered;
	s2 =	sadd.s32 s2, s4;
	[dreg:$0x0] =	wrdreg $0x0  }
0xa8: {  	s4 =	sshll.u32 s28, $0x1;
	[dreg:$0x2] =	wrdreg s2  }
0xa9: {  	[dreg:$0x3] =	wrdreg s4  }
0xaa: {  	[dreg:$0x4] =	wrdreg $0xC0  }
0xab: {  	_ =	task [dreg:s6], $0x5FFFF  }
0xac: {  	[dreg:$0x1] =	wrdreg $0xFFFFFFFF  }
0xad: {  	[dreg:$0x0] =	wrdreg $0x60  }
0xae: {  	[dreg:$0x2] =	wrdreg s24  }
0xaf: {  	[dreg:$0x3] =	wrdreg $0x9  }
0xb0: {  	_ =	task.clear_ibuf [dreg:s6], $0x4FFFF;
	_ =	strace $0x90000058  }
0xb1: {  	s29 =	simm.s32 $0x9;
	_ =	strace $0x8000005A  }
0xb2: {  	_ =	swait.ge [sflag:s29], $0x1  }
0xb3: {  	[sflag:s29] =	ssyncadd.s32 $0xFFFFFFFF  }
0xb4: {  	_ =	strace $0x9000005A  }
0xb5: {  	_ =	sfence  }
0xb6: {  	s30 =	sld [smem:$0x0];
	_ =	sdelay $0x2  }
0xb7: {  	s31 =	sshll.u32 s1, $0xD;
	s1 =	sshrl.u32 s1, $0x2  }
0xb8: {  	s3 =	sand.u32 $0x4000, s31;
	s1 =	sadd.s32 s1, s30  }
0xb9: {  	s0 =	sor.u32 s3, s0;
	s1 =	sshll.u32 s1, $0x11  }
0xba: {  	s0 =	sor.u32 s1, s0  }
0xbb: {  	s0 =	sadd.s32 $0x8F2B, s0  }
0xbc: {  	[sflag:s0] =	ssyncadd.remote.s32 $0x1  }
0xbd: {  	_ =	sfence.sel $0xFFFF  }
0xbe: {  	[dreg:$0x0] =	wrdreg $0xFFFFFFFF;
	(pc) =	sbr.abs _section_cstart, $3  }
0xbf: {  	[dreg:$0x1] =	wrdreg $0xFFFFFFFF  }
0xc0: {  	_ =	task.clear_ibuf [dreg:s6], $0x2FFFF;
	_ =	strace $0x9FFFFFFF  }
0xc1: {  	(tm) =	ssettm $0x7FFFFFFF  }
tec
execute0_lowered:
.L_overlay_start_1:
0x0: {  	(tag) =	ssettag $0x1  }
0x1: {  	s3 =	rddreg [dreg:$0x0]  }
0x2: {  	s0 =	rddreg [dreg:$0x1];
	s1 =	stileid.u32  }
0x3: {  	s2 =	simm.s32 $0x0;
	s5 =	srdreg.scid;
	s4 =	smul.u32 $0x50, s1  }
0x4: {  	[smem:$0x7FF] =	sst s2;
	s6 =	smul.u32 $0x2800, s1;
	s5 =	sand.u32 $0x1, s5  }
0x5: {  	_ =	strace $0x80000059;
	s7 =	ssub.s32 $0x2, s5;
	s8 =	smul.u32 $0x1400, s5  }
0x6: {  	s5 =	smul.u32 $0x28, s5;
	s9 =	sadd.s32 s4, s3;
	s30 =	sshrl.u32 s7, $0x1  }
0x7: {  	s6 =	sadd.s32 s6, s3;
	s3 =	sadd.s32 $0x7B600, s3;
	s4 =	sshll.u32 s1, $0x1  }
0x8: {  	s7 =	ssub.s32 s7, s30;
	s6 =	sadd.s32 s8, s6;
	s31 =	sadd.s32 s5, s9  }
0x9: {  	s5 =	smax.u32 s7, $0x1;
	s6 =	sadd.s32 $0x2F1600, s6;
	s7 =	sadd.s32 $0x2EC600, s31  }
.LBB2_1:
0xa: {  	s8 =	sadd.s32 $0x0, s4  }
0xb: {  	p0 =	sgt.u32 s8, $0x1F3  }
0xc: {  	s8 =	simm.s32 @!p0 $0x0;
	s9 =	simm.s32 @!p0 $0x3  }
0xd: {  	[tilespmem:s8], [sflag:$0x3] =	stream.linear.gather @!p0 [hbm4b:s7+s8], $0x140, $0x38;
	[tilespmem:$0xA180] =	vst v63  }
0xe: {  	_ =	swait.ge @!p0 [sflag:s9], $0x140  }
0xf: {  	s10 =	simm.s32 @!p0 $0x1;
	[sflag:s9] =	ssyncset.done @!p0 $0x0  }
0x10: {  	s12 =	simm.s32 @!p0 $0x180;
	[sflag:s9] =	ssyncadd.s32 @!p0 $0xFFFFFEC0;
	s9 =	simm.s32 @!p0 $0x140  }
0x11: {  	[tilespmem:s12], [sflag:$0x1] =	stream.indirect.gather @!p0 [hbm4b:s3+s9], $0x80, s8, s9, $0xb8;
	[tilespmem:$0xA180] =	vst v63  }
0x12: {  	p1 =	por p0, p0;
	_ =	swait.ge @!p0 [sflag:s10], $0xA000  }
0x13: {  	[sflag:s10] =	ssyncset.done @!p1 $0x0  }
0x14: {  	s31 =	sadd.s32 $0x20, s4;
	s11 =	simm.s32 @!p1 $0x2;
	[sflag:s10] =	ssyncadd.s32 @!p1 $0xFFFF6000  }
0x15: {  	[hbm4b:s6+s8] =	stream.linear.scatter @!p1 [tilespmem:s12], [sflag:$0x2], $0xA000, $0x38;
	[tilespmem:$0xA180] =	vst v63  }
0x16: {  	s9 =	simm.s32 $0x40;
	p0 =	sgt.u32 s31, $0x1F3;
	_ =	swait.ge @!p1 [sflag:s11], $0xA000  }
0x17: {  	s10 =	sadd.s32 $0x500, s7;
	s8 =	sadd.s32 $0x28000, s6;
	[sflag:s11] =	ssyncset.done @!p1 $0x0  }
.LBB2_2:
0x18: {  	s12 =	simm.s32 @!p0 $0x0;
	s13 =	simm.s32 @!p0 $0x3;
	[sflag:s11] =	ssyncadd.s32 @!p1 $0xFFFF6000  }
0x19: {  	[tilespmem:s12], [sflag:$0x3] =	stream.linear.gather @!p0 [hbm4b:s10+s12], $0x140, $0x38;
	[tilespmem:$0xA180] =	vst v63  }
0x1a: {  	s14 =	smov.u32 s9;
	s9 =	sadd.s32 $0x20, s9;
	_ =	swait.ge @!p0 [sflag:s13], $0x140  }
0x1b: {  	s11 =	simm.s32 @!p0 $0x1;
	p2 =	sne.s32 s9, $0x200;
	[sflag:s13] =	ssyncset.done @!p0 $0x0  }
0x1c: {  	s15 =	simm.s32 @!p0 $0x180;
	[sflag:s13] =	ssyncadd.s32 @!p0 $0xFFFFFEC0;
	s13 =	simm.s32 @!p0 $0x140  }
0x1d: {  	[tilespmem:s15], [sflag:$0x1] =	stream.indirect.gather @!p0 [hbm4b:s3+s13], $0x80, s12, s13, $0xb8;
	[tilespmem:$0xA180] =	vst v63  }
0x1e: {  	p1 =	por p0, p0;
	_ =	swait.ge @!p0 [sflag:s11], $0xA000  }
.Ltmp0:
0x1f: {  	[sflag:s11] =	ssyncset.done @!p1 $0x0;
	(pc) =	sbr.rel @p2 .LBB2_2-.Ltmp0, $4  }
0x20: {  	[sflag:s11] =	ssyncadd.s32 @!p1 $0xFFFF6000;
	s11 =	simm.s32 @!p1 $0x2  }
0x21: {  	[hbm4b:s8+s12] =	stream.linear.scatter @!p1 [tilespmem:s15], [sflag:$0x2], $0xA000, $0x38;
	[tilespmem:$0xA180] =	vst v63  }
0x22: {  	s10 =	sadd.s32 $0x500, s10;
	s12 =	sadd.s32 s14, s4;
	_ =	swait.ge @!p1 [sflag:s11], $0xA000  }
0x23: {  	s8 =	sadd.s32 $0x28000, s8;
	p0 =	sgt.u32 s12, $0x1F3;
	[sflag:s11] =	ssyncset.done @!p1 $0x0  }
0x24: {  	s9 =	simm.s32 @!p0 $0x0;
	s12 =	simm.s32 @!p0 $0x3;
	[sflag:s11] =	ssyncadd.s32 @!p1 $0xFFFF6000  }
0x25: {  	[tilespmem:s9], [sflag:$0x3] =	stream.linear.gather @!p0 [hbm4b:s10+s9], $0x140, $0x38;
	[tilespmem:$0xA180] =	vst v63  }
0x26: {  	_ =	swait.ge @!p0 [sflag:s12], $0x140  }
0x27: {  	s11 =	simm.s32 @!p0 $0x140;
	[sflag:s12] =	ssyncset.done @!p0 $0x0  }
0x28: {  	s10 =	simm.s32 @!p0 $0x1;
	[sflag:s12] =	ssyncadd.s32 @!p0 $0xFFFFFEC0;
	s12 =	simm.s32 @!p0 $0x180  }
0x29: {  	[tilespmem:s12], [sflag:$0x1] =	stream.indirect.gather @!p0 [hbm4b:s3+s11], $0x80, s9, s11, $0xb8;
	[tilespmem:$0xA180] =	vst v63  }
0x2a: {  	s2 =	sadd.s32 $0x1, s2;
	_ =	swait.ge @!p0 [sflag:s10], $0xA000;
	p0 =	por p0, p0  }
0x2b: {  	p1 =	sne.s32 s2, s5;
	[sflag:s10] =	ssyncset.done @!p0 $0x0  }
.Ltmp1:
0x2c: {  	[sflag:s10] =	ssyncadd.s32 @!p0 $0xFFFF6000;
	s10 =	simm.s32 @!p0 $0x2;
	(pc) =	sbr.rel @p1 .LBB2_1-.Ltmp1, $4  }
0x2d: {  	[hbm4b:s8+s9] =	stream.linear.scatter @!p0 [tilespmem:s12], [sflag:$0x2], $0xA000, $0x38;
	[tilespmem:$0xA180] =	vst v63  }
0x2e: {  	_ =	swait.ge @!p0 [sflag:s10], $0xA000  }
0x2f: {  	[sflag:s10] =	ssyncset.done @!p0 $0x0  }
0x30: {  	[sflag:s10] =	ssyncadd.s32 @!p0 $0xFFFF6000  }
0x31: {  	_ =	sfence.sel $0x180000  }
0x32: {  	[bflag:$0x0] =	sbarrier.arrive $0xFFFF  }
0x33: {  	p0 =	sne.s32 s1, $0x0;
	_ =	strace $0x90000059  }
0x34: {  	s0 =	sadd.s32 @!p0 $0x100000, s0;
	[bflag:$0x2] =	sbarrier.arrive $0xFFFF  }
0x35: {  	[sflag:s0] =	ssyncadd.tile.s32 @!p0 $0x1;
	_ =	shalt  }
.Lfunc_end2:
_tile_overlayer_lowered:
.L_overlay_start_2:
0x36: {  	(tag) =	ssettag $0x2  }
0x37: {  	s0 =	rddreg [dreg:$0x0];
	s2 =	stileid.u32  }
0x38: {  	s1 =	rddreg [dreg:$0x1];
	p0 =	sne.s32 s2, $0x0  }
0x39: {  	s3 =	rddreg [dreg:$0x2];
	[bflag:$0x3] =	sbarrier.arrive $0xFFFF;
	s2 =	simm.s32 @!p0 $0x1C02  }
0x3a: {  	[timem:s3], [sflag:s2] =	dma.local @!p0 [hbm:s0], s1  }
0x3b: {  	s0 =	simm.s32 @!p0 $0x2  }
0x3c: {  	_ =	swait.ge @!p0 [sflag:s0], s1  }
0x3d: {  	s1 =	ssub.s32 @!p0 $0x0, s1;
	[sflag:s0] =	ssyncset.done @!p0 $0x0  }
0x3e: {  	[sflag:s0] =	ssyncadd.s32 @!p0 s1  }
0x3f: {  	[bflag:$0x3] =	sbarrier.arrive $0xFFFF  }
0x40: {  	_ =	shalt  }

// kernel: kernel.42.cloned.1.call-start
scs
__scs_entry_jumppad:
0x0: {  	(pc) =	sbr.rel $0x88, $3  }
0x1: {  	(tag) =	ssettag $0x0;
	lr =	simm.s32 $0x1  }
0x2: {  	[smem:$0x3F94] =	sst lr;
	_ =	strace $0xD0000000  }
0x3: {  	_ = 	snop  }
0x4: {  	_ = 	snop  }
0x5: {  	_ = 	snop  }
0x6: {  	_ = 	snop  }
0x7: {  	_ = 	snop  }
__scs_overlays_trampoline_lowered:
0x8: {  	[smem:$0x3FA3] =	sst s0  }
0x9: {  	[smem:$0x3FA4] =	sst s1  }
0xa: {  	[smem:$0x3FA5] =	sst s2  }
0xb: {  	[smem:$0x3FA6] =	sst s3  }
0xc: {  	[smem:$0x3FA7] =	sst s4  }
0xd: {  	[smem:$0x3FA8] =	sst s5  }
0xe: {  	[smem:$0x3FA9] =	sst s6  }
0xf: {  	[smem:$0x3FAA] =	sst s7  }
0x10: {  	[smem:$0x3FAB] =	sst s8  }
0x11: {  	[smem:$0x3FAC] =	sst s9;
	s0 =	simm.s32 @!p0 $0x0  }
0x12: {  	s1 =	sld [smem:$0x3F92];
	s0 =	simm.s32 @p0 $0x1  }
0x13: {  	[smem:$0x3FAD] =	sst s0;
	s0 =	simm.s32 @!p1 $0x0  }
0x14: {  	s2 =	sld [smem:$0x3F91];
	s0 =	simm.s32 @p1 $0x1  }
0x15: {  	[smem:$0x3FAE] =	sst s0;
	s0 =	simm.s32 @!p2 $0x0  }
0x16: {  	s3 =	sld [smem:$0x3FDB];
	s0 =	simm.s32 @p2 $0x1  }
0x17: {  	s4 =	simm.s32 $0x1BF5;
	[smem:$0x3FB0] =	sst s0  }
0x18: {  	s0 =	sld [smem:$0x3F93];
	_ =	swait.ge [sflag:s4], $0x0  }
0x19: {  	s7 =	sld [smem:$0x3F94]  }
0x1a: {  	s8 =	sadd.s32 $0xFFFFE003, lr  }
0x1b: {  	s9 =	sadd.s32 $0xFFFFFEF7, lr;
	s5 =	simm.s32 $0xFFFFFFFF;
	p2 =	slt.u32 s8, $0xFFFFF086  }
0x1c: {  	p1 =	slt.u32 s9, $0xF7A;
	s5 =	simm.s32 @!p2 $0x0  }
0x1d: {  	s5 =	simm.s32 @p1 $0x1;
	p0 =	seq.s32 s7, s2  }
0x1e: {  	s7 =	smul.u32 @!p0 $0xF7A, s2;
	p2 =	seq.s32 @!p0 s5, $0x0  }
0x1f: {  	s9 =	smul.u32 $0xF7A, s1;
	s8 =	simm.s32 @!p0 $0x1BF5;
	p2 =	por !p2, p0  }
0x20: {  	[sflag:s8] =	ssyncset.s32 @!p0 $0xFFFFF086;
	s6 =	sadd.s32 @!p0 s3, s7;
	s7 =	simm.s32 @!p0 $0x108  }
0x21: {  	s3 =	sadd.s32 s3, s9;
	s6 =	sadd.s32 @!p0 $0x88, s6;
	s7 =	simm.s32 @p2 $0x1082  }
0x22: {  	[simem:s7], [sflag:s8] =	dma.local @!p0 [hbm:s6], $0xF7A  }
0x23: {  	s9 =	sor.u32 $0xD0000000, s2;
	s6 =	simm.s32 $0x108;
	_ =	swait.ge @!p0 [sflag:s8], $0x0  }
0x24: {  	s3 =	sadd.s32 $0x88, s3;
	s6 =	simm.s32 @!p1 $0x1082;
	[sflag:s4] =	ssyncset.s32 $0xFFFFF086  }
0x25: {  	[simem:s6], [sflag:s4] =	dma.local [hbm:s3], $0xF7A  }
0x26: {  	[smem:$0x3F94] =	sst s1;
	(tag) =	ssettag s2;
	_ =	strace s9  }
0x27: {  	s1 =	sld [smem:$0x3FA4]  }
0x28: {  	s2 =	sld [smem:$0x3FA5]  }
0x29: {  	s4 =	sld [smem:$0x3FA7]  }
0x2a: {  	p0 =	seq.s32 s5, $0x0;
	s5 =	sld [smem:$0x3FA8]  }
0x2b: {  	s6 =	sld [smem:$0x3FA9]  }
0x2c: {  	s7 =	sld [smem:$0x3FAA]  }
0x2d: {  	s3 =	simm.s32 $0x108;
	s8 =	sld [smem:$0x3FAB]  }
0x2e: {  	s3 =	simm.s32 @!p0 $0x1082;
	s9 =	sld [smem:$0x3FAC]  }
0x2f: {  	lr =	sadd.s32 s0, s3;
	s0 =	sld [smem:$0x3FA3]  }
0x30: {  	s3 =	sld [smem:$0x3FA6]  }
0x31: {  	[smem:$0x3FAF] =	sst s10  }
0x32: {  	s10 =	sld [smem:$0x3FAD];
	_ =	sdelay $0x3  }
0x33: {  	p0 =	seq.s32 s10, $0x1;
	s10 =	sld [smem:$0x3FAF];
	_ =	sdelay $0x3  }
0x34: {  	[smem:$0x3FAF] =	sst s10  }
0x35: {  	s10 =	sld [smem:$0x3FAE];
	_ =	sdelay $0x3  }
0x36: {  	p1 =	seq.s32 s10, $0x1;
	s10 =	sld [smem:$0x3FAF];
	_ =	sdelay $0x3  }
0x37: {  	[smem:$0x3FAF] =	sst s10  }
0x38: {  	s10 =	sld [smem:$0x3FB0]  }
0x39: {  	_ = 	snop;
	(pc) =	sbr.ind lr, $3  }
0x3a: {  	_ = 	snop  }
0x3b: {  	_ = 	snop  }
0x3c: {  	p2 =	seq.s32 s10, $0x1;
	s10 =	sld [smem:$0x3FAF]  }
0x3d: {  	_ =	shalt  }
0x3e: {  	_ =	shalt  }
0x3f: {  	_ =	shalt  }
0x40: {  	_ =	shalt  }
0x41: {  	_ =	shalt  }
0x42: {  	_ =	shalt  }
0x43: {  	_ =	shalt  }
0x44: {  	_ =	shalt  }
0x45: {  	_ =	shalt  }
0x46: {  	_ =	shalt  }
0x47: {  	_ =	shalt  }
0x48: {  	_ =	shalt  }
0x49: {  	_ =	shalt  }
0x4a: {  	_ =	shalt  }
0x4b: {  	_ =	shalt  }
0x4c: {  	_ =	shalt  }
0x4d: {  	_ =	shalt  }
0x4e: {  	_ =	shalt  }
0x4f: {  	_ =	shalt  }
0x50: {  	_ =	shalt  }
0x51: {  	_ =	shalt  }
0x52: {  	_ =	shalt  }
0x53: {  	_ =	shalt  }
0x54: {  	_ =	shalt  }
0x55: {  	_ =	shalt  }
0x56: {  	_ =	shalt  }
0x57: {  	_ =	shalt  }
0x58: {  	_ =	shalt  }
0x59: {  	_ =	shalt  }
0x5a: {  	_ =	shalt  }
0x5b: {  	_ =	shalt  }
0x5c: {  	_ =	shalt  }
0x5d: {  	_ =	shalt  }
0x5e: {  	_ =	shalt  }
0x5f: {  	_ =	shalt  }
0x60: {  	_ =	shalt  }
0x61: {  	_ =	shalt  }
0x62: {  	_ =	shalt  }
0x63: {  	_ =	shalt  }
0x64: {  	_ =	shalt  }
0x65: {  	_ =	shalt  }
0x66: {  	_ =	shalt  }
0x67: {  	_ =	shalt  }
0x68: {  	_ =	shalt  }
0x69: {  	_ =	shalt  }
0x6a: {  	_ =	shalt  }
0x6b: {  	_ =	shalt  }
0x6c: {  	_ =	shalt  }
0x6d: {  	_ =	shalt  }
0x6e: {  	_ =	shalt  }
0x6f: {  	_ =	shalt  }
0x70: {  	_ =	shalt  }
0x71: {  	_ =	shalt  }
0x72: {  	_ =	shalt  }
0x73: {  	_ =	shalt  }
0x74: {  	_ =	shalt  }
0x75: {  	_ =	shalt  }
0x76: {  	_ =	shalt  }
0x77: {  	_ =	shalt  }
0x78: {  	_ =	shalt  }
0x79: {  	_ =	shalt  }
0x7a: {  	_ =	shalt  }
0x7b: {  	_ =	shalt  }
0x7c: {  	_ =	shalt  }
0x7d: {  	_ =	shalt  }
0x7e: {  	_ =	shalt  }
0x7f: {  	_ =	shalt  }
0x80: {  	_ =	shalt  }
0x81: {  	_ =	shalt  }
0x82: {  	_ =	shalt  }
0x83: {  	_ =	shalt  }
0x84: {  	_ =	shalt  }
0x85: {  	_ =	shalt  }
0x86: {  	_ =	shalt  }
0x87: {  	_ =	shalt  }
.Lfunc_end0:
.L_simem_size_0:
called_computation.7_lowered:
.L_overlay_start_0:
0x88: {  	s2 =	sld [smem:$0x3FD9]  }
0x89: {  	s3 =	sld [smem:$0x3FFE];
	_ =	sdelay $0x1  }
0x8a: {  	s1 =	srdreg.scid  }
0x8b: {  	s0 =	sand.u32 $0x1, s1  }
0x8c: {  	s17 =	sshll.u32 s0, $0xA;
	s2 =	sadd.s32 s3, s2  }
0x8d: {  	s2 =	sadd.s32 s2, s17  }
0x8e: {  	[smem:$0x3FBB] =	sst s2  }
0x8f: {  	_ = 	snop  }
0x90: {  	s2 =	sld [smem:$0x3FD0];
	(tm) =	ssettm $0x1  }
0x91: {  	s18 =	sld [smem:$0x3FFB];
	_ =	sdelay $0x3  }
0x92: {  	_ =	strace s18  }
0x93: {  	s3 =	sld [smem:$0x3FFC];
	_ =	sdelay $0x3  }
0x94: {  	_ =	strace s3  }
0x95: {  	s3 =	sld [smem:$0x3FFD];
	_ =	sdelay $0x3  }
0x96: {  	_ =	strace s3  }
0x97: {  	_ =	strace $0x8FFFFFFF  }
0x98: {  	s19 =	sld [smem:$0x3FDB];
	_ =	sdelay $0x1  }
0x99: {  	s4 =	simm.s32 $_scs_section_size  }
0x9a: {  	s5 =	simm.s32 $_size__tile_overlayer_lowered;
	s6 =	simm.s32 $_tile_overlayer_lowered  }
0x9b: {  	s22 =	simm.s32 $0x1BFF;
	s21 =	sshll.u32 s6, $0x1;
	s3 =	sadd.s32 s4, s19  }
0x9c: {  	s7 =	simm.s32 $0x0;
	s20 =	sshll.u32 s5, $0x1;
	s5 =	sadd.s32 s21, s3  }
0x9d: {  	[timem:s7], [sflag:s22] =	dma.local [hbm:s5], s20  }
0x9e: {  	_ =	swait.ge [sflag:s22], s20  }
0x9f: {  	s4 =	ssub.s32 $0x0, s20;
	[sflag:s22] =	ssyncset.done $0x0  }
0xa0: {  	[sflag:s22] =	ssyncadd.s32 s4;
	_ =	sdelay $0x1  }
0xa1: {  	s23 =	simm.s32 $0x1B8B  }
0xa2: {  	_ =	swait.ge [sflag:s23], $0x1  }
0xa3: {  	[sflag:s23] =	ssyncset.done $0x0  }
0xa4: {  	s25 =	simm.s32 $0x1B8E;
	s24 =	sld [smem:$0x3FFE];
	[sflag:s23] =	ssyncadd.s32 $0xFFFFFFFF  }
0xa5: {  	s26 =	simm.s32 $execute0_lowered;
	[smem:$0x3FD2] =	sst s25  }
0xa6: {  	s5 =	sshll.u32 s26, $0x1;
	_ =	strace $0x8000005B;
	[dreg:$0x1] =	wrdreg $0xFFFFFFFF  }
0xa7: {  	s28 =	simm.s32 $_size_execute0_lowered;
	s3 =	sadd.s32 s3, s5;
	[dreg:$0x0] =	wrdreg $0x0  }
0xa8: {  	s5 =	sshll.u32 s28, $0x1;
	[dreg:$0x2] =	wrdreg s3  }
0xa9: {  	[dreg:$0x3] =	wrdreg s5  }
0xaa: {  	[dreg:$0x4] =	wrdreg $0xC0  }
0xab: {  	_ =	task [dreg:s7], $0x5FFFF  }
0xac: {  	[dreg:$0x1] =	wrdreg $0xFFFFFFFF  }
0xad: {  	[dreg:$0x0] =	wrdreg $0x60  }
0xae: {  	[dreg:$0x2] =	wrdreg s24  }
0xaf: {  	[dreg:$0x3] =	wrdreg s2  }
0xb0: {  	[dreg:$0x4] =	wrdreg $0x9  }
0xb1: {  	_ =	task.clear_ibuf [dreg:s7], $0x5FFFF;
	_ =	strace $0x9000005B  }
0xb2: {  	s29 =	simm.s32 $0x9;
	_ =	strace $0x8000005D  }
0xb3: {  	_ =	swait.ge [sflag:s29], $0x1  }
0xb4: {  	[sflag:s29] =	ssyncadd.s32 $0xFFFFFFFF  }
0xb5: {  	_ =	strace $0x9000005D  }
0xb6: {  	_ =	sfence  }
0xb7: {  	s30 =	sld [smem:$0x0];
	_ =	sdelay $0x2  }
0xb8: {  	s31 =	sshll.u32 s1, $0xD;
	s1 =	sshrl.u32 s1, $0x2  }
0xb9: {  	s3 =	sand.u32 $0x4000, s31;
	s1 =	sadd.s32 s1, s30  }
0xba: {  	s0 =	sor.u32 s3, s0;
	s1 =	sshll.u32 s1, $0x11  }
0xbb: {  	s0 =	sor.u32 s1, s0  }
0xbc: {  	s0 =	sadd.s32 $0x8F2B, s0  }
0xbd: {  	[sflag:s0] =	ssyncadd.remote.s32 $0x1  }
0xbe: {  	_ =	sfence.sel $0xFFFF  }
0xbf: {  	[dreg:$0x0] =	wrdreg $0xFFFFFFFF;
	(pc) =	sbr.abs _section_cstart, $3  }
0xc0: {  	[dreg:$0x1] =	wrdreg $0xFFFFFFFF  }
0xc1: {  	_ =	task.clear_ibuf [dreg:s7], $0x2FFFF;
	_ =	strace $0x9FFFFFFF  }
0xc2: {  	(tm) =	ssettm $0x7FFFFFFF  }
0xc3: {  	_ =	shalt  }
tec
execute0_lowered:
.L_overlay_start_1:
0x0: {  	(tag) =	ssettag $0x1  }
0x1: {  	s4 =	rddreg [dreg:$0x0]  }
0x2: {  	s5 =	rddreg [dreg:$0x1]  }
0x3: {  	s0 =	rddreg [dreg:$0x2];
	s2 =	simm.s32 $0x0;
	s1 =	stileid.u32  }
0x4: {  	s3 =	srdreg.scid;
	s11 =	simm.s32 $0x2;
	s6 =	smul.u32 $0x2800, s1  }
0x5: {  	s12 =	simm.s32 $0x0;
	s7 =	sand.u32 $0x1, s3;
	s10 =	smul.u32 $0x50, s1  }
0x6: {  	[smem:$0x7FF] =	sst s2;
	s3 =	sadd.s32 $0x562600, s4;
	s8 =	smul.u32 $0x1400, s7  }
0x7: {  	_ =	strace $0x8000005C;
	s9 =	ssub.s32 $0x2, s7;
	s7 =	smul.u32 $0x28, s7  }
0x8: {  	s4 =	sadd.s32 s6, s4;
	s30 =	sshrl.u32 s9, $0x1;
	s31 =	sadd.s32 s10, s5  }
0x9: {  	s10 =	simm.s32 $0x1;
	s6 =	ssub.s32 s9, s30;
	s8 =	sadd.s32 s8, s4  }
0xa: {  	s9 =	simm.s32 $0x180;
	s4 =	smax.u32 s6, $0x1;
	s5 =	sadd.s32 $0x7D3600, s8  }
0xb: {  	s6 =	sadd.s32 s7, s31;
	s7 =	simm.s32 $0x3;
	s8 =	simm.s32 $0x140  }
.LBB2_1:
0xc: {  	s13 =	sadd.s32 $0x0, s6  }
0xd: {  	[tilespmem:s2], [sflag:$0x3] =	stream.linear.gather [hbm4b:s13+s2], $0x140, $0x38;
	[tilespmem:$0xA180] =	vst v63  }
0xe: {  	_ =	swait.ge [sflag:s7], $0x140  }
0xf: {  	[sflag:s7] =	ssyncset.done $0x0  }
0x10: {  	[sflag:s7] =	ssyncadd.s32 $0xFFFFFEC0  }
0x11: {  	[tilespmem:s9], [sflag:$0x1] =	stream.indirect.gather [hbm4b:s3+s8], $0x80, s2, s8, $0xb8;
	[tilespmem:$0xA180] =	vst v63  }
0x12: {  	_ =	swait.ge [sflag:s10], $0xA000  }
0x13: {  	[sflag:s10] =	ssyncset.done $0x0  }
0x14: {  	[sflag:s10] =	ssyncadd.s32 $0xFFFF6000  }
0x15: {  	[hbm4b:s5+s2] =	stream.linear.scatter [tilespmem:s9], [sflag:$0x2], $0xA000, $0x38;
	[tilespmem:$0xA180] =	vst v63  }
0x16: {  	s14 =	simm.s32 $0x500;
	_ =	swait.ge [sflag:s11], $0xA000  }
0x17: {  	s15 =	simm.s32 $0xA00;
	s13 =	sadd.s32 $0x28000, s5;
	[sflag:s11] =	ssyncset.done $0x0  }
.LBB2_2:
0x18: {  	s16 =	sadd.s32 s14, s6  }
0x19: {  	[sflag:s11] =	ssyncadd.s32 $0xFFFF6000;
	s14 =	smov.u32 s15;
	s17 =	sadd.s32 $0x500, s15  }
0x1a: {  	[tilespmem:s2], [sflag:$0x3] =	stream.linear.gather [hbm4b:s16+s2], $0x140, $0x38;
	[tilespmem:$0xA180] =	vst v63  }
0x1b: {  	p0 =	sne.s32 s15, $0x26C00;
	_ =	swait.ge [sflag:s7], $0x140  }
0x1c: {  	[sflag:s7] =	ssyncset.done $0x0  }
0x1d: {  	[sflag:s7] =	ssyncadd.s32 $0xFFFFFEC0  }
0x1e: {  	[tilespmem:s9], [sflag:$0x1] =	stream.indirect.gather [hbm4b:s3+s8], $0x80, s2, s8, $0xb8;
	[tilespmem:$0xA180] =	vst v63  }
0x1f: {  	_ =	swait.ge [sflag:s10], $0xA000  }
.Ltmp0:
0x20: {  	[sflag:s10] =	ssyncset.done $0x0;
	(pc) =	sbr.rel @p0 .LBB2_2-.Ltmp0, $4  }
0x21: {  	[sflag:s10] =	ssyncadd.s32 $0xFFFF6000  }
0x22: {  	[hbm4b:s13+s2] =	stream.linear.scatter [tilespmem:s9], [sflag:$0x2], $0xA000, $0x38;
	[tilespmem:$0xA180] =	vst v63  }
0x23: {  	_ =	swait.ge [sflag:s11], $0xA000  }
0x24: {  	s15 =	smov.u32 s17;
	s13 =	sadd.s32 $0x28000, s13;
	[sflag:s11] =	ssyncset.done $0x0  }
0x25: {  	s14 =	sadd.s32 s14, s6;
	[sflag:s11] =	ssyncadd.s32 $0xFFFF6000  }
0x26: {  	[tilespmem:s2], [sflag:$0x3] =	stream.linear.gather [hbm4b:s14+s2], $0x140, $0x38;
	[tilespmem:$0xA180] =	vst v63  }
0x27: {  	_ =	swait.ge [sflag:s7], $0x140  }
0x28: {  	[sflag:s7] =	ssyncset.done $0x0  }
0x29: {  	[sflag:s7] =	ssyncadd.s32 $0xFFFFFEC0  }
0x2a: {  	[tilespmem:s9], [sflag:$0x1] =	stream.indirect.gather [hbm4b:s3+s8], $0x80, s2, s8, $0xb8;
	[tilespmem:$0xA180] =	vst v63  }
0x2b: {  	s12 =	sadd.s32 $0x1, s12;
	_ =	swait.ge [sflag:s10], $0xA000  }
0x2c: {  	p0 =	sne.s32 s12, s4;
	[sflag:s10] =	ssyncset.done $0x0  }
.Ltmp1:
0x2d: {  	[sflag:s10] =	ssyncadd.s32 $0xFFFF6000;
	(pc) =	sbr.rel @p0 .LBB2_1-.Ltmp1, $4  }
0x2e: {  	[hbm4b:s13+s2] =	stream.linear.scatter [tilespmem:s9], [sflag:$0x2], $0xA000, $0x38;
	[tilespmem:$0xA180] =	vst v63  }
0x2f: {  	_ =	swait.ge [sflag:s11], $0xA000  }
0x30: {  	[sflag:s11] =	ssyncset.done $0x0  }
0x31: {  	[sflag:s11] =	ssyncadd.s32 $0xFFFF6000  }
0x32: {  	_ =	sfence.sel $0x180000  }
0x33: {  	[bflag:$0x0] =	sbarrier.arrive $0xFFFF  }
0x34: {  	p0 =	sne.s32 s1, $0x0;
	_ =	strace $0x9000005C  }
0x35: {  	s0 =	sadd.s32 @!p0 $0x100000, s0;
	[bflag:$0x2] =	sbarrier.arrive $0xFFFF  }
0x36: {  	[sflag:s0] =	ssyncadd.tile.s32 @!p0 $0x1;
	_ =	shalt  }
.Lfunc_end2:
_tile_overlayer_lowered:
.L_overlay_start_2:
0x37: {  	(tag) =	ssettag $0x2  }
0x38: {  	s0 =	rddreg [dreg:$0x0];
	s2 =	stileid.u32  }
0x39: {  	s1 =	rddreg [dreg:$0x1];
	p0 =	sne.s32 s2, $0x0  }
0x3a: {  	s3 =	rddreg [dreg:$0x2];
	[bflag:$0x3] =	sbarrier.arrive $0xFFFF;
	s2 =	simm.s32 @!p0 $0x1C02  }
0x3b: {  	[timem:s3], [sflag:s2] =	dma.local @!p0 [hbm:s0], s1  }
0x3c: {  	s0 =	simm.s32 @!p0 $0x2  }
0x3d: {  	_ =	swait.ge @!p0 [sflag:s0], s1  }
0x3e: {  	s1 =	ssub.s32 @!p0 $0x0, s1;
	[sflag:s0] =	ssyncset.done @!p0 $0x0  }
0x3f: {  	[sflag:s0] =	ssyncadd.s32 @!p0 s1  }
0x40: {  	[bflag:$0x3] =	sbarrier.arrive $0xFFFF  }
0x41: {  	_ =	shalt  }

// kernel: kernel.45.cloned.1.call-start
scs
__scs_entry_jumppad:
0x0: {  	(pc) =	sbr.rel $0x88, $3  }
0x1: {  	(tag) =	ssettag $0x0;
	lr =	simm.s32 $0x1  }
0x2: {  	[smem:$0x3F94] =	sst lr;
	_ =	strace $0xD0000000  }
0x3: {  	_ = 	snop  }
0x4: {  	_ = 	snop  }
0x5: {  	_ = 	snop  }
0x6: {  	_ = 	snop  }
0x7: {  	_ = 	snop  }
__scs_overlays_trampoline_lowered:
0x8: {  	[smem:$0x3FA3] =	sst s0  }
0x9: {  	[smem:$0x3FA4] =	sst s1  }
0xa: {  	[smem:$0x3FA5] =	sst s2  }
0xb: {  	[smem:$0x3FA6] =	sst s3  }
0xc: {  	[smem:$0x3FA7] =	sst s4  }
0xd: {  	[smem:$0x3FA8] =	sst s5  }
0xe: {  	[smem:$0x3FA9] =	sst s6  }
0xf: {  	[smem:$0x3FAA] =	sst s7  }
0x10: {  	[smem:$0x3FAB] =	sst s8  }
0x11: {  	[smem:$0x3FAC] =	sst s9;
	s0 =	simm.s32 @!p0 $0x0  }
0x12: {  	s1 =	sld [smem:$0x3F92];
	s0 =	simm.s32 @p0 $0x1  }
0x13: {  	[smem:$0x3FAD] =	sst s0;
	s0 =	simm.s32 @!p1 $0x0  }
0x14: {  	s2 =	sld [smem:$0x3F91];
	s0 =	simm.s32 @p1 $0x1  }
0x15: {  	[smem:$0x3FAE] =	sst s0;
	s0 =	simm.s32 @!p2 $0x0  }
0x16: {  	s3 =	sld [smem:$0x3FDB];
	s0 =	simm.s32 @p2 $0x1  }
0x17: {  	s4 =	simm.s32 $0x1BF5;
	[smem:$0x3FB0] =	sst s0  }
0x18: {  	s0 =	sld [smem:$0x3F93];
	_ =	swait.ge [sflag:s4], $0x0  }
0x19: {  	s7 =	sld [smem:$0x3F94]  }
0x1a: {  	s8 =	sadd.s32 $0xFFFFE003, lr  }
0x1b: {  	s9 =	sadd.s32 $0xFFFFFEF7, lr;
	s5 =	simm.s32 $0xFFFFFFFF;
	p2 =	slt.u32 s8, $0xFFFFF086  }
0x1c: {  	p1 =	slt.u32 s9, $0xF7A;
	s5 =	simm.s32 @!p2 $0x0  }
0x1d: {  	s5 =	simm.s32 @p1 $0x1;
	p0 =	seq.s32 s7, s2  }
0x1e: {  	s7 =	smul.u32 @!p0 $0xF7A, s2;
	p2 =	seq.s32 @!p0 s5, $0x0  }
0x1f: {  	s9 =	smul.u32 $0xF7A, s1;
	s8 =	simm.s32 @!p0 $0x1BF5;
	p2 =	por !p2, p0  }
0x20: {  	[sflag:s8] =	ssyncset.s32 @!p0 $0xFFFFF086;
	s6 =	sadd.s32 @!p0 s3, s7;
	s7 =	simm.s32 @!p0 $0x108  }
0x21: {  	s3 =	sadd.s32 s3, s9;
	s6 =	sadd.s32 @!p0 $0x88, s6;
	s7 =	simm.s32 @p2 $0x1082  }
0x22: {  	[simem:s7], [sflag:s8] =	dma.local @!p0 [hbm:s6], $0xF7A  }
0x23: {  	s9 =	sor.u32 $0xD0000000, s2;
	s6 =	simm.s32 $0x108;
	_ =	swait.ge @!p0 [sflag:s8], $0x0  }
0x24: {  	s3 =	sadd.s32 $0x88, s3;
	s6 =	simm.s32 @!p1 $0x1082;
	[sflag:s4] =	ssyncset.s32 $0xFFFFF086  }
0x25: {  	[simem:s6], [sflag:s4] =	dma.local [hbm:s3], $0xF7A  }
0x26: {  	[smem:$0x3F94] =	sst s1;
	(tag) =	ssettag s2;
	_ =	strace s9  }
0x27: {  	s1 =	sld [smem:$0x3FA4]  }
0x28: {  	s2 =	sld [smem:$0x3FA5]  }
0x29: {  	s4 =	sld [smem:$0x3FA7]  }
0x2a: {  	p0 =	seq.s32 s5, $0x0;
	s5 =	sld [smem:$0x3FA8]  }
0x2b: {  	s6 =	sld [smem:$0x3FA9]  }
0x2c: {  	s7 =	sld [smem:$0x3FAA]  }
0x2d: {  	s3 =	simm.s32 $0x108;
	s8 =	sld [smem:$0x3FAB]  }
0x2e: {  	s3 =	simm.s32 @!p0 $0x1082;
	s9 =	sld [smem:$0x3FAC]  }
0x2f: {  	lr =	sadd.s32 s0, s3;
	s0 =	sld [smem:$0x3FA3]  }
0x30: {  	s3 =	sld [smem:$0x3FA6]  }
0x31: {  	[smem:$0x3FAF] =	sst s10  }
0x32: {  	s10 =	sld [smem:$0x3FAD];
	_ =	sdelay $0x3  }
0x33: {  	p0 =	seq.s32 s10, $0x1;
	s10 =	sld [smem:$0x3FAF];
	_ =	sdelay $0x3  }
0x34: {  	[smem:$0x3FAF] =	sst s10  }
0x35: {  	s10 =	sld [smem:$0x3FAE];
	_ =	sdelay $0x3  }
0x36: {  	p1 =	seq.s32 s10, $0x1;
	s10 =	sld [smem:$0x3FAF];
	_ =	sdelay $0x3  }
0x37: {  	[smem:$0x3FAF] =	sst s10  }
0x38: {  	s10 =	sld [smem:$0x3FB0]  }
0x39: {  	_ = 	snop;
	(pc) =	sbr.ind lr, $3  }
0x3a: {  	_ = 	snop  }
0x3b: {  	_ = 	snop  }
0x3c: {  	p2 =	seq.s32 s10, $0x1;
	s10 =	sld [smem:$0x3FAF]  }
0x3d: {  	_ =	shalt  }
0x3e: {  	_ =	shalt  }
0x3f: {  	_ =	shalt  }
0x40: {  	_ =	shalt  }
0x41: {  	_ =	shalt  }
0x42: {  	_ =	shalt  }
0x43: {  	_ =	shalt  }
0x44: {  	_ =	shalt  }
0x45: {  	_ =	shalt  }
0x46: {  	_ =	shalt  }
0x47: {  	_ =	shalt  }
0x48: {  	_ =	shalt  }
0x49: {  	_ =	shalt  }
0x4a: {  	_ =	shalt  }
0x4b: {  	_ =	shalt  }
0x4c: {  	_ =	shalt  }
0x4d: {  	_ =	shalt  }
0x4e: {  	_ =	shalt  }
0x4f: {  	_ =	shalt  }
0x50: {  	_ =	shalt  }
0x51: {  	_ =	shalt  }
0x52: {  	_ =	shalt  }
0x53: {  	_ =	shalt  }
0x54: {  	_ =	shalt  }
0x55: {  	_ =	shalt  }
0x56: {  	_ =	shalt  }
0x57: {  	_ =	shalt  }
0x58: {  	_ =	shalt  }
0x59: {  	_ =	shalt  }
0x5a: {  	_ =	shalt  }
0x5b: {  	_ =	shalt  }
0x5c: {  	_ =	shalt  }
0x5d: {  	_ =	shalt  }
0x5e: {  	_ =	shalt  }
0x5f: {  	_ =	shalt  }
0x60: {  	_ =	shalt  }
0x61: {  	_ =	shalt  }
0x62: {  	_ =	shalt  }
0x63: {  	_ =	shalt  }
0x64: {  	_ =	shalt  }
0x65: {  	_ =	shalt  }
0x66: {  	_ =	shalt  }
0x67: {  	_ =	shalt  }
0x68: {  	_ =	shalt  }
0x69: {  	_ =	shalt  }
0x6a: {  	_ =	shalt  }
0x6b: {  	_ =	shalt  }
0x6c: {  	_ =	shalt  }
0x6d: {  	_ =	shalt  }
0x6e: {  	_ =	shalt  }
0x6f: {  	_ =	shalt  }
0x70: {  	_ =	shalt  }
0x71: {  	_ =	shalt  }
0x72: {  	_ =	shalt  }
0x73: {  	_ =	shalt  }
0x74: {  	_ =	shalt  }
0x75: {  	_ =	shalt  }
0x76: {  	_ =	shalt  }
0x77: {  	_ =	shalt  }
0x78: {  	_ =	shalt  }
0x79: {  	_ =	shalt  }
0x7a: {  	_ =	shalt  }
0x7b: {  	_ =	shalt  }
0x7c: {  	_ =	shalt  }
0x7d: {  	_ =	shalt  }
0x7e: {  	_ =	shalt  }
0x7f: {  	_ =	shalt  }
0x80: {  	_ =	shalt  }
0x81: {  	_ =	shalt  }
0x82: {  	_ =	shalt  }
0x83: {  	_ =	shalt  }
0x84: {  	_ =	shalt  }
0x85: {  	_ =	shalt  }
0x86: {  	_ =	shalt  }
0x87: {  	_ =	shalt  }
.Lfunc_end0:
.L_simem_size_0:
called_computation.8_lowered:
.L_overlay_start_0:
0x88: {  	s2 =	sld [smem:$0x3FD9]  }
0x89: {  	s3 =	sld [smem:$0x3FFE];
	_ =	sdelay $0x1  }
0x8a: {  	s1 =	srdreg.scid  }
0x8b: {  	s0 =	sand.u32 $0x1, s1  }
0x8c: {  	s17 =	sshll.u32 s0, $0xA;
	s2 =	sadd.s32 s3, s2  }
0x8d: {  	s2 =	sadd.s32 s2, s17  }
0x8e: {  	[smem:$0x3FBB] =	sst s2  }
0x8f: {  	_ = 	snop  }
0x90: {  	s18 =	sld [smem:$0x3FC8];
	(tm) =	ssettm $0x1  }
0x91: {  	s19 =	sld [smem:$0x3FFB];
	_ =	sdelay $0x3  }
0x92: {  	_ =	strace s19  }
0x93: {  	s2 =	sld [smem:$0x3FFC];
	_ =	sdelay $0x3  }
0x94: {  	_ =	strace s2  }
0x95: {  	s2 =	sld [smem:$0x3FFD];
	_ =	sdelay $0x3  }
0x96: {  	_ =	strace s2  }
0x97: {  	_ =	strace $0x8FFFFFFF  }
0x98: {  	s20 =	sld [smem:$0x3FDB];
	_ =	sdelay $0x1  }
0x99: {  	s4 =	simm.s32 $_scs_section_size  }
0x9a: {  	s5 =	simm.s32 $_size__tile_overlayer_lowered;
	s6 =	simm.s32 $_tile_overlayer_lowered  }
0x9b: {  	s7 =	simm.s32 $0x1BFF;
	s21 =	sshll.u32 s6, $0x1;
	s4 =	sadd.s32 s4, s20  }
0x9c: {  	s22 =	simm.s32 $0x0;
	s5 =	sshll.u32 s5, $0x1;
	s6 =	sadd.s32 s21, s4  }
0x9d: {  	[timem:s22], [sflag:s7] =	dma.local [hbm:s6], s5  }
0x9e: {  	_ =	swait.ge [sflag:s7], s5  }
0x9f: {  	s5 =	ssub.s32 $0x0, s5;
	[sflag:s7] =	ssyncset.done $0x0  }
0xa0: {  	[sflag:s7] =	ssyncadd.s32 s5;
	_ =	sdelay $0x1  }
0xa1: {  	s23 =	simm.s32 $0x1B8B  }
0xa2: {  	_ =	swait.ge [sflag:s23], $0x1  }
0xa3: {  	[sflag:s23] =	ssyncset.done $0x0  }
0xa4: {  	[sflag:s23] =	ssyncadd.s32 $0xFFFFFFFF  }
0xa5: {  	s5 =	sld [smem:$0x0]  }
0xa6: {  	s6 =	sand.u32 $0xFFFFFFFE, s1  }
0xa7: {  	p0 =	sne.s32 s1, s6  }
0xa8: {  	s6 =	sshll.u32 @p0 s6, $0xE  }
0xa9: {  	s6 =	sadd.s32 @p0 $0x11B8D, s6;
	s7 =	sshll.u32 @p0 s5, $0x11  }
0xaa: {  	s6 =	sor.u32 @p0 s7, s6  }
0xab: {  	[sflag:s6] =	ssyncadd.remote.s32 @p0 $0x1;
	_ =	sdelay $0x1  }
0xac: {  	s6 =	simm.s32 @p0 $0x1B8D  }
0xad: {  	_ =	swait.eq @p0 [sflag:s6], $0x1  }
0xae: {  	[sflag:s6] =	ssyncadd.s32 @p0 $0xFFFFFFFF  }
0xaf: {  	s7 =	sshll.u32 @!p0 s1, $0xE  }
0xb0: {  	s7 =	sor.u32 @!p0 $0x4000, s7;
	s6 =	simm.s32 @!p0 $0x1B8D  }
0xb1: {  	s5 =	sshll.u32 @!p0 s5, $0x11;
	s7 =	sadd.s32 @!p0 $0x11B8D, s7;
	_ =	swait.eq @!p0 [sflag:s6], $0x1  }
0xb2: {  	s5 =	sor.u32 @!p0 s5, s7;
	[sflag:s6] =	ssyncadd.s32 @!p0 $0xFFFFFFFF  }
0xb3: {  	s25 =	simm.s32 $0x1B8E;
	s24 =	sld [smem:$0x3FFE];
	[sflag:s5] =	ssyncadd.remote.s32 @!p0 $0x1  }
0xb4: {  	s26 =	simm.s32 $execute0_lowered;
	[smem:$0x3FD2] =	sst s25  }
0xb5: {  	s6 =	sshll.u32 s26, $0x1;
	_ =	strace $0x80000061;
	[dreg:$0x1] =	wrdreg $0xFFFFFFFF  }
0xb6: {  	s28 =	simm.s32 $_size_execute0_lowered;
	s4 =	sadd.s32 s4, s6;
	[dreg:$0x0] =	wrdreg $0x0  }
0xb7: {  	s6 =	sshll.u32 s28, $0x1;
	[dreg:$0x2] =	wrdreg s4  }
0xb8: {  	[dreg:$0x3] =	wrdreg s6  }
0xb9: {  	[dreg:$0x4] =	wrdreg $0xC0  }
0xba: {  	_ =	task [dreg:s22], $0x5FFFF  }
0xbb: {  	[dreg:$0x1] =	wrdreg $0xFFFFFFFF  }
0xbc: {  	[dreg:$0x0] =	wrdreg $0x60  }
0xbd: {  	[dreg:$0x2] =	wrdreg s24  }
0xbe: {  	[dreg:$0x3] =	wrdreg s18  }
0xbf: {  	[dreg:$0x4] =	wrdreg $0xA1800  }
0xc0: {  	[dreg:$0x5] =	wrdreg $0x9  }
0xc1: {  	_ =	task.clear_ibuf [dreg:s22], $0x6FFFF;
	_ =	strace $0x90000061  }
0xc2: {  	s29 =	simm.s32 $0x9;
	_ =	strace $0x80000063  }
0xc3: {  	_ =	swait.ge [sflag:s29], $0x1  }
0xc4: {  	[sflag:s29] =	ssyncadd.s32 $0xFFFFFFFF  }
0xc5: {  	_ =	strace $0x90000063  }
0xc6: {  	_ =	sfence  }
0xc7: {  	s30 =	sld [smem:$0x0];
	_ =	sdelay $0x2  }
0xc8: {  	s31 =	sshll.u32 s1, $0xD;
	s1 =	sshrl.u32 s1, $0x2  }
0xc9: {  	s4 =	sand.u32 $0x4000, s31;
	s1 =	sadd.s32 s1, s30  }
0xca: {  	s0 =	sor.u32 s4, s0;
	s1 =	sshll.u32 s1, $0x11  }
0xcb: {  	s0 =	sor.u32 s1, s0  }
0xcc: {  	s0 =	sadd.s32 $0x8F2B, s0  }
0xcd: {  	[sflag:s0] =	ssyncadd.remote.s32 $0x1  }
0xce: {  	_ =	sfence.sel $0xFFFF  }
0xcf: {  	[dreg:$0x0] =	wrdreg $0xFFFFFFFF;
	(pc) =	sbr.abs _section_cstart, $3  }
0xd0: {  	[dreg:$0x1] =	wrdreg $0xFFFFFFFF  }
0xd1: {  	_ =	task.clear_ibuf [dreg:s22], $0x2FFFF;
	_ =	strace $0x9FFFFFFF  }
0xd2: {  	(tm) =	ssettm $0x7FFFFFFF  }
0xd3: {  	_ =	shalt  }
tec
execute0_lowered:
.L_overlay_start_1:
0x0: {  	(tag) =	ssettag $0x1  }
0x1: {  	s1 =	srdreg.scid  }
0x2: {  	s1 =	sand.u32 $0x1, s1  }
0x3: {  	p0 =	seq.s32 s1, $0x1  }
.Ltmp0:
0x4: {  	s5 =	rddreg [dreg:$0x0];
	(pc) =	sbr.rel @p0 .LBB2_4-.Ltmp0, $4  }
0x5: {  	s6 =	rddreg [dreg:$0x1]  }
0x6: {  	s2 =	rddreg [dreg:$0x2];
	s3 =	simm.s32 $0x0  }
0x7: {  	[smem:$0x7FF] =	sst s3  }
0x8: {  	s0 =	rddreg [dreg:$0x3];
	_ =	strace $0x80000062;
	s1 =	stileid.u32  }
0x9: {  	s3 =	smul.u32 $0x4F000, s1;
	_ =	sdelay $0x1  }
0xa: {  	s7 =	smul.u32 $0x2780, s1;
	s4 =	sadd.s32 $0x5C00, s5;
	s3 =	sshrl.u32 s3, $0x2  }
0xb: {  	s25 =	sshll.u32 s1, $0x6;
	s26 =	simm.s32 $0x1;
	s8 =	sadd.s32 s3, s2  }
0xc: {  	s9 =	sadd.s32 s4, s7;
	s3 =	sor.u32 $0x1C01, s25;
	s4 =	sshrl.u32 s8, $0x3  }
0xd: {  	[spmem:s4], [sflag:s3] =	dma.local [hbm:s9], $0x2780  }
0xe: {  	s28 =	smul.u32 $0x28, s1;
	_ =	swait.ge [sflag:s26], $0x2780  }
0xf: {  	s29 =	sadd.s32 $0x0, s1;
	[sflag:s26] =	ssyncset.done $0x0  }
0x10: {  	p0 =	sgt.u32 s29, $0x1F3;
	s8 =	sadd.s32 s28, s6;
	[sflag:s26] =	ssyncadd.s32 $0xFFFFD880  }
0x11: {  	s6 =	simm.s32 @!p0 $0x0;
	s9 =	simm.s32 @!p0 $0x2;
	[bflag:$0x0] =	sbarrier.arrive $0xFFFF  }
0x12: {  	[tilespmem:s6], [sflag:$0x2] =	stream.linear.gather @!p0 [hbm4b:s8+s6], $0x140, $0x38;
	[tilespmem:$0x1DD80] =	vst v63  }
0x13: {  	s10 =	smul.u32 $0x1400, s1;
	_ =	swait.ge @!p0 [sflag:s9], $0x140  }
0x14: {  	s11 =	sadd.s32 $0x2EC600, s5;
	[sflag:s9] =	ssyncset.done @!p0 $0x0;
	p0 =	por p0, p0  }
0x15: {  	s10 =	sadd.s32 s10, s11;
	[sflag:s9] =	ssyncadd.s32 @!p0 $0xFFFFFEC0;
	s11 =	simm.s32 @!p0 $0x180  }
0x16: {  	[tilespmem:s11], [sflag:$0x2] =	stream.linear.gather @!p0 [hbm4b:s10+s6], $0xA000, $0x38;
	[tilespmem:$0x1DD80] =	vst v63  }
0x17: {  	s31 =	sadd.s32 $0x10, s1;
	_ =	swait.ge @!p0 [sflag:s9], $0xA000  }
0x18: {  	p1 =	sgt.u32 s31, $0x1F3;
	s30 =	sadd.s32 s7, s5;
	[sflag:s9] =	ssyncset.done @!p0 $0x0  }
0x19: {  	s12 =	simm.s32 @!p0 $0x140;
	[sflag:s9] =	ssyncadd.s32 @!p0 $0xFFFF6000;
	s9 =	simm.s32 @!p0 $0x1  }
0x1a: {  	[spmem:s2] =	stream.indirect.scatter.add.f32 @!p0 [tilespmem:s11], [sflag:$0x1], $0x80, s6, s12, $0xb8;
	[tilespmem:$0x1DD80] =	vst v63  }
0x1b: {  	s7 =	simm.s32 $0x20;
	s5 =	sadd.s32 $0x54C00, s30;
	_ =	swait.ge @!p0 [sflag:s9], $0xA000  }
0x1c: {  	s8 =	sadd.s32 $0x280, s8;
	s6 =	sadd.s32 $0x14000, s10;
	[sflag:s9] =	ssyncset.done @!p0 $0x0  }
.LBB2_2:
0x1d: {  	s10 =	simm.s32 @!p1 $0x0;
	s11 =	simm.s32 @!p1 $0x2;
	[sflag:s9] =	ssyncadd.s32 @!p0 $0xFFFF6000  }
0x1e: {  	[tilespmem:s10], [sflag:$0x2] =	stream.linear.gather @!p1 [hbm4b:s8+s10], $0x140, $0x38;
	[tilespmem:$0x1DD80] =	vst v63  }
0x1f: {  	s12 =	smov.u32 s7;
	s7 =	sadd.s32 $0x10, s7;
	_ =	swait.ge @!p1 [sflag:s11], $0x140  }
0x20: {  	p0 =	por p1, p1;
	p2 =	sne.s32 s7, $0x200;
	[sflag:s11] =	ssyncset.done @!p1 $0x0  }
0x21: {  	s13 =	simm.s32 @!p0 $0x180;
	[sflag:s11] =	ssyncadd.s32 @!p0 $0xFFFFFEC0  }
0x22: {  	[tilespmem:s13], [sflag:$0x2] =	stream.linear.gather @!p0 [hbm4b:s6+s10], $0xA000, $0x38;
	[tilespmem:$0x1DD80] =	vst v63  }
0x23: {  	_ =	swait.ge @!p0 [sflag:s11], $0xA000  }
.Ltmp1:
0x24: {  	[sflag:s11] =	ssyncset.done @!p0 $0x0;
	(pc) =	sbr.rel @p2 .LBB2_2-.Ltmp1, $4  }
0x25: {  	s9 =	simm.s32 @!p0 $0x1;
	[sflag:s11] =	ssyncadd.s32 @!p0 $0xFFFF6000;
	s11 =	simm.s32 @!p0 $0x140  }
0x26: {  	[spmem:s2] =	stream.indirect.scatter.add.f32 @!p0 [tilespmem:s13], [sflag:$0x1], $0x80, s10, s11, $0xb8;
	[tilespmem:$0x1DD80] =	vst v63  }
0x27: {  	s6 =	sadd.s32 $0x14000, s6;
	s10 =	sadd.s32 s12, s1;
	_ =	swait.ge @!p0 [sflag:s9], $0xA000  }
0x28: {  	s8 =	sadd.s32 $0x280, s8;
	p1 =	sgt.u32 s10, $0x1F3;
	[sflag:s9] =	ssyncset.done @!p0 $0x0  }
0x29: {  	s7 =	simm.s32 @!p1 $0x0;
	s10 =	simm.s32 @!p1 $0x2;
	[sflag:s9] =	ssyncadd.s32 @!p0 $0xFFFF6000  }
0x2a: {  	[tilespmem:s7], [sflag:$0x2] =	stream.linear.gather @!p1 [hbm4b:s8+s7], $0x140, $0x38;
	[tilespmem:$0x1DD80] =	vst v63  }
0x2b: {  	_ =	swait.ge @!p1 [sflag:s10], $0x140  }
0x2c: {  	p0 =	por p1, p1;
	[sflag:s10] =	ssyncset.done @!p1 $0x0  }
0x2d: {  	s8 =	simm.s32 @!p0 $0x180;
	[sflag:s10] =	ssyncadd.s32 @!p0 $0xFFFFFEC0  }
0x2e: {  	[tilespmem:s8], [sflag:$0x2] =	stream.linear.gather @!p0 [hbm4b:s6+s7], $0xA000, $0x38;
	[tilespmem:$0x1DD80] =	vst v63  }
0x2f: {  	_ =	swait.ge @!p0 [sflag:s10], $0xA000  }
0x30: {  	[sflag:s10] =	ssyncset.done @!p0 $0x0  }
0x31: {  	s9 =	simm.s32 @!p0 $0x1;
	s6 =	simm.s32 @!p0 $0x140;
	[sflag:s10] =	ssyncadd.s32 @!p0 $0xFFFF6000  }
0x32: {  	[spmem:s2] =	stream.indirect.scatter.add.f32 @!p0 [tilespmem:s8], [sflag:$0x1], $0x80, s7, s6, $0xb8;
	[tilespmem:$0x1DD80] =	vst v63  }
0x33: {  	_ =	swait.ge @!p0 [sflag:s9], $0xA000  }
0x34: {  	[sflag:s9] =	ssyncset.done @!p0 $0x0  }
0x35: {  	[sflag:s9] =	ssyncadd.s32 @!p0 $0xFFFF6000  }
0x36: {  	s31 =	simm.s32 $0x1;
	[bflag:$0x0] =	sbarrier.arrive $0xFFFF  }
0x37: {  	[hbm:s5], [sflag:s3] =	dma.local [spmem:s4], $0x2780  }
0x38: {  	_ =	swait.ge [sflag:s31], $0x2780  }
0x39: {  	[sflag:s31] =	ssyncset.done $0x0  }
0x3a: {  	[sflag:s31] =	ssyncadd.s32 $0xFFFFD880  }
.LBB2_4:
0x3b: {  	_ =	sfence.sel $0x180000  }
0x3c: {  	[bflag:$0x0] =	sbarrier.arrive $0xFFFF  }
0x3d: {  	p0 =	sne.s32 s1, $0x0;
	_ =	strace $0x90000062  }
0x3e: {  	s0 =	sadd.s32 @!p0 $0x100000, s0;
	[bflag:$0x2] =	sbarrier.arrive $0xFFFF  }
0x3f: {  	[sflag:s0] =	ssyncadd.tile.s32 @!p0 $0x1;
	_ =	shalt  }
.Lfunc_end2:
_tile_overlayer_lowered:
.L_overlay_start_2:
0x40: {  	(tag) =	ssettag $0x2  }
0x41: {  	s0 =	rddreg [dreg:$0x0];
	s2 =	stileid.u32  }
0x42: {  	s1 =	rddreg [dreg:$0x1];
	p0 =	sne.s32 s2, $0x0  }
0x43: {  	s3 =	rddreg [dreg:$0x2];
	[bflag:$0x3] =	sbarrier.arrive $0xFFFF;
	s2 =	simm.s32 @!p0 $0x1C01  }
0x44: {  	[timem:s3], [sflag:s2] =	dma.local @!p0 [hbm:s0], s1  }
0x45: {  	s0 =	simm.s32 @!p0 $0x1  }
0x46: {  	_ =	swait.ge @!p0 [sflag:s0], s1  }
0x47: {  	s1 =	ssub.s32 @!p0 $0x0, s1;
	[sflag:s0] =	ssyncset.done @!p0 $0x0  }
0x48: {  	[sflag:s0] =	ssyncadd.s32 @!p0 s1  }
0x49: {  	[bflag:$0x3] =	sbarrier.arrive $0xFFFF  }
0x4a: {  	_ =	shalt  }

// kernel: kernel.48.cloned.1.call-start
scs
__scs_entry_jumppad:
0x0: {  	(pc) =	sbr.rel $0x88, $3  }
0x1: {  	(tag) =	ssettag $0x0;
	lr =	simm.s32 $0x1  }
0x2: {  	[smem:$0x3F94] =	sst lr;
	_ =	strace $0xD0000000  }
0x3: {  	_ = 	snop  }
0x4: {  	_ = 	snop  }
0x5: {  	_ = 	snop  }
0x6: {  	_ = 	snop  }
0x7: {  	_ = 	snop  }
__scs_overlays_trampoline_lowered:
0x8: {  	[smem:$0x3FA3] =	sst s0  }
0x9: {  	[smem:$0x3FA4] =	sst s1  }
0xa: {  	[smem:$0x3FA5] =	sst s2  }
0xb: {  	[smem:$0x3FA6] =	sst s3  }
0xc: {  	[smem:$0x3FA7] =	sst s4  }
0xd: {  	[smem:$0x3FA8] =	sst s5  }
0xe: {  	[smem:$0x3FA9] =	sst s6  }
0xf: {  	[smem:$0x3FAA] =	sst s7  }
0x10: {  	[smem:$0x3FAB] =	sst s8  }
0x11: {  	[smem:$0x3FAC] =	sst s9;
	s0 =	simm.s32 @!p0 $0x0  }
0x12: {  	s1 =	sld [smem:$0x3F92];
	s0 =	simm.s32 @p0 $0x1  }
0x13: {  	[smem:$0x3FAD] =	sst s0;
	s0 =	simm.s32 @!p1 $0x0  }
0x14: {  	s2 =	sld [smem:$0x3F91];
	s0 =	simm.s32 @p1 $0x1  }
0x15: {  	[smem:$0x3FAE] =	sst s0;
	s0 =	simm.s32 @!p2 $0x0  }
0x16: {  	s3 =	sld [smem:$0x3FDB];
	s0 =	simm.s32 @p2 $0x1  }
0x17: {  	s4 =	simm.s32 $0x1BF5;
	[smem:$0x3FB0] =	sst s0  }
0x18: {  	s0 =	sld [smem:$0x3F93];
	_ =	swait.ge [sflag:s4], $0x0  }
0x19: {  	s7 =	sld [smem:$0x3F94]  }
0x1a: {  	s8 =	sadd.s32 $0xFFFFE003, lr  }
0x1b: {  	s9 =	sadd.s32 $0xFFFFFEF7, lr;
	s5 =	simm.s32 $0xFFFFFFFF;
	p2 =	slt.u32 s8, $0xFFFFF086  }
0x1c: {  	p1 =	slt.u32 s9, $0xF7A;
	s5 =	simm.s32 @!p2 $0x0  }
0x1d: {  	s5 =	simm.s32 @p1 $0x1;
	p0 =	seq.s32 s7, s2  }
0x1e: {  	s7 =	smul.u32 @!p0 $0xF7A, s2;
	p2 =	seq.s32 @!p0 s5, $0x0  }
0x1f: {  	s9 =	smul.u32 $0xF7A, s1;
	s8 =	simm.s32 @!p0 $0x1BF5;
	p2 =	por !p2, p0  }
0x20: {  	[sflag:s8] =	ssyncset.s32 @!p0 $0xFFFFF086;
	s6 =	sadd.s32 @!p0 s3, s7;
	s7 =	simm.s32 @!p0 $0x108  }
0x21: {  	s3 =	sadd.s32 s3, s9;
	s6 =	sadd.s32 @!p0 $0x88, s6;
	s7 =	simm.s32 @p2 $0x1082  }
0x22: {  	[simem:s7], [sflag:s8] =	dma.local @!p0 [hbm:s6], $0xF7A  }
0x23: {  	s9 =	sor.u32 $0xD0000000, s2;
	s6 =	simm.s32 $0x108;
	_ =	swait.ge @!p0 [sflag:s8], $0x0  }
0x24: {  	s3 =	sadd.s32 $0x88, s3;
	s6 =	simm.s32 @!p1 $0x1082;
	[sflag:s4] =	ssyncset.s32 $0xFFFFF086  }
0x25: {  	[simem:s6], [sflag:s4] =	dma.local [hbm:s3], $0xF7A  }
0x26: {  	[smem:$0x3F94] =	sst s1;
	(tag) =	ssettag s2;
	_ =	strace s9  }
0x27: {  	s1 =	sld [smem:$0x3FA4]  }
0x28: {  	s2 =	sld [smem:$0x3FA5]  }
0x29: {  	s4 =	sld [smem:$0x3FA7]  }
0x2a: {  	p0 =	seq.s32 s5, $0x0;
	s5 =	sld [smem:$0x3FA8]  }
0x2b: {  	s6 =	sld [smem:$0x3FA9]  }
0x2c: {  	s7 =	sld [smem:$0x3FAA]  }
0x2d: {  	s3 =	simm.s32 $0x108;
	s8 =	sld [smem:$0x3FAB]  }
0x2e: {  	s3 =	simm.s32 @!p0 $0x1082;
	s9 =	sld [smem:$0x3FAC]  }
0x2f: {  	lr =	sadd.s32 s0, s3;
	s0 =	sld [smem:$0x3FA3]  }
0x30: {  	s3 =	sld [smem:$0x3FA6]  }
0x31: {  	[smem:$0x3FAF] =	sst s10  }
0x32: {  	s10 =	sld [smem:$0x3FAD];
	_ =	sdelay $0x3  }
0x33: {  	p0 =	seq.s32 s10, $0x1;
	s10 =	sld [smem:$0x3FAF];
	_ =	sdelay $0x3  }
0x34: {  	[smem:$0x3FAF] =	sst s10  }
0x35: {  	s10 =	sld [smem:$0x3FAE];
	_ =	sdelay $0x3  }
0x36: {  	p1 =	seq.s32 s10, $0x1;
	s10 =	sld [smem:$0x3FAF];
	_ =	sdelay $0x3  }
0x37: {  	[smem:$0x3FAF] =	sst s10  }
0x38: {  	s10 =	sld [smem:$0x3FB0]  }
0x39: {  	_ = 	snop;
	(pc) =	sbr.ind lr, $3  }
0x3a: {  	_ = 	snop  }
0x3b: {  	_ = 	snop  }
0x3c: {  	p2 =	seq.s32 s10, $0x1;
	s10 =	sld [smem:$0x3FAF]  }
0x3d: {  	_ =	shalt  }
0x3e: {  	_ =	shalt  }
0x3f: {  	_ =	shalt  }
0x40: {  	_ =	shalt  }
0x41: {  	_ =	shalt  }
0x42: {  	_ =	shalt  }
0x43: {  	_ =	shalt  }
0x44: {  	_ =	shalt  }
0x45: {  	_ =	shalt  }
0x46: {  	_ =	shalt  }
0x47: {  	_ =	shalt  }
0x48: {  	_ =	shalt  }
0x49: {  	_ =	shalt  }
0x4a: {  	_ =	shalt  }
0x4b: {  	_ =	shalt  }
0x4c: {  	_ =	shalt  }
0x4d: {  	_ =	shalt  }
0x4e: {  	_ =	shalt  }
0x4f: {  	_ =	shalt  }
0x50: {  	_ =	shalt  }
0x51: {  	_ =	shalt  }
0x52: {  	_ =	shalt  }
0x53: {  	_ =	shalt  }
0x54: {  	_ =	shalt  }
0x55: {  	_ =	shalt  }
0x56: {  	_ =	shalt  }
0x57: {  	_ =	shalt  }
0x58: {  	_ =	shalt  }
0x59: {  	_ =	shalt  }
0x5a: {  	_ =	shalt  }
0x5b: {  	_ =	shalt  }
0x5c: {  	_ =	shalt  }
0x5d: {  	_ =	shalt  }
0x5e: {  	_ =	shalt  }
0x5f: {  	_ =	shalt  }
0x60: {  	_ =	shalt  }
0x61: {  	_ =	shalt  }
0x62: {  	_ =	shalt  }
0x63: {  	_ =	shalt  }
0x64: {  	_ =	shalt  }
0x65: {  	_ =	shalt  }
0x66: {  	_ =	shalt  }
0x67: {  	_ =	shalt  }
0x68: {  	_ =	shalt  }
0x69: {  	_ =	shalt  }
0x6a: {  	_ =	shalt  }
0x6b: {  	_ =	shalt  }
0x6c: {  	_ =	shalt  }
0x6d: {  	_ =	shalt  }
0x6e: {  	_ =	shalt  }
0x6f: {  	_ =	shalt  }
0x70: {  	_ =	shalt  }
0x71: {  	_ =	shalt  }
0x72: {  	_ =	shalt  }
0x73: {  	_ =	shalt  }
0x74: {  	_ =	shalt  }
0x75: {  	_ =	shalt  }
0x76: {  	_ =	shalt  }
0x77: {  	_ =	shalt  }
0x78: {  	_ =	shalt  }
0x79: {  	_ =	shalt  }
0x7a: {  	_ =	shalt  }
0x7b: {  	_ =	shalt  }
0x7c: {  	_ =	shalt  }
0x7d: {  	_ =	shalt  }
0x7e: {  	_ =	shalt  }
0x7f: {  	_ =	shalt  }
0x80: {  	_ =	shalt  }
0x81: {  	_ =	shalt  }
0x82: {  	_ =	shalt  }
0x83: {  	_ =	shalt  }
0x84: {  	_ =	shalt  }
0x85: {  	_ =	shalt  }
0x86: {  	_ =	shalt  }
0x87: {  	_ =	shalt  }
.Lfunc_end0:
.L_simem_size_0:
called_computation.9_lowered:
.L_overlay_start_0:
0x88: {  	s2 =	sld [smem:$0x3FD9]  }
0x89: {  	s3 =	sld [smem:$0x3FFE];
	_ =	sdelay $0x1  }
0x8a: {  	s1 =	srdreg.scid  }
0x8b: {  	s0 =	sand.u32 $0x1, s1  }
0x8c: {  	s17 =	sshll.u32 s0, $0xA;
	s2 =	sadd.s32 s3, s2  }
0x8d: {  	s2 =	sadd.s32 s2, s17  }
0x8e: {  	[smem:$0x3FBB] =	sst s2  }
0x8f: {  	_ = 	snop  }
0x90: {  	s2 =	sld [smem:$0x3FC8];
	(tm) =	ssettm $0x1  }
0x91: {  	s18 =	sld [smem:$0x3FFB];
	_ =	sdelay $0x3  }
0x92: {  	_ =	strace s18  }
0x93: {  	s3 =	sld [smem:$0x3FFC];
	_ =	sdelay $0x3  }
0x94: {  	_ =	strace s3  }
0x95: {  	s3 =	sld [smem:$0x3FFD];
	_ =	sdelay $0x3  }
0x96: {  	_ =	strace s3  }
0x97: {  	_ =	strace $0x8FFFFFFF  }
0x98: {  	s19 =	sld [smem:$0x3FDB];
	_ =	sdelay $0x1  }
0x99: {  	s4 =	simm.s32 $_scs_section_size  }
0x9a: {  	s5 =	simm.s32 $_size__tile_overlayer_lowered;
	s6 =	simm.s32 $_tile_overlayer_lowered  }
0x9b: {  	s22 =	simm.s32 $0x1BFF;
	s21 =	sshll.u32 s6, $0x1;
	s3 =	sadd.s32 s4, s19  }
0x9c: {  	s7 =	simm.s32 $0x0;
	s20 =	sshll.u32 s5, $0x1;
	s5 =	sadd.s32 s21, s3  }
0x9d: {  	[timem:s7], [sflag:s22] =	dma.local [hbm:s5], s20  }
0x9e: {  	_ =	swait.ge [sflag:s22], s20  }
0x9f: {  	s4 =	ssub.s32 $0x0, s20;
	[sflag:s22] =	ssyncset.done $0x0  }
0xa0: {  	[sflag:s22] =	ssyncadd.s32 s4;
	_ =	sdelay $0x1  }
0xa1: {  	s23 =	simm.s32 $0x1B8B  }
0xa2: {  	_ =	swait.ge [sflag:s23], $0x1  }
0xa3: {  	[sflag:s23] =	ssyncset.done $0x0  }
0xa4: {  	s25 =	simm.s32 $0x1B8E;
	s24 =	sld [smem:$0x3FFE];
	[sflag:s23] =	ssyncadd.s32 $0xFFFFFFFF  }
0xa5: {  	s26 =	simm.s32 $execute0_lowered;
	[smem:$0x3FD2] =	sst s25  }
0xa6: {  	s5 =	sshll.u32 s26, $0x1;
	_ =	strace $0x8000005E;
	[dreg:$0x1] =	wrdreg $0xFFFFFFFF  }
0xa7: {  	s28 =	simm.s32 $_size_execute0_lowered;
	s3 =	sadd.s32 s3, s5;
	[dreg:$0x0] =	wrdreg $0x0  }
0xa8: {  	s5 =	sshll.u32 s28, $0x1;
	[dreg:$0x2] =	wrdreg s3  }
0xa9: {  	[dreg:$0x3] =	wrdreg s5  }
0xaa: {  	[dreg:$0x4] =	wrdreg $0xC0  }
0xab: {  	_ =	task [dreg:s7], $0x5FFFF  }
0xac: {  	[dreg:$0x1] =	wrdreg $0xFFFFFFFF  }
0xad: {  	[dreg:$0x0] =	wrdreg $0x60  }
0xae: {  	[dreg:$0x2] =	wrdreg s24  }
0xaf: {  	[dreg:$0x3] =	wrdreg s2  }
0xb0: {  	[dreg:$0x4] =	wrdreg $0xA1800  }
0xb1: {  	[dreg:$0x5] =	wrdreg $0xA  }
0xb2: {  	_ =	task.clear_ibuf [dreg:s7], $0x6FFFF;
	_ =	strace $0x9000005E  }
0xb3: {  	s29 =	simm.s32 $0xA;
	_ =	strace $0x80000060  }
0xb4: {  	_ =	swait.ge [sflag:s29], $0x1  }
0xb5: {  	[sflag:s29] =	ssyncadd.s32 $0xFFFFFFFF  }
0xb6: {  	_ =	strace $0x90000060  }
0xb7: {  	_ =	sfence  }
0xb8: {  	s30 =	sld [smem:$0x0];
	_ =	sdelay $0x2  }
0xb9: {  	s31 =	sshll.u32 s1, $0xD;
	s1 =	sshrl.u32 s1, $0x2  }
0xba: {  	s3 =	sand.u32 $0x4000, s31;
	s1 =	sadd.s32 s1, s30  }
0xbb: {  	s0 =	sor.u32 s3, s0;
	s1 =	sshll.u32 s1, $0x11  }
0xbc: {  	s0 =	sor.u32 s1, s0  }
0xbd: {  	s0 =	sadd.s32 $0x8F2B, s0  }
0xbe: {  	[sflag:s0] =	ssyncadd.remote.s32 $0x1  }
0xbf: {  	_ =	sfence.sel $0xFFFF  }
0xc0: {  	[dreg:$0x0] =	wrdreg $0xFFFFFFFF;
	(pc) =	sbr.abs _section_cstart, $3  }
0xc1: {  	[dreg:$0x1] =	wrdreg $0xFFFFFFFF  }
0xc2: {  	_ =	task.clear_ibuf [dreg:s7], $0x2FFFF;
	_ =	strace $0x9FFFFFFF  }
0xc3: {  	(tm) =	ssettm $0x7FFFFFFF  }
tec
execute0_lowered:
.L_overlay_start_1:
0x0: {  	(tag) =	ssettag $0x1  }
0x1: {  	s1 =	srdreg.scid  }
0x2: {  	s1 =	sand.u32 $0x1, s1  }
0x3: {  	p0 =	seq.s32 s1, $0x1  }
.Ltmp0:
0x4: {  	s5 =	rddreg [dreg:$0x0];
	(pc) =	sbr.rel @p0 .LBB2_4-.Ltmp0, $4  }
0x5: {  	s6 =	rddreg [dreg:$0x1]  }
0x6: {  	s2 =	rddreg [dreg:$0x2];
	s3 =	simm.s32 $0x0  }
0x7: {  	[smem:$0x7FF] =	sst s3  }
0x8: {  	s0 =	rddreg [dreg:$0x3];
	_ =	strace $0x8000005F;
	s1 =	stileid.u32  }
0x9: {  	s3 =	smul.u32 $0x4F000, s1;
	_ =	sdelay $0x1  }
0xa: {  	s7 =	smul.u32 $0x2780, s1;
	s4 =	sadd.s32 $0x5C00, s5;
	s3 =	sshrl.u32 s3, $0x2  }
0xb: {  	s25 =	sshll.u32 s1, $0x6;
	s26 =	simm.s32 $0x1;
	s8 =	sadd.s32 s3, s2  }
0xc: {  	s9 =	sadd.s32 s4, s7;
	s3 =	sor.u32 $0x1C01, s25;
	s4 =	sshrl.u32 s8, $0x3  }
0xd: {  	[spmem:s4], [sflag:s3] =	dma.local [hbm:s9], $0x2780  }
0xe: {  	s28 =	smul.u32 $0x28, s1;
	_ =	swait.ge [sflag:s26], $0x2780  }
0xf: {  	s29 =	sadd.s32 $0x0, s1;
	[sflag:s26] =	ssyncset.done $0x0  }
0x10: {  	p0 =	sgt.u32 s29, $0x1F3;
	s8 =	sadd.s32 s28, s6;
	[sflag:s26] =	ssyncadd.s32 $0xFFFFD880  }
0x11: {  	s6 =	simm.s32 @!p0 $0x0;
	s9 =	simm.s32 @!p0 $0x2;
	[bflag:$0x0] =	sbarrier.arrive $0xFFFF  }
0x12: {  	[tilespmem:s6], [sflag:$0x2] =	stream.linear.gather @!p0 [hbm4b:s8+s6], $0x140, $0x38;
	[tilespmem:$0x1DD80] =	vst v63  }
0x13: {  	s10 =	smul.u32 $0x1400, s1;
	_ =	swait.ge @!p0 [sflag:s9], $0x140  }
0x14: {  	s11 =	sadd.s32 $0x55D600, s5;
	[sflag:s9] =	ssyncset.done @!p0 $0x0;
	p0 =	por p0, p0  }
0x15: {  	s10 =	sadd.s32 s10, s11;
	[sflag:s9] =	ssyncadd.s32 @!p0 $0xFFFFFEC0;
	s11 =	simm.s32 @!p0 $0x180  }
0x16: {  	[tilespmem:s11], [sflag:$0x2] =	stream.linear.gather @!p0 [hbm4b:s10+s6], $0xA000, $0x38;
	[tilespmem:$0x1DD80] =	vst v63  }
0x17: {  	s31 =	sadd.s32 $0x10, s1;
	_ =	swait.ge @!p0 [sflag:s9], $0xA000  }
0x18: {  	p1 =	sgt.u32 s31, $0x1F3;
	s30 =	sadd.s32 s7, s5;
	[sflag:s9] =	ssyncset.done @!p0 $0x0  }
0x19: {  	s12 =	simm.s32 @!p0 $0x140;
	[sflag:s9] =	ssyncadd.s32 @!p0 $0xFFFF6000;
	s9 =	simm.s32 @!p0 $0x1  }
0x1a: {  	[spmem:s2] =	stream.indirect.scatter.add.f32 @!p0 [tilespmem:s11], [sflag:$0x1], $0x80, s6, s12, $0xb8;
	[tilespmem:$0x1DD80] =	vst v63  }
0x1b: {  	s7 =	simm.s32 $0x20;
	s5 =	sadd.s32 $0x2D400, s30;
	_ =	swait.ge @!p0 [sflag:s9], $0xA000  }
0x1c: {  	s8 =	sadd.s32 $0x280, s8;
	s6 =	sadd.s32 $0x14000, s10;
	[sflag:s9] =	ssyncset.done @!p0 $0x0  }
.LBB2_2:
0x1d: {  	s10 =	simm.s32 @!p1 $0x0;
	s11 =	simm.s32 @!p1 $0x2;
	[sflag:s9] =	ssyncadd.s32 @!p0 $0xFFFF6000  }
0x1e: {  	[tilespmem:s10], [sflag:$0x2] =	stream.linear.gather @!p1 [hbm4b:s8+s10], $0x140, $0x38;
	[tilespmem:$0x1DD80] =	vst v63  }
0x1f: {  	s12 =	smov.u32 s7;
	s7 =	sadd.s32 $0x10, s7;
	_ =	swait.ge @!p1 [sflag:s11], $0x140  }
0x20: {  	p0 =	por p1, p1;
	p2 =	sne.s32 s7, $0x200;
	[sflag:s11] =	ssyncset.done @!p1 $0x0  }
0x21: {  	s13 =	simm.s32 @!p0 $0x180;
	[sflag:s11] =	ssyncadd.s32 @!p0 $0xFFFFFEC0  }
0x22: {  	[tilespmem:s13], [sflag:$0x2] =	stream.linear.gather @!p0 [hbm4b:s6+s10], $0xA000, $0x38;
	[tilespmem:$0x1DD80] =	vst v63  }
0x23: {  	_ =	swait.ge @!p0 [sflag:s11], $0xA000  }
.Ltmp1:
0x24: {  	[sflag:s11] =	ssyncset.done @!p0 $0x0;
	(pc) =	sbr.rel @p2 .LBB2_2-.Ltmp1, $4  }
0x25: {  	s9 =	simm.s32 @!p0 $0x1;
	[sflag:s11] =	ssyncadd.s32 @!p0 $0xFFFF6000;
	s11 =	simm.s32 @!p0 $0x140  }
0x26: {  	[spmem:s2] =	stream.indirect.scatter.add.f32 @!p0 [tilespmem:s13], [sflag:$0x1], $0x80, s10, s11, $0xb8;
	[tilespmem:$0x1DD80] =	vst v63  }
0x27: {  	s6 =	sadd.s32 $0x14000, s6;
	s10 =	sadd.s32 s12, s1;
	_ =	swait.ge @!p0 [sflag:s9], $0xA000  }
0x28: {  	s8 =	sadd.s32 $0x280, s8;
	p1 =	sgt.u32 s10, $0x1F3;
	[sflag:s9] =	ssyncset.done @!p0 $0x0  }
0x29: {  	s7 =	simm.s32 @!p1 $0x0;
	s10 =	simm.s32 @!p1 $0x2;
	[sflag:s9] =	ssyncadd.s32 @!p0 $0xFFFF6000  }
0x2a: {  	[tilespmem:s7], [sflag:$0x2] =	stream.linear.gather @!p1 [hbm4b:s8+s7], $0x140, $0x38;
	[tilespmem:$0x1DD80] =	vst v63  }
0x2b: {  	_ =	swait.ge @!p1 [sflag:s10], $0x140  }
0x2c: {  	p0 =	por p1, p1;
	[sflag:s10] =	ssyncset.done @!p1 $0x0  }
0x2d: {  	s8 =	simm.s32 @!p0 $0x180;
	[sflag:s10] =	ssyncadd.s32 @!p0 $0xFFFFFEC0  }
0x2e: {  	[tilespmem:s8], [sflag:$0x2] =	stream.linear.gather @!p0 [hbm4b:s6+s7], $0xA000, $0x38;
	[tilespmem:$0x1DD80] =	vst v63  }
0x2f: {  	_ =	swait.ge @!p0 [sflag:s10], $0xA000  }
0x30: {  	[sflag:s10] =	ssyncset.done @!p0 $0x0  }
0x31: {  	s9 =	simm.s32 @!p0 $0x1;
	s6 =	simm.s32 @!p0 $0x140;
	[sflag:s10] =	ssyncadd.s32 @!p0 $0xFFFF6000  }
0x32: {  	[spmem:s2] =	stream.indirect.scatter.add.f32 @!p0 [tilespmem:s8], [sflag:$0x1], $0x80, s7, s6, $0xb8;
	[tilespmem:$0x1DD80] =	vst v63  }
0x33: {  	_ =	swait.ge @!p0 [sflag:s9], $0xA000  }
0x34: {  	[sflag:s9] =	ssyncset.done @!p0 $0x0  }
0x35: {  	[sflag:s9] =	ssyncadd.s32 @!p0 $0xFFFF6000  }
0x36: {  	s31 =	simm.s32 $0x1;
	[bflag:$0x0] =	sbarrier.arrive $0xFFFF  }
0x37: {  	[hbm:s5], [sflag:s3] =	dma.local [spmem:s4], $0x2780  }
0x38: {  	_ =	swait.ge [sflag:s31], $0x2780  }
0x39: {  	[sflag:s31] =	ssyncset.done $0x0  }
0x3a: {  	[sflag:s31] =	ssyncadd.s32 $0xFFFFD880  }
.LBB2_4:
0x3b: {  	_ =	sfence.sel $0x180000  }
0x3c: {  	[bflag:$0x0] =	sbarrier.arrive $0xFFFF  }
0x3d: {  	p0 =	sne.s32 s1, $0x0;
	_ =	strace $0x9000005F  }
0x3e: {  	s0 =	sadd.s32 @!p0 $0x100000, s0;
	[bflag:$0x2] =	sbarrier.arrive $0xFFFF  }
0x3f: {  	[sflag:s0] =	ssyncadd.tile.s32 @!p0 $0x1;
	_ =	shalt  }
.Lfunc_end2:
_tile_overlayer_lowered:
.L_overlay_start_2:
0x40: {  	(tag) =	ssettag $0x2  }
0x41: {  	s0 =	rddreg [dreg:$0x0];
	s2 =	stileid.u32  }
0x42: {  	s1 =	rddreg [dreg:$0x1];
	p0 =	sne.s32 s2, $0x0  }
0x43: {  	s3 =	rddreg [dreg:$0x2];
	[bflag:$0x3] =	sbarrier.arrive $0xFFFF;
	s2 =	simm.s32 @!p0 $0x1C01  }
0x44: {  	[timem:s3], [sflag:s2] =	dma.local @!p0 [hbm:s0], s1  }
0x45: {  	s0 =	simm.s32 @!p0 $0x1  }
0x46: {  	_ =	swait.ge @!p0 [sflag:s0], s1  }
0x47: {  	s1 =	ssub.s32 @!p0 $0x0, s1;
	[sflag:s0] =	ssyncset.done @!p0 $0x0  }
0x48: {  	[sflag:s0] =	ssyncadd.s32 @!p0 s1  }
0x49: {  	[bflag:$0x3] =	sbarrier.arrive $0xFFFF  }
0x4a: {  	_ =	shalt  }

</sc_bundles>
